<compile_context>
chip_gen: v7x
topology: tpu7x:2x2x1
jax: 0.10.2.dev20260603
libtpu: 0.0.44.dev20260713+nightly
codegen_flags: <defaults>
</compile_context>

<pallas_src>
import jax
import jax.numpy as jnp
from jax import lax
from jax.experimental import pallas as pl
from jax.experimental.pallas import tpu as pltpu
from jax.experimental.pallas import tpu_sc as plsc

VOCAB = 1000000
EMB = 64
B = 4096
F = 26
L = 20

NUM_WORKERS = 32
SEGS = B * F
SEGS_PER_W = SEGS // NUM_WORKERS
CHUNK = 32
ROWS = CHUNK * L
GATHER_SPLIT = 128
N_GATHER = ROWS // GATHER_SPLIT
N_CHUNKS = SEGS_PER_W // CHUNK
EV = EMB // 16
IDX_BLK = 8


def _sc_body(x_hbm, table_hbm, out_hbm,
             idx_v, rows0, rows1, outa, outb, sem0, sem1, semoa, semob):
    nc = 2
    wid = lax.axis_index("s") * nc + lax.axis_index("c")

    def sync_idx_block(blk):
        idx_off = (wid * SEGS_PER_W + blk * IDX_BLK * CHUNK) * L
        slot = (blk % 2) * (IDX_BLK * ROWS)
        pltpu.sync_copy(x_hbm.at[pl.ds(idx_off, IDX_BLK * ROWS)],
                        idx_v.at[pl.ds(slot, IDX_BLK * ROWS)])

    def fire(itc, rows_v, sem):
        base = (itc % (2 * IDX_BLK)) * ROWS
        for j in range(N_GATHER):
            isl = pl.ds(base + j * GATHER_SPLIT, GATHER_SPLIT)
            rsl = pl.ds(j * GATHER_SPLIT, GATHER_SPLIT)
            pltpu.async_copy(table_hbm.at[idx_v.at[isl]], rows_v.at[rsl], sem)

    def drain(itc, rows_v, sem):
        base = (itc % (2 * IDX_BLK)) * ROWS
        for j in range(N_GATHER):
            isl = pl.ds(base + j * GATHER_SPLIT, GATHER_SPLIT)
            rsl = pl.ds(j * GATHER_SPLIT, GATHER_SPLIT)
            pltpu.make_async_copy(
                table_hbm.at[idx_v.at[isl]], rows_v.at[rsl], sem).wait()

    def reduce(rows_v, out_v):
        @plsc.parallel_loop(0, CHUNK, unroll=4)
        def seg_body(s):
            row0 = s * L
            for e in range(EV):
                sl = pl.ds(e * 16, 16)
                a = rows_v[row0, sl]
                b = rows_v[row0 + 1, sl]
                for l in range(2, L, 2):
                    a = a + rows_v[row0 + l, sl]
                    b = b + rows_v[row0 + l + 1, sl]
                out_v[s, sl] = a + b

    def out_start(itc, out_v, semo):
        seg_base = wid * SEGS_PER_W + itc * CHUNK
        pltpu.async_copy(out_v, out_hbm.at[pl.ds(seg_base, CHUNK)], semo)

    def out_wait(out_v, semo):
        pltpu.make_async_copy(out_v, out_hbm.at[pl.ds(0, CHUNK)], semo).wait()

    sync_idx_block(0)
    fire(0, rows0, sem0)

    def pair_body(p, carry):
        it0 = 2 * p
        it1 = 2 * p + 1
        it2 = 2 * p + 2

        fire(it1, rows1, sem1)

        @pl.when(p > 0)
        def _():
            out_wait(outa, semoa)

        drain(it0, rows0, sem0)
        reduce(rows0, outa)
        out_start(it0, outa, semoa)

        @pl.when(jnp.logical_and(it2 % IDX_BLK == 0, it2 < N_CHUNKS))
        def _():
            sync_idx_block(it2 // IDX_BLK)

        @pl.when(it2 < N_CHUNKS)
        def _():
            fire(it2, rows0, sem0)

        @pl.when(p > 0)
        def _():
            out_wait(outb, semob)

        drain(it1, rows1, sem1)
        reduce(rows1, outb)
        out_start(it1, outb, semob)
        return carry

    lax.fori_loop(0, N_CHUNKS // 2, pair_body, 0)
    out_wait(outa, semoa)
    out_wait(outb, semob)


def kernel(x, table):
    x_flat = x.reshape(-1).astype(jnp.int32)
    mesh = plsc.VectorSubcoreMesh(core_axis_name="c", subcore_axis_name="s")
    out = pl.kernel(
        _sc_body,
        out_type=jax.ShapeDtypeStruct((SEGS, EMB), jnp.float32),
        mesh=mesh,
        scratch_types=[
            pltpu.VMEM((2 * IDX_BLK * ROWS,), jnp.int32),
            pltpu.VMEM((ROWS, EMB), jnp.float32),
            pltpu.VMEM((ROWS, EMB), jnp.float32),
            pltpu.VMEM((CHUNK, EMB), jnp.float32),
            pltpu.VMEM((CHUNK, EMB), jnp.float32),
            pltpu.SemaphoreType.DMA,
            pltpu.SemaphoreType.DMA,
            pltpu.SemaphoreType.DMA,
            pltpu.SemaphoreType.DMA,
        ],
        compiler_params=pltpu.CompilerParams(use_tc_tiling_on_sc=False),
    )(x_flat, table)
    return out.reshape(B, F * EMB)

# --- scband reference (transcript-rebuilt; emitter-appended) ---
"""Pipeline reference for scband-item-embedding-module-35828617183451 (READ-ONLY COPY).

The authoritative reference and input builder live on the scoring server;
editing this copy changes nothing except your own understanding.
"""

import jax, jax.numpy as jnp
import numpy as np

VOCAB = 1000000
EMB = 64
B = 4096
F = 26
L = 20

def setup_inputs(seed: int = 0) -> dict:
    key = jax.random.key(seed)
    k1, k2 = jax.random.split(key)
    x = jax.random.randint(k1, (B, F, L), 0, VOCAB, dtype=jnp.int64) if jax.config.jax_enable_x64 else jax.random.randint(k1, (B, F, L), 0, VOCAB, dtype=jnp.int32)
    table = jax.random.normal(k2, (VOCAB, EMB), dtype=jnp.float32) * 0.01
    return {"x": x, "table": table}

def reference(x, table):
    # EmbeddingSumConcat: per-field lookup of multiple feature values,
    # sum embeddings within each field, then concat fields along last dim.
    # gather: [B, F, L, E]
    emb = jnp.take(table, x, axis=0)
    # sum within field (use_nan_fill semantics approximated by plain sum over valid ids)
    field_sum = jnp.sum(emb, axis=2)  # [B, F, E]
    out = field_sum.reshape(field_sum.shape[0], -1)  # [B, F*E]
    return out

if __name__ == "__main__":
    import jax
    _d = setup_inputs()
    print(jax.jit(kernel)(*tuple(_d.values())))

</pallas_src>

<mosaic_0001>
#map = affine_map<(d0, d1) -> (0)>
#map1 = affine_map<(d0, d1) -> (0, 0)>
module attributes {stable_mosaic.version = 14 : i64} {
  func.func @_sc_body(%arg0: i32, %arg1: i32, %arg2: memref<2129920xi32, #tpu.memory_space<hbm>>, %arg3: memref<1000000x64xf32, #tpu.memory_space<hbm>>, %arg4: memref<106496x64xf32, #tpu.memory_space<hbm>>, %arg5: memref<10240xi32, #tpu.memory_space<vmem>>, %arg6: memref<640x64xf32, #tpu.memory_space<vmem>>, %arg7: memref<640x64xf32, #tpu.memory_space<vmem>>, %arg8: memref<32x64xf32, #tpu.memory_space<vmem>>, %arg9: memref<32x64xf32, #tpu.memory_space<vmem>>, %arg10: memref<!tpu.dma_semaphore, #tpu.memory_space<semaphore_mem>>, %arg11: memref<!tpu.dma_semaphore, #tpu.memory_space<semaphore_mem>>, %arg12: memref<!tpu.dma_semaphore, #tpu.memory_space<semaphore_mem>>, %arg13: memref<!tpu.dma_semaphore, #tpu.memory_space<semaphore_mem>>) attributes {dimension_semantics = [#tpu.dimension_semantics<core_parallel>, #tpu.dimension_semantics<subcore_parallel>], iteration_bounds = array<i64: 2, 16>, scalar_prefetch = 0 : i64, scratch_operands = 9 : i64, tpu.core_type = #tpu.core_type<sc_vector_subcore>, window_params = [{transform_indices = #map}, {transform_indices = #map1}, {transform_indices = #map1}]} {
    %mul3A = arith.constant 2 : i32
    %mul3A_0 = arith.muli %arg1, %mul3A : i32
    %add3A = arith.addi %mul3A_0, %arg0 : i32
    %mul3A_1 = arith.constant 3328 : i32
    %mul3A_2 = arith.muli %add3A, %mul3A_1 : i32
    %add3A_3 = arith.constant 0 : i32
    %add3A_4 = arith.addi %mul3A_2, %add3A_3 : i32
    %mul3A_5 = arith.constant 20 : i32
    %mul3A_6 = arith.muli %add3A_4, %mul3A_5 : i32
    "tpu.region"() ({
      %run_scoped3A = tpu.sem_alloc : memref<!tpu.dma_semaphore, #tpu.memory_space<semaphore_mem>>
      %dma_start3A_62 = arith.constant 0 : i32
      %dma_start3A_63 = tpu.memref_slice %arg5[%dma_start3A_62] : memref<10240xi32, #tpu.memory_space<vmem>> -> memref<5120xi32, #tpu.memory_space<vmem>>
      %dma_start3A_64 = tpu.memref_slice %arg2[%mul3A_6] : memref<2129920xi32, #tpu.memory_space<hbm>> -> memref<5120xi32, #tpu.memory_space<hbm>>
      %dma_start3A_65 = arith.constant 0 : i32
      %dma_start3A_66 = tpu.memref_slice %arg5[%dma_start3A_65] : memref<10240xi32, #tpu.memory_space<vmem>> -> memref<5120xi32, #tpu.memory_space<vmem>>
      %dma_start3A_67 = tpu.memref_slice %arg2[%mul3A_6] : memref<2129920xi32, #tpu.memory_space<hbm>> -> memref<5120xi32, #tpu.memory_space<hbm>>
      tpu.enqueue_dma source(%dma_start3A_67 : memref<5120xi32, #tpu.memory_space<hbm>>) target(%dma_start3A_66 : memref<5120xi32, #tpu.memory_space<vmem>>) target_semaphore(%run_scoped3A : memref<!tpu.dma_semaphore, #tpu.memory_space<semaphore_mem>>)
      %dma_wait3A_68 = arith.constant 0 : i32
      %dma_wait3A_69 = tpu.memref_slice %arg5[%dma_wait3A_68] : memref<10240xi32, #tpu.memory_space<vmem>> -> memref<5120xi32, #tpu.memory_space<vmem>>
      %dma_wait3A_70 = tpu.memref_slice %arg2[%mul3A_6] : memref<2129920xi32, #tpu.memory_space<hbm>> -> memref<5120xi32, #tpu.memory_space<hbm>>
      %dma_wait3A_71 = arith.constant 0 : i32
      %dma_wait3A_72 = tpu.memref_slice %arg5[%dma_wait3A_71] : memref<10240xi32, #tpu.memory_space<vmem>> -> memref<5120xi32, #tpu.memory_space<vmem>>
      %dma_wait3A_73 = tpu.memref_slice %arg2[%mul3A_6] : memref<2129920xi32, #tpu.memory_space<hbm>> -> memref<5120xi32, #tpu.memory_space<hbm>>
      tpu.wait_dma2 semaphore(%run_scoped3A : memref<!tpu.dma_semaphore, #tpu.memory_space<semaphore_mem>>) src(%dma_wait3A_73 : memref<5120xi32, #tpu.memory_space<hbm>>) dst(%dma_wait3A_72 : memref<5120xi32, #tpu.memory_space<vmem>>)
      tpu.yield
    }) : () -> ()
    %dma_start3A = arith.constant 0 : i32
    %dma_start3A_7 = arith.constant 0 : i32
    %dma_start3A_8 = tpu.memref_slice %arg6[%dma_start3A, %dma_start3A_7] : memref<640x64xf32, #tpu.memory_space<vmem>> -> memref<128x64xf32, #tpu.memory_space<vmem>>
    %dma_start3A_9 = arith.constant 0 : i32
    %dma_start3A_10 = tpu.memref_slice %arg5[%dma_start3A_9] : memref<10240xi32, #tpu.memory_space<vmem>> -> memref<128xi32, #tpu.memory_space<vmem>>
    %dma_start3A_11 = arith.constant 0 : i32
    %dma_start3A_12 = arith.constant 0 : i32
    %dma_start3A_13 = tpu.memref_slice %arg3[%dma_start3A_11, %dma_start3A_12] : memref<1000000x64xf32, #tpu.memory_space<hbm>> -> memref<1000000x64xf32, #tpu.memory_space<hbm>>
    tpu.enqueue_indirect_dma source(%dma_start3A_13 : memref<1000000x64xf32, #tpu.memory_space<hbm>>) target(%dma_start3A_8 : memref<128x64xf32, #tpu.memory_space<vmem>>) offsets(%dma_start3A_10 : memref<128xi32, #tpu.memory_space<vmem>>) semaphore(%arg10 : memref<!tpu.dma_semaphore, #tpu.memory_space<semaphore_mem>>)
    %dma_start3A_14 = arith.constant 128 : i32
    %dma_start3A_15 = arith.constant 0 : i32
    %dma_start3A_16 = tpu.memref_slice %arg6[%dma_start3A_14, %dma_start3A_15] : memref<640x64xf32, #tpu.memory_space<vmem>> -> memref<128x64xf32, #tpu.memory_space<vmem>>
    %dma_start3A_17 = arith.constant 128 : i32
    %dma_start3A_18 = tpu.memref_slice %arg5[%dma_start3A_17] : memref<10240xi32, #tpu.memory_space<vmem>> -> memref<128xi32, #tpu.memory_space<vmem>>
    %dma_start3A_19 = arith.constant 0 : i32
    %dma_start3A_20 = arith.constant 0 : i32
    %dma_start3A_21 = tpu.memref_slice %arg3[%dma_start3A_19, %dma_start3A_20] : memref<1000000x64xf32, #tpu.memory_space<hbm>> -> memref<1000000x64xf32, #tpu.memory_space<hbm>>
    tpu.enqueue_indirect_dma source(%dma_start3A_21 : memref<1000000x64xf32, #tpu.memory_space<hbm>>) target(%dma_start3A_16 : memref<128x64xf32, #tpu.memory_space<vmem>>) offsets(%dma_start3A_18 : memref<128xi32, #tpu.memory_space<vmem>>) semaphore(%arg10 : memref<!tpu.dma_semaphore, #tpu.memory_space<semaphore_mem>>)
    %dma_start3A_22 = arith.constant 256 : i32
    %dma_start3A_23 = arith.constant 0 : i32
    %dma_start3A_24 = tpu.memref_slice %arg6[%dma_start3A_22, %dma_start3A_23] : memref<640x64xf32, #tpu.memory_space<vmem>> -> memref<128x64xf32, #tpu.memory_space<vmem>>
    %dma_start3A_25 = arith.constant 256 : i32
    %dma_start3A_26 = tpu.memref_slice %arg5[%dma_start3A_25] : memref<10240xi32, #tpu.memory_space<vmem>> -> memref<128xi32, #tpu.memory_space<vmem>>
    %dma_start3A_27 = arith.constant 0 : i32
    %dma_start3A_28 = arith.constant 0 : i32
    %dma_start3A_29 = tpu.memref_slice %arg3[%dma_start3A_27, %dma_start3A_28] : memref<1000000x64xf32, #tpu.memory_space<hbm>> -> memref<1000000x64xf32, #tpu.memory_space<hbm>>
    tpu.enqueue_indirect_dma source(%dma_start3A_29 : memref<1000000x64xf32, #tpu.memory_space<hbm>>) target(%dma_start3A_24 : memref<128x64xf32, #tpu.memory_space<vmem>>) offsets(%dma_start3A_26 : memref<128xi32, #tpu.memory_space<vmem>>) semaphore(%arg10 : memref<!tpu.dma_semaphore, #tpu.memory_space<semaphore_mem>>)
    %dma_start3A_30 = arith.constant 384 : i32
    %dma_start3A_31 = arith.constant 0 : i32
    %dma_start3A_32 = tpu.memref_slice %arg6[%dma_start3A_30, %dma_start3A_31] : memref<640x64xf32, #tpu.memory_space<vmem>> -> memref<128x64xf32, #tpu.memory_space<vmem>>
    %dma_start3A_33 = arith.constant 384 : i32
    %dma_start3A_34 = tpu.memref_slice %arg5[%dma_start3A_33] : memref<10240xi32, #tpu.memory_space<vmem>> -> memref<128xi32, #tpu.memory_space<vmem>>
    %dma_start3A_35 = arith.constant 0 : i32
    %dma_start3A_36 = arith.constant 0 : i32
    %dma_start3A_37 = tpu.memref_slice %arg3[%dma_start3A_35, %dma_start3A_36] : memref<1000000x64xf32, #tpu.memory_space<hbm>> -> memref<1000000x64xf32, #tpu.memory_space<hbm>>
    tpu.enqueue_indirect_dma source(%dma_start3A_37 : memref<1000000x64xf32, #tpu.memory_space<hbm>>) target(%dma_start3A_32 : memref<128x64xf32, #tpu.memory_space<vmem>>) offsets(%dma_start3A_34 : memref<128xi32, #tpu.memory_space<vmem>>) semaphore(%arg10 : memref<!tpu.dma_semaphore, #tpu.memory_space<semaphore_mem>>)
    %dma_start3A_38 = arith.constant 512 : i32
    %dma_start3A_39 = arith.constant 0 : i32
    %dma_start3A_40 = tpu.memref_slice %arg6[%dma_start3A_38, %dma_start3A_39] : memref<640x64xf32, #tpu.memory_space<vmem>> -> memref<128x64xf32, #tpu.memory_space<vmem>>
    %dma_start3A_41 = arith.constant 512 : i32
    %dma_start3A_42 = tpu.memref_slice %arg5[%dma_start3A_41] : memref<10240xi32, #tpu.memory_space<vmem>> -> memref<128xi32, #tpu.memory_space<vmem>>
    %dma_start3A_43 = arith.constant 0 : i32
    %dma_start3A_44 = arith.constant 0 : i32
    %dma_start3A_45 = tpu.memref_slice %arg3[%dma_start3A_43, %dma_start3A_44] : memref<1000000x64xf32, #tpu.memory_space<hbm>> -> memref<1000000x64xf32, #tpu.memory_space<hbm>>
    tpu.enqueue_indirect_dma source(%dma_start3A_45 : memref<1000000x64xf32, #tpu.memory_space<hbm>>) target(%dma_start3A_40 : memref<128x64xf32, #tpu.memory_space<vmem>>) offsets(%dma_start3A_42 : memref<128xi32, #tpu.memory_space<vmem>>) semaphore(%arg10 : memref<!tpu.dma_semaphore, #tpu.memory_space<semaphore_mem>>)
    %scan3A = arith.constant 0 : i32
    %scan3A_46 = arith.constant 0 : i32
    %scan3A_47 = arith.constant 52 : i32
    %scan3A_48 = arith.addi %scan3A_46, %scan3A_47 : i32
    %scan3A_49 = arith.constant 1 : i32
    scf.for %scan3A_62 = %scan3A_46 to %scan3A_48 step %scan3A_49  : i32 {
      %mul3A_63 = arith.constant 2 : i32
      %mul3A_64 = arith.muli %mul3A_63, %scan3A_62 : i32
      %mul3A_65 = arith.constant 2 : i32
      %mul3A_66 = arith.muli %mul3A_65, %scan3A_62 : i32
      %add3A_67 = arith.constant 1 : i32
      %add3A_68 = arith.addi %mul3A_66, %add3A_67 : i32
      %mul3A_69 = arith.constant 2 : i32
      %mul3A_70 = arith.muli %mul3A_69, %scan3A_62 : i32
      %add3A_71 = arith.constant 2 : i32
      %add3A_72 = arith.addi %mul3A_70, %add3A_71 : i32
      %jit3A = arith.constant 16 : i32
      %eq3A = arith.constant 0 : i32
      %eq3A_73 = arith.cmpi eq, %jit3A, %eq3A : i32
      %jit3A_74 = arith.constant 1 : i32
      %select_n3A = arith.select %eq3A_73, %jit3A_74, %jit3A : i32
      %rem3A = arith.remsi %add3A_68, %select_n3A : i32
      %ne3A = arith.constant 0 : i32
      %ne3A_75 = arith.cmpi ne, %rem3A, %ne3A : i32
      %lt3A = arith.constant 0 : i32
      %lt3A_76 = arith.cmpi slt, %rem3A, %lt3A : i32
      %lt3A_77 = arith.constant 0 : i32
      %lt3A_78 = arith.cmpi slt, %select_n3A, %lt3A_77 : i32
      %ne3A_79 = arith.xori %lt3A_76, %lt3A_78 : i1
      %and3A = arith.andi %ne3A_79, %ne3A_75 : i1
      %add3A_80 = arith.addi %rem3A, %select_n3A : i32
      %select_n3A_81 = arith.select %and3A, %add3A_80, %rem3A : i32
      %mul3A_82 = arith.constant 640 : i32
      %mul3A_83 = arith.muli %select_n3A_81, %mul3A_82 : i32
      %add3A_84 = arith.constant 0 : i32
      %add3A_85 = arith.addi %mul3A_83, %add3A_84 : i32
      %dma_start3A_86 = arith.constant 0 : i32
      %dma_start3A_87 = arith.constant 0 : i32
      %dma_start3A_88 = tpu.memref_slice %arg7[%dma_start3A_86, %dma_start3A_87] : memref<640x64xf32, #tpu.memory_space<vmem>> -> memref<128x64xf32, #tpu.memory_space<vmem>>
      %dma_start3A_89 = tpu.memref_slice %arg5[%add3A_85] : memref<10240xi32, #tpu.memory_space<vmem>> -> memref<128xi32, #tpu.memory_space<vmem>>
      %dma_start3A_90 = arith.constant 0 : i32
      %dma_start3A_91 = arith.constant 0 : i32
      %dma_start3A_92 = tpu.memref_slice %arg3[%dma_start3A_90, %dma_start3A_91] : memref<1000000x64xf32, #tpu.memory_space<hbm>> -> memref<1000000x64xf32, #tpu.memory_space<hbm>>
      tpu.enqueue_indirect_dma source(%dma_start3A_92 : memref<1000000x64xf32, #tpu.memory_space<hbm>>) target(%dma_start3A_88 : memref<128x64xf32, #tpu.memory_space<vmem>>) offsets(%dma_start3A_89 : memref<128xi32, #tpu.memory_space<vmem>>) semaphore(%arg11 : memref<!tpu.dma_semaphore, #tpu.memory_space<semaphore_mem>>)
      %add3A_93 = arith.constant 128 : i32
      %add3A_94 = arith.addi %mul3A_83, %add3A_93 : i32
      %dma_start3A_95 = arith.constant 128 : i32
      %dma_start3A_96 = arith.constant 0 : i32
      %dma_start3A_97 = tpu.memref_slice %arg7[%dma_start3A_95, %dma_start3A_96] : memref<640x64xf32, #tpu.memory_space<vmem>> -> memref<128x64xf32, #tpu.memory_space<vmem>>
      %dma_start3A_98 = tpu.memref_slice %arg5[%add3A_94] : memref<10240xi32, #tpu.memory_space<vmem>> -> memref<128xi32, #tpu.memory_space<vmem>>
      %dma_start3A_99 = arith.constant 0 : i32
      %dma_start3A_100 = arith.constant 0 : i32
      %dma_start3A_101 = tpu.memref_slice %arg3[%dma_start3A_99, %dma_start3A_100] : memref<1000000x64xf32, #tpu.memory_space<hbm>> -> memref<1000000x64xf32, #tpu.memory_space<hbm>>
      tpu.enqueue_indirect_dma source(%dma_start3A_101 : memref<1000000x64xf32, #tpu.memory_space<hbm>>) target(%dma_start3A_97 : memref<128x64xf32, #tpu.memory_space<vmem>>) offsets(%dma_start3A_98 : memref<128xi32, #tpu.memory_space<vmem>>) semaphore(%arg11 : memref<!tpu.dma_semaphore, #tpu.memory_space<semaphore_mem>>)
      %add3A_102 = arith.constant 256 : i32
      %add3A_103 = arith.addi %mul3A_83, %add3A_102 : i32
      %dma_start3A_104 = arith.constant 256 : i32
      %dma_start3A_105 = arith.constant 0 : i32
      %dma_start3A_106 = tpu.memref_slice %arg7[%dma_start3A_104, %dma_start3A_105] : memref<640x64xf32, #tpu.memory_space<vmem>> -> memref<128x64xf32, #tpu.memory_space<vmem>>
      %dma_start3A_107 = tpu.memref_slice %arg5[%add3A_103] : memref<10240xi32, #tpu.memory_space<vmem>> -> memref<128xi32, #tpu.memory_space<vmem>>
      %dma_start3A_108 = arith.constant 0 : i32
      %dma_start3A_109 = arith.constant 0 : i32
      %dma_start3A_110 = tpu.memref_slice %arg3[%dma_start3A_108, %dma_start3A_109] : memref<1000000x64xf32, #tpu.memory_space<hbm>> -> memref<1000000x64xf32, #tpu.memory_space<hbm>>
      tpu.enqueue_indirect_dma source(%dma_start3A_110 : memref<1000000x64xf32, #tpu.memory_space<hbm>>) target(%dma_start3A_106 : memref<128x64xf32, #tpu.memory_space<vmem>>) offsets(%dma_start3A_107 : memref<128xi32, #tpu.memory_space<vmem>>) semaphore(%arg11 : memref<!tpu.dma_semaphore, #tpu.memory_space<semaphore_mem>>)
      %add3A_111 = arith.constant 384 : i32
      %add3A_112 = arith.addi %mul3A_83, %add3A_111 : i32
      %dma_start3A_113 = arith.constant 384 : i32
      %dma_start3A_114 = arith.constant 0 : i32
      %dma_start3A_115 = tpu.memref_slice %arg7[%dma_start3A_113, %dma_start3A_114] : memref<640x64xf32, #tpu.memory_space<vmem>> -> memref<128x64xf32, #tpu.memory_space<vmem>>
      %dma_start3A_116 = tpu.memref_slice %arg5[%add3A_112] : memref<10240xi32, #tpu.memory_space<vmem>> -> memref<128xi32, #tpu.memory_space<vmem>>
      %dma_start3A_117 = arith.constant 0 : i32
      %dma_start3A_118 = arith.constant 0 : i32
      %dma_start3A_119 = tpu.memref_slice %arg3[%dma_start3A_117, %dma_start3A_118] : memref<1000000x64xf32, #tpu.memory_space<hbm>> -> memref<1000000x64xf32, #tpu.memory_space<hbm>>
      tpu.enqueue_indirect_dma source(%dma_start3A_119 : memref<1000000x64xf32, #tpu.memory_space<hbm>>) target(%dma_start3A_115 : memref<128x64xf32, #tpu.memory_space<vmem>>) offsets(%dma_start3A_116 : memref<128xi32, #tpu.memory_space<vmem>>) semaphore(%arg11 : memref<!tpu.dma_semaphore, #tpu.memory_space<semaphore_mem>>)
      %add3A_120 = arith.constant 512 : i32
      %add3A_121 = arith.addi %mul3A_83, %add3A_120 : i32
      %dma_start3A_122 = arith.constant 512 : i32
      %dma_start3A_123 = arith.constant 0 : i32
      %dma_start3A_124 = tpu.memref_slice %arg7[%dma_start3A_122, %dma_start3A_123] : memref<640x64xf32, #tpu.memory_space<vmem>> -> memref<128x64xf32, #tpu.memory_space<vmem>>
      %dma_start3A_125 = tpu.memref_slice %arg5[%add3A_121] : memref<10240xi32, #tpu.memory_space<vmem>> -> memref<128xi32, #tpu.memory_space<vmem>>
      %dma_start3A_126 = arith.constant 0 : i32
      %dma_start3A_127 = arith.constant 0 : i32
      %dma_start3A_128 = tpu.memref_slice %arg3[%dma_start3A_126, %dma_start3A_127] : memref<1000000x64xf32, #tpu.memory_space<hbm>> -> memref<1000000x64xf32, #tpu.memory_space<hbm>>
      tpu.enqueue_indirect_dma source(%dma_start3A_128 : memref<1000000x64xf32, #tpu.memory_space<hbm>>) target(%dma_start3A_124 : memref<128x64xf32, #tpu.memory_space<vmem>>) offsets(%dma_start3A_125 : memref<128xi32, #tpu.memory_space<vmem>>) semaphore(%arg11 : memref<!tpu.dma_semaphore, #tpu.memory_space<semaphore_mem>>)
      %gt3A = arith.constant 0 : i32
      %gt3A_129 = arith.cmpi sgt, %scan3A_62, %gt3A : i32
      %convert_element_type3A = arith.extui %gt3A_129 : i1 to i32
      %cond3A = arith.constant 0 : i32
      %cond3A_130 = arith.cmpi ne, %convert_element_type3A, %cond3A : i32
      scf.if %cond3A_130 {
        %dma_wait3A_314 = arith.constant 0 : i32
        %dma_wait3A_315 = arith.constant 0 : i32
        %dma_wait3A_316 = tpu.memref_slice %arg4[%dma_wait3A_314, %dma_wait3A_315] : memref<106496x64xf32, #tpu.memory_space<hbm>> -> memref<32x64xf32, #tpu.memory_space<hbm>>
        %dma_wait3A_317 = arith.constant 0 : i32
        %dma_wait3A_318 = arith.constant 0 : i32
        %dma_wait3A_319 = tpu.memref_slice %arg4[%dma_wait3A_317, %dma_wait3A_318] : memref<106496x64xf32, #tpu.memory_space<hbm>> -> memref<32x64xf32, #tpu.memory_space<hbm>>
        tpu.wait_dma2 semaphore(%arg12 : memref<!tpu.dma_semaphore, #tpu.memory_space<semaphore_mem>>) src(%arg8 : memref<32x64xf32, #tpu.memory_space<vmem>>) dst(%dma_wait3A_319 : memref<32x64xf32, #tpu.memory_space<hbm>>)
      } else {
      }
      %jit3A_131 = arith.constant 16 : i32
      %eq3A_132 = arith.constant 0 : i32
      %eq3A_133 = arith.cmpi eq, %jit3A_131, %eq3A_132 : i32
      %jit3A_134 = arith.constant 1 : i32
      %select_n3A_135 = arith.select %eq3A_133, %jit3A_134, %jit3A_131 : i32
      %rem3A_136 = arith.remsi %mul3A_64, %select_n3A_135 : i32
      %ne3A_137 = arith.constant 0 : i32
      %ne3A_138 = arith.cmpi ne, %rem3A_136, %ne3A_137 : i32
      %lt3A_139 = arith.constant 0 : i32
      %lt3A_140 = arith.cmpi slt, %rem3A_136, %lt3A_139 : i32
      %lt3A_141 = arith.constant 0 : i32
      %lt3A_142 = arith.cmpi slt, %select_n3A_135, %lt3A_141 : i32
      %ne3A_143 = arith.xori %lt3A_140, %lt3A_142 : i1
      %and3A_144 = arith.andi %ne3A_143, %ne3A_138 : i1
      %add3A_145 = arith.addi %rem3A_136, %select_n3A_135 : i32
      %select_n3A_146 = arith.select %and3A_144, %add3A_145, %rem3A_136 : i32
      %mul3A_147 = arith.constant 640 : i32
      %mul3A_148 = arith.muli %select_n3A_146, %mul3A_147 : i32
      %add3A_149 = arith.constant 0 : i32
      %add3A_150 = arith.addi %mul3A_148, %add3A_149 : i32
      %dma_wait3A_151 = arith.constant 0 : i32
      %dma_wait3A_152 = arith.constant 0 : i32
      %dma_wait3A_153 = tpu.memref_slice %arg6[%dma_wait3A_151, %dma_wait3A_152] : memref<640x64xf32, #tpu.memory_space<vmem>> -> memref<128x64xf32, #tpu.memory_space<vmem>>
      %dma_wait3A_154 = tpu.memref_slice %arg5[%add3A_150] : memref<10240xi32, #tpu.memory_space<vmem>> -> memref<128xi32, #tpu.memory_space<vmem>>
      %dma_wait3A_155 = arith.constant 0 : i32
      %dma_wait3A_156 = arith.constant 0 : i32
      %dma_wait3A_157 = tpu.memref_slice %arg3[%dma_wait3A_155, %dma_wait3A_156] : memref<1000000x64xf32, #tpu.memory_space<hbm>> -> memref<1000000x64xf32, #tpu.memory_space<hbm>>
      tpu.wait_indirect_dma semaphore(%arg10 : memref<!tpu.dma_semaphore, #tpu.memory_space<semaphore_mem>>) src(%dma_wait3A_157 : memref<1000000x64xf32, #tpu.memory_space<hbm>>) dst(%dma_wait3A_153 : memref<128x64xf32, #tpu.memory_space<vmem>>)
      %add3A_158 = arith.constant 128 : i32
      %add3A_159 = arith.addi %mul3A_148, %add3A_158 : i32
      %dma_wait3A_160 = arith.constant 128 : i32
      %dma_wait3A_161 = arith.constant 0 : i32
      %dma_wait3A_162 = tpu.memref_slice %arg6[%dma_wait3A_160, %dma_wait3A_161] : memref<640x64xf32, #tpu.memory_space<vmem>> -> memref<128x64xf32, #tpu.memory_space<vmem>>
      %dma_wait3A_163 = tpu.memref_slice %arg5[%add3A_159] : memref<10240xi32, #tpu.memory_space<vmem>> -> memref<128xi32, #tpu.memory_space<vmem>>
      %dma_wait3A_164 = arith.constant 0 : i32
      %dma_wait3A_165 = arith.constant 0 : i32
      %dma_wait3A_166 = tpu.memref_slice %arg3[%dma_wait3A_164, %dma_wait3A_165] : memref<1000000x64xf32, #tpu.memory_space<hbm>> -> memref<1000000x64xf32, #tpu.memory_space<hbm>>
      tpu.wait_indirect_dma semaphore(%arg10 : memref<!tpu.dma_semaphore, #tpu.memory_space<semaphore_mem>>) src(%dma_wait3A_166 : memref<1000000x64xf32, #tpu.memory_space<hbm>>) dst(%dma_wait3A_162 : memref<128x64xf32, #tpu.memory_space<vmem>>)
      %add3A_167 = arith.constant 256 : i32
      %add3A_168 = arith.addi %mul3A_148, %add3A_167 : i32
      %dma_wait3A_169 = arith.constant 256 : i32
      %dma_wait3A_170 = arith.constant 0 : i32
      %dma_wait3A_171 = tpu.memref_slice %arg6[%dma_wait3A_169, %dma_wait3A_170] : memref<640x64xf32, #tpu.memory_space<vmem>> -> memref<128x64xf32, #tpu.memory_space<vmem>>
      %dma_wait3A_172 = tpu.memref_slice %arg5[%add3A_168] : memref<10240xi32, #tpu.memory_space<vmem>> -> memref<128xi32, #tpu.memory_space<vmem>>
      %dma_wait3A_173 = arith.constant 0 : i32
      %dma_wait3A_174 = arith.constant 0 : i32
      %dma_wait3A_175 = tpu.memref_slice %arg3[%dma_wait3A_173, %dma_wait3A_174] : memref<1000000x64xf32, #tpu.memory_space<hbm>> -> memref<1000000x64xf32, #tpu.memory_space<hbm>>
      tpu.wait_indirect_dma semaphore(%arg10 : memref<!tpu.dma_semaphore, #tpu.memory_space<semaphore_mem>>) src(%dma_wait3A_175 : memref<1000000x64xf32, #tpu.memory_space<hbm>>) dst(%dma_wait3A_171 : memref<128x64xf32, #tpu.memory_space<vmem>>)
      %add3A_176 = arith.constant 384 : i32
      %add3A_177 = arith.addi %mul3A_148, %add3A_176 : i32
      %dma_wait3A_178 = arith.constant 384 : i32
      %dma_wait3A_179 = arith.constant 0 : i32
      %dma_wait3A_180 = tpu.memref_slice %arg6[%dma_wait3A_178, %dma_wait3A_179] : memref<640x64xf32, #tpu.memory_space<vmem>> -> memref<128x64xf32, #tpu.memory_space<vmem>>
      %dma_wait3A_181 = tpu.memref_slice %arg5[%add3A_177] : memref<10240xi32, #tpu.memory_space<vmem>> -> memref<128xi32, #tpu.memory_space<vmem>>
      %dma_wait3A_182 = arith.constant 0 : i32
      %dma_wait3A_183 = arith.constant 0 : i32
      %dma_wait3A_184 = tpu.memref_slice %arg3[%dma_wait3A_182, %dma_wait3A_183] : memref<1000000x64xf32, #tpu.memory_space<hbm>> -> memref<1000000x64xf32, #tpu.memory_space<hbm>>
      tpu.wait_indirect_dma semaphore(%arg10 : memref<!tpu.dma_semaphore, #tpu.memory_space<semaphore_mem>>) src(%dma_wait3A_184 : memref<1000000x64xf32, #tpu.memory_space<hbm>>) dst(%dma_wait3A_180 : memref<128x64xf32, #tpu.memory_space<vmem>>)
      %add3A_185 = arith.constant 512 : i32
      %add3A_186 = arith.addi %mul3A_148, %add3A_185 : i32
      %dma_wait3A_187 = arith.constant 512 : i32
      %dma_wait3A_188 = arith.constant 0 : i32
      %dma_wait3A_189 = tpu.memref_slice %arg6[%dma_wait3A_187, %dma_wait3A_188] : memref<640x64xf32, #tpu.memory_space<vmem>> -> memref<128x64xf32, #tpu.memory_space<vmem>>
      %dma_wait3A_190 = tpu.memref_slice %arg5[%add3A_186] : memref<10240xi32, #tpu.memory_space<vmem>> -> memref<128xi32, #tpu.memory_space<vmem>>
      %dma_wait3A_191 = arith.constant 0 : i32
      %dma_wait3A_192 = arith.constant 0 : i32
      %dma_wait3A_193 = tpu.memref_slice %arg3[%dma_wait3A_191, %dma_wait3A_192] : memref<1000000x64xf32, #tpu.memory_space<hbm>> -> memref<1000000x64xf32, #tpu.memory_space<hbm>>
      tpu.wait_indirect_dma semaphore(%arg10 : memref<!tpu.dma_semaphore, #tpu.memory_space<semaphore_mem>>) src(%dma_wait3A_193 : memref<1000000x64xf32, #tpu.memory_space<hbm>>) dst(%dma_wait3A_189 : memref<128x64xf32, #tpu.memory_space<vmem>>)
      %parallel_loop3A = arith.constant 0 : i32
      %parallel_loop3A_194 = arith.constant 32 : i32
      %parallel_loop3A_195 = arith.constant 1 : i32
      scf.for %parallel_loop3A_314 = %parallel_loop3A to %parallel_loop3A_194 step %parallel_loop3A_195  : i32 {
        %parallel_loop3A_315 = arith.constant 20 : i32
        %parallel_loop3A_316 = arith.muli %parallel_loop3A_314, %parallel_loop3A_315 : i32
        %parallel_loop3A_317 = arith.index_cast %parallel_loop3A_316 : i32 to index
        %parallel_loop3A_318 = arith.constant 0 : index
        %parallel_loop3A_319 = tpu.vector_load %arg6[%parallel_loop3A_317, %parallel_loop3A_318] {strides = array<i32>} : memref<640x64xf32, #tpu.memory_space<vmem>>, vector<1x16xf32>,
        %parallel_loop3A_320 = vector.shape_cast %parallel_loop3A_319 : vector<1x16xf32> to vector<16xf32>
        %parallel_loop3A_321 = arith.constant 1 : i32
        %parallel_loop3A_322 = arith.addi %parallel_loop3A_316, %parallel_loop3A_321 : i32
        %parallel_loop3A_323 = arith.index_cast %parallel_loop3A_322 : i32 to index
        %parallel_loop3A_324 = arith.constant 0 : index
        %parallel_loop3A_325 = tpu.vector_load %arg6[%parallel_loop3A_323, %parallel_loop3A_324] {strides = array<i32>} : memref<640x64xf32, #tpu.memory_space<vmem>>, vector<1x16xf32>,
        %parallel_loop3A_326 = vector.shape_cast %parallel_loop3A_325 : vector<1x16xf32> to vector<16xf32>
        %parallel_loop3A_327 = arith.constant 2 : i32
        %parallel_loop3A_328 = arith.addi %parallel_loop3A_316, %parallel_loop3A_327 : i32
        %parallel_loop3A_329 = arith.index_cast %parallel_loop3A_328 : i32 to index
        %parallel_loop3A_330 = arith.constant 0 : index
        %parallel_loop3A_331 = tpu.vector_load %arg6[%parallel_loop3A_329, %parallel_loop3A_330] {strides = array<i32>} : memref<640x64xf32, #tpu.memory_space<vmem>>, vector<1x16xf32>,
        %parallel_loop3A_332 = vector.shape_cast %parallel_loop3A_331 : vector<1x16xf32> to vector<16xf32>
        %parallel_loop3A_333 = arith.addf %parallel_loop3A_320, %parallel_loop3A_332 : vector<16xf32>
        %parallel_loop3A_334 = arith.constant 2 : i32
        %parallel_loop3A_335 = arith.addi %parallel_loop3A_316, %parallel_loop3A_334 : i32
        %parallel_loop3A_336 = arith.constant 1 : i32
        %parallel_loop3A_337 = arith.addi %parallel_loop3A_335, %parallel_loop3A_336 : i32
        %parallel_loop3A_338 = arith.index_cast %parallel_loop3A_337 : i32 to index
        %parallel_loop3A_339 = arith.constant 0 : index
        %parallel_loop3A_340 = tpu.vector_load %arg6[%parallel_loop3A_338, %parallel_loop3A_339] {strides = array<i32>} : memref<640x64xf32, #tpu.memory_space<vmem>>, vector<1x16xf32>,
        %parallel_loop3A_341 = vector.shape_cast %parallel_loop3A_340 : vector<1x16xf32> to vector<16xf32>
        %parallel_loop3A_342 = arith.addf %parallel_loop3A_326, %parallel_loop3A_341 : vector<16xf32>
        %parallel_loop3A_343 = arith.constant 4 : i32
        %parallel_loop3A_344 = arith.addi %parallel_loop3A_316, %parallel_loop3A_343 : i32
        %parallel_loop3A_345 = arith.index_cast %parallel_loop3A_344 : i32 to index
        %parallel_loop3A_346 = arith.constant 0 : index
        %parallel_loop3A_347 = tpu.vector_load %arg6[%parallel_loop3A_345, %parallel_loop3A_346] {strides = array<i32>} : memref<640x64xf32, #tpu.memory_space<vmem>>, vector<1x16xf32>,
        %parallel_loop3A_348 = vector.shape_cast %parallel_loop3A_347 : vector<1x16xf32> to vector<16xf32>
        %parallel_loop3A_349 = arith.addf %parallel_loop3A_333, %parallel_loop3A_348 : vector<16xf32>
        %parallel_loop3A_350 = arith.constant 4 : i32
        %parallel_loop3A_351 = arith.addi %parallel_loop3A_316, %parallel_loop3A_350 : i32
        %parallel_loop3A_352 = arith.constant 1 : i32
        %parallel_loop3A_353 = arith.addi %parallel_loop3A_351, %parallel_loop3A_352 : i32
        %parallel_loop3A_354 = arith.index_cast %parallel_loop3A_353 : i32 to index
        %parallel_loop3A_355 = arith.constant 0 : index
        %parallel_loop3A_356 = tpu.vector_load %arg6[%parallel_loop3A_354, %parallel_loop3A_355] {strides = array<i32>} : memref<640x64xf32, #tpu.memory_space<vmem>>, vector<1x16xf32>,
        %parallel_loop3A_357 = vector.shape_cast %parallel_loop3A_356 : vector<1x16xf32> to vector<16xf32>
        %parallel_loop3A_358 = arith.addf %parallel_loop3A_342, %parallel_loop3A_357 : vector<16xf32>
        %parallel_loop3A_359 = arith.constant 6 : i32
        %parallel_loop3A_360 = arith.addi %parallel_loop3A_316, %parallel_loop3A_359 : i32
        %parallel_loop3A_361 = arith.index_cast %parallel_loop3A_360 : i32 to index
        %parallel_loop3A_362 = arith.constant 0 : index
        %parallel_loop3A_363 = tpu.vector_load %arg6[%parallel_loop3A_361, %parallel_loop3A_362] {strides = array<i32>} : memref<640x64xf32, #tpu.memory_space<vmem>>, vector<1x16xf32>,
        %parallel_loop3A_364 = vector.shape_cast %parallel_loop3A_363 : vector<1x16xf32> to vector<16xf32>
        %parallel_loop3A_365 = arith.addf %parallel_loop3A_349, %parallel_loop3A_364 : vector<16xf32>
        %parallel_loop3A_366 = arith.constant 6 : i32
        %parallel_loop3A_367 = arith.addi %parallel_loop3A_316, %parallel_loop3A_366 : i32
        %parallel_loop3A_368 = arith.constant 1 : i32
        %parallel_loop3A_369 = arith.addi %parallel_loop3A_367, %parallel_loop3A_368 : i32
        %parallel_loop3A_370 = arith.index_cast %parallel_loop3A_369 : i32 to index
        %parallel_loop3A_371 = arith.constant 0 : index
        %parallel_loop3A_372 = tpu.vector_load %arg6[%parallel_loop3A_370, %parallel_loop3A_371] {strides = array<i32>} : memref<640x64xf32, #tpu.memory_space<vmem>>, vector<1x16xf32>,
        %parallel_loop3A_373 = vector.shape_cast %parallel_loop3A_372 : vector<1x16xf32> to vector<16xf32>
        %parallel_loop3A_374 = arith.addf %parallel_loop3A_358, %parallel_loop3A_373 : vector<16xf32>
        %parallel_loop3A_375 = arith.constant 8 : i32
        %parallel_loop3A_376 = arith.addi %parallel_loop3A_316, %parallel_loop3A_375 : i32
        %parallel_loop3A_377 = arith.index_cast %parallel_loop3A_376 : i32 to index
        %parallel_loop3A_378 = arith.constant 0 : index
        %parallel_loop3A_379 = tpu.vector_load %arg6[%parallel_loop3A_377, %parallel_loop3A_378] {strides = array<i32>} : memref<640x64xf32, #tpu.memory_space<vmem>>, vector<1x16xf32>,
        %parallel_loop3A_380 = vector.shape_cast %parallel_loop3A_379 : vector<1x16xf32> to vector<16xf32>
        %parallel_loop3A_381 = arith.addf %parallel_loop3A_365, %parallel_loop3A_380 : vector<16xf32>
        %parallel_loop3A_382 = arith.constant 8 : i32
        %parallel_loop3A_383 = arith.addi %parallel_loop3A_316, %parallel_loop3A_382 : i32
        %parallel_loop3A_384 = arith.constant 1 : i32
        %parallel_loop3A_385 = arith.addi %parallel_loop3A_383, %parallel_loop3A_384 : i32
        %parallel_loop3A_386 = arith.index_cast %parallel_loop3A_385 : i32 to index
        %parallel_loop3A_387 = arith.constant 0 : index
        %parallel_loop3A_388 = tpu.vector_load %arg6[%parallel_loop3A_386, %parallel_loop3A_387] {strides = array<i32>} : memref<640x64xf32, #tpu.memory_space<vmem>>, vector<1x16xf32>,
        %parallel_loop3A_389 = vector.shape_cast %parallel_loop3A_388 : vector<1x16xf32> to vector<16xf32>
        %parallel_loop3A_390 = arith.addf %parallel_loop3A_374, %parallel_loop3A_389 : vector<16xf32>
        %parallel_loop3A_391 = arith.constant 10 : i32
        %parallel_loop3A_392 = arith.addi %parallel_loop3A_316, %parallel_loop3A_391 : i32
        %parallel_loop3A_393 = arith.index_cast %parallel_loop3A_392 : i32 to index
        %parallel_loop3A_394 = arith.constant 0 : index
        %parallel_loop3A_395 = tpu.vector_load %arg6[%parallel_loop3A_393, %parallel_loop3A_394] {strides = array<i32>} : memref<640x64xf32, #tpu.memory_space<vmem>>, vector<1x16xf32>,
        %parallel_loop3A_396 = vector.shape_cast %parallel_loop3A_395 : vector<1x16xf32> to vector<16xf32>
        %parallel_loop3A_397 = arith.addf %parallel_loop3A_381, %parallel_loop3A_396 : vector<16xf32>
        %parallel_loop3A_398 = arith.constant 10 : i32
        %parallel_loop3A_399 = arith.addi %parallel_loop3A_316, %parallel_loop3A_398 : i32
        %parallel_loop3A_400 = arith.constant 1 : i32
        %parallel_loop3A_401 = arith.addi %parallel_loop3A_399, %parallel_loop3A_400 : i32
        %parallel_loop3A_402 = arith.index_cast %parallel_loop3A_401 : i32 to index
        %parallel_loop3A_403 = arith.constant 0 : index
        %parallel_loop3A_404 = tpu.vector_load %arg6[%parallel_loop3A_402, %parallel_loop3A_403] {strides = array<i32>} : memref<640x64xf32, #tpu.memory_space<vmem>>, vector<1x16xf32>,
        %parallel_loop3A_405 = vector.shape_cast %parallel_loop3A_404 : vector<1x16xf32> to vector<16xf32>
        %parallel_loop3A_406 = arith.addf %parallel_loop3A_390, %parallel_loop3A_405 : vector<16xf32>
        %parallel_loop3A_407 = arith.constant 12 : i32
        %parallel_loop3A_408 = arith.addi %parallel_loop3A_316, %parallel_loop3A_407 : i32
        %parallel_loop3A_409 = arith.index_cast %parallel_loop3A_408 : i32 to index
        %parallel_loop3A_410 = arith.constant 0 : index
        %parallel_loop3A_411 = tpu.vector_load %arg6[%parallel_loop3A_409, %parallel_loop3A_410] {strides = array<i32>} : memref<640x64xf32, #tpu.memory_space<vmem>>, vector<1x16xf32>,
        %parallel_loop3A_412 = vector.shape_cast %parallel_loop3A_411 : vector<1x16xf32> to vector<16xf32>
        %parallel_loop3A_413 = arith.addf %parallel_loop3A_397, %parallel_loop3A_412 : vector<16xf32>
        %parallel_loop3A_414 = arith.constant 12 : i32
        %parallel_loop3A_415 = arith.addi %parallel_loop3A_316, %parallel_loop3A_414 : i32
        %parallel_loop3A_416 = arith.constant 1 : i32
        %parallel_loop3A_417 = arith.addi %parallel_loop3A_415, %parallel_loop3A_416 : i32
        %parallel_loop3A_418 = arith.index_cast %parallel_loop3A_417 : i32 to index
        %parallel_loop3A_419 = arith.constant 0 : index
        %parallel_loop3A_420 = tpu.vector_load %arg6[%parallel_loop3A_418, %parallel_loop3A_419] {strides = array<i32>} : memref<640x64xf32, #tpu.memory_space<vmem>>, vector<1x16xf32>,
        %parallel_loop3A_421 = vector.shape_cast %parallel_loop3A_420 : vector<1x16xf32> to vector<16xf32>
        %parallel_loop3A_422 = arith.addf %parallel_loop3A_406, %parallel_loop3A_421 : vector<16xf32>
        %parallel_loop3A_423 = arith.constant 14 : i32
        %parallel_loop3A_424 = arith.addi %parallel_loop3A_316, %parallel_loop3A_423 : i32
        %parallel_loop3A_425 = arith.index_cast %parallel_loop3A_424 : i32 to index
        %parallel_loop3A_426 = arith.constant 0 : index
        %parallel_loop3A_427 = tpu.vector_load %arg6[%parallel_loop3A_425, %parallel_loop3A_426] {strides = array<i32>} : memref<640x64xf32, #tpu.memory_space<vmem>>, vector<1x16xf32>,
        %parallel_loop3A_428 = vector.shape_cast %parallel_loop3A_427 : vector<1x16xf32> to vector<16xf32>
        %parallel_loop3A_429 = arith.addf %parallel_loop3A_413, %parallel_loop3A_428 : vector<16xf32>
        %parallel_loop3A_430 = arith.constant 14 : i32
        %parallel_loop3A_431 = arith.addi %parallel_loop3A_316, %parallel_loop3A_430 : i32
        %parallel_loop3A_432 = arith.constant 1 : i32
        %parallel_loop3A_433 = arith.addi %parallel_loop3A_431, %parallel_loop3A_432 : i32
        %parallel_loop3A_434 = arith.index_cast %parallel_loop3A_433 : i32 to index
        %parallel_loop3A_435 = arith.constant 0 : index
        %parallel_loop3A_436 = tpu.vector_load %arg6[%parallel_loop3A_434, %parallel_loop3A_435] {strides = array<i32>} : memref<640x64xf32, #tpu.memory_space<vmem>>, vector<1x16xf32>,
        %parallel_loop3A_437 = vector.shape_cast %parallel_loop3A_436 : vector<1x16xf32> to vector<16xf32>
        %parallel_loop3A_438 = arith.addf %parallel_loop3A_422, %parallel_loop3A_437 : vector<16xf32>
        %parallel_loop3A_439 = arith.constant 16 : i32
        %parallel_loop3A_440 = arith.addi %parallel_loop3A_316, %parallel_loop3A_439 : i32
        %parallel_loop3A_441 = arith.index_cast %parallel_loop3A_440 : i32 to index
        %parallel_loop3A_442 = arith.constant 0 : index
        %parallel_loop3A_443 = tpu.vector_load %arg6[%parallel_loop3A_441, %parallel_loop3A_442] {strides = array<i32>} : memref<640x64xf32, #tpu.memory_space<vmem>>, vector<1x16xf32>,
        %parallel_loop3A_444 = vector.shape_cast %parallel_loop3A_443 : vector<1x16xf32> to vector<16xf32>
        %parallel_loop3A_445 = arith.addf %parallel_loop3A_429, %parallel_loop3A_444 : vector<16xf32>
        %parallel_loop3A_446 = arith.constant 16 : i32
        %parallel_loop3A_447 = arith.addi %parallel_loop3A_316, %parallel_loop3A_446 : i32
        %parallel_loop3A_448 = arith.constant 1 : i32
        %parallel_loop3A_449 = arith.addi %parallel_loop3A_447, %parallel_loop3A_448 : i32
        %parallel_loop3A_450 = arith.index_cast %parallel_loop3A_449 : i32 to index
        %parallel_loop3A_451 = arith.constant 0 : index
        %parallel_loop3A_452 = tpu.vector_load %arg6[%parallel_loop3A_450, %parallel_loop3A_451] {strides = array<i32>} : memref<640x64xf32, #tpu.memory_space<vmem>>, vector<1x16xf32>,
        %parallel_loop3A_453 = vector.shape_cast %parallel_loop3A_452 : vector<1x16xf32> to vector<16xf32>
        %parallel_loop3A_454 = arith.addf %parallel_loop3A_438, %parallel_loop3A_453 : vector<16xf32>
        %parallel_loop3A_455 = arith.constant 18 : i32
        %parallel_loop3A_456 = arith.addi %parallel_loop3A_316, %parallel_loop3A_455 : i32
        %parallel_loop3A_457 = arith.index_cast %parallel_loop3A_456 : i32 to index
        %parallel_loop3A_458 = arith.constant 0 : index
        %parallel_loop3A_459 = tpu.vector_load %arg6[%parallel_loop3A_457, %parallel_loop3A_458] {strides = array<i32>} : memref<640x64xf32, #tpu.memory_space<vmem>>, vector<1x16xf32>,
        %parallel_loop3A_460 = vector.shape_cast %parallel_loop3A_459 : vector<1x16xf32> to vector<16xf32>
        %parallel_loop3A_461 = arith.addf %parallel_loop3A_445, %parallel_loop3A_460 : vector<16xf32>
        %parallel_loop3A_462 = arith.constant 18 : i32
        %parallel_loop3A_463 = arith.addi %parallel_loop3A_316, %parallel_loop3A_462 : i32
        %parallel_loop3A_464 = arith.constant 1 : i32
        %parallel_loop3A_465 = arith.addi %parallel_loop3A_463, %parallel_loop3A_464 : i32
        %parallel_loop3A_466 = arith.index_cast %parallel_loop3A_465 : i32 to index
        %parallel_loop3A_467 = arith.constant 0 : index
        %parallel_loop3A_468 = tpu.vector_load %arg6[%parallel_loop3A_466, %parallel_loop3A_467] {strides = array<i32>} : memref<640x64xf32, #tpu.memory_space<vmem>>, vector<1x16xf32>,
        %parallel_loop3A_469 = vector.shape_cast %parallel_loop3A_468 : vector<1x16xf32> to vector<16xf32>
        %parallel_loop3A_470 = arith.addf %parallel_loop3A_454, %parallel_loop3A_469 : vector<16xf32>
        %parallel_loop3A_471 = arith.addf %parallel_loop3A_461, %parallel_loop3A_470 : vector<16xf32>
        %parallel_loop3A_472 = arith.index_cast %parallel_loop3A_314 : i32 to index
        %parallel_loop3A_473 = arith.constant 0 : index
        %parallel_loop3A_474 = tpu.vector_load %arg8[%parallel_loop3A_472, %parallel_loop3A_473] {strides = array<i32>} : memref<32x64xf32, #tpu.memory_space<vmem>>, vector<1x16xf32>,
        %parallel_loop3A_475 = vector.shape_cast %parallel_loop3A_474 : vector<1x16xf32> to vector<16xf32>
        %parallel_loop3A_476 = vector.shape_cast %parallel_loop3A_471 : vector<16xf32> to vector<1x16xf32>
        tpu.vector_store %arg8[%parallel_loop3A_472, %parallel_loop3A_473], %parallel_loop3A_476 {strides = array<i32>} : memref<32x64xf32, #tpu.memory_space<vmem>>, vector<1x16xf32>,
        %parallel_loop3A_477 = arith.index_cast %parallel_loop3A_316 : i32 to index
        %parallel_loop3A_478 = arith.constant 16 : index
        %parallel_loop3A_479 = tpu.vector_load %arg6[%parallel_loop3A_477, %parallel_loop3A_478] {strides = array<i32>} : memref<640x64xf32, #tpu.memory_space<vmem>>, vector<1x16xf32>,
        %parallel_loop3A_480 = vector.shape_cast %parallel_loop3A_479 : vector<1x16xf32> to vector<16xf32>
        %parallel_loop3A_481 = arith.constant 1 : i32
        %parallel_loop3A_482 = arith.addi %parallel_loop3A_316, %parallel_loop3A_481 : i32
        %parallel_loop3A_483 = arith.index_cast %parallel_loop3A_482 : i32 to index
        %parallel_loop3A_484 = arith.constant 16 : index
        %parallel_loop3A_485 = tpu.vector_load %arg6[%parallel_loop3A_483, %parallel_loop3A_484] {strides = array<i32>} : memref<640x64xf32, #tpu.memory_space<vmem>>, vector<1x16xf32>,
        %parallel_loop3A_486 = vector.shape_cast %parallel_loop3A_485 : vector<1x16xf32> to vector<16xf32>
        %parallel_loop3A_487 = arith.constant 2 : i32
        %parallel_loop3A_488 = arith.addi %parallel_loop3A_316, %parallel_loop3A_487 : i32
        %parallel_loop3A_489 = arith.index_cast %parallel_loop3A_488 : i32 to index
        %parallel_loop3A_490 = arith.constant 16 : index
        %parallel_loop3A_491 = tpu.vector_load %arg6[%parallel_loop3A_489, %parallel_loop3A_490] {strides = array<i32>} : memref<640x64xf32, #tpu.memory_space<vmem>>, vector<1x16xf32>,
        %parallel_loop3A_492 = vector.shape_cast %parallel_loop3A_491 : vector<1x16xf32> to vector<16xf32>
        %parallel_loop3A_493 = arith.addf %parallel_loop3A_480, %parallel_loop3A_492 : vector<16xf32>
        %parallel_loop3A_494 = arith.constant 2 : i32
        %parallel_loop3A_495 = arith.addi %parallel_loop3A_316, %parallel_loop3A_494 : i32
        %parallel_loop3A_496 = arith.constant 1 : i32
        %parallel_loop3A_497 = arith.addi %parallel_loop3A_495, %parallel_loop3A_496 : i32
        %parallel_loop3A_498 = arith.index_cast %parallel_loop3A_497 : i32 to index
        %parallel_loop3A_499 = arith.constant 16 : index
        %parallel_loop3A_500 = tpu.vector_load %arg6[%parallel_loop3A_498, %parallel_loop3A_499] {strides = array<i32>} : memref<640x64xf32, #tpu.memory_space<vmem>>, vector<1x16xf32>,
        %parallel_loop3A_501 = vector.shape_cast %parallel_loop3A_500 : vector<1x16xf32> to vector<16xf32>
        %parallel_loop3A_502 = arith.addf %parallel_loop3A_486, %parallel_loop3A_501 : vector<16xf32>
        %parallel_loop3A_503 = arith.constant 4 : i32
        %parallel_loop3A_504 = arith.addi %parallel_loop3A_316, %parallel_loop3A_503 : i32
        %parallel_loop3A_505 = arith.index_cast %parallel_loop3A_504 : i32 to index
        %parallel_loop3A_506 = arith.constant 16 : index
        %parallel_loop3A_507 = tpu.vector_load %arg6[%parallel_loop3A_505, %parallel_loop3A_506] {strides = array<i32>} : memref<640x64xf32, #tpu.memory_space<vmem>>, vector<1x16xf32>,
        %parallel_loop3A_508 = vector.shape_cast %parallel_loop3A_507 : vector<1x16xf32> to vector<16xf32>
        %parallel_loop3A_509 = arith.addf %parallel_loop3A_493, %parallel_loop3A_508 : vector<16xf32>
        %parallel_loop3A_510 = arith.constant 4 : i32
        %parallel_loop3A_511 = arith.addi %parallel_loop3A_316, %parallel_loop3A_510 : i32
        %parallel_loop3A_512 = arith.constant 1 : i32
        %parallel_loop3A_513 = arith.addi %parallel_loop3A_511, %parallel_loop3A_512 : i32
        %parallel_loop3A_514 = arith.index_cast %parallel_loop3A_513 : i32 to index
        %parallel_loop3A_515 = arith.constant 16 : index
        %parallel_loop3A_516 = tpu.vector_load %arg6[%parallel_loop3A_514, %parallel_loop3A_515] {strides = array<i32>} : memref<640x64xf32, #tpu.memory_space<vmem>>, vector<1x16xf32>,
        %parallel_loop3A_517 = vector.shape_cast %parallel_loop3A_516 : vector<1x16xf32> to vector<16xf32>
        %parallel_loop3A_518 = arith.addf %parallel_loop3A_502, %parallel_loop3A_517 : vector<16xf32>
        %parallel_loop3A_519 = arith.constant 6 : i32
        %parallel_loop3A_520 = arith.addi %parallel_loop3A_316, %parallel_loop3A_519 : i32
        %parallel_loop3A_521 = arith.index_cast %parallel_loop3A_520 : i32 to index
        %parallel_loop3A_522 = arith.constant 16 : index
        %parallel_loop3A_523 = tpu.vector_load %arg6[%parallel_loop3A_521, %parallel_loop3A_522] {strides = array<i32>} : memref<640x64xf32, #tpu.memory_space<vmem>>, vector<1x16xf32>,
        %parallel_loop3A_524 = vector.shape_cast %parallel_loop3A_523 : vector<1x16xf32> to vector<16xf32>
        %parallel_loop3A_525 = arith.addf %parallel_loop3A_509, %parallel_loop3A_524 : vector<16xf32>
        %parallel_loop3A_526 = arith.constant 6 : i32
        %parallel_loop3A_527 = arith.addi %parallel_loop3A_316, %parallel_loop3A_526 : i32
        %parallel_loop3A_528 = arith.constant 1 : i32
        %parallel_loop3A_529 = arith.addi %parallel_loop3A_527, %parallel_loop3A_528 : i32
        %parallel_loop3A_530 = arith.index_cast %parallel_loop3A_529 : i32 to index
        %parallel_loop3A_531 = arith.constant 16 : index
        %parallel_loop3A_532 = tpu.vector_load %arg6[%parallel_loop3A_530, %parallel_loop3A_531] {strides = array<i32>} : memref<640x64xf32, #tpu.memory_space<vmem>>, vector<1x16xf32>,
        %parallel_loop3A_533 = vector.shape_cast %parallel_loop3A_532 : vector<1x16xf32> to vector<16xf32>
        %parallel_loop3A_534 = arith.addf %parallel_loop3A_518, %parallel_loop3A_533 : vector<16xf32>
        %parallel_loop3A_535 = arith.constant 8 : i32
        %parallel_loop3A_536 = arith.addi %parallel_loop3A_316, %parallel_loop3A_535 : i32
        %parallel_loop3A_537 = arith.index_cast %parallel_loop3A_536 : i32 to index
        %parallel_loop3A_538 = arith.constant 16 : index
        %parallel_loop3A_539 = tpu.vector_load %arg6[%parallel_loop3A_537, %parallel_loop3A_538] {strides = array<i32>} : memref<640x64xf32, #tpu.memory_space<vmem>>, vector<1x16xf32>,
        %parallel_loop3A_540 = vector.shape_cast %parallel_loop3A_539 : vector<1x16xf32> to vector<16xf32>
        %parallel_loop3A_541 = arith.addf %parallel_loop3A_525, %parallel_loop3A_540 : vector<16xf32>
        %parallel_loop3A_542 = arith.constant 8 : i32
        %parallel_loop3A_543 = arith.addi %parallel_loop3A_316, %parallel_loop3A_542 : i32
        %parallel_loop3A_544 = arith.constant 1 : i32
        %parallel_loop3A_545 = arith.addi %parallel_loop3A_543, %parallel_loop3A_544 : i32
        %parallel_loop3A_546 = arith.index_cast %parallel_loop3A_545 : i32 to index
        %parallel_loop3A_547 = arith.constant 16 : index
        %parallel_loop3A_548 = tpu.vector_load %arg6[%parallel_loop3A_546, %parallel_loop3A_547] {strides = array<i32>} : memref<640x64xf32, #tpu.memory_space<vmem>>, vector<1x16xf32>,
        %parallel_loop3A_549 = vector.shape_cast %parallel_loop3A_548 : vector<1x16xf32> to vector<16xf32>
        %parallel_loop3A_550 = arith.addf %parallel_loop3A_534, %parallel_loop3A_549 : vector<16xf32>
        %parallel_loop3A_551 = arith.constant 10 : i32
        %parallel_loop3A_552 = arith.addi %parallel_loop3A_316, %parallel_loop3A_551 : i32
        %parallel_loop3A_553 = arith.index_cast %parallel_loop3A_552 : i32 to index
        %parallel_loop3A_554 = arith.constant 16 : index
        %parallel_loop3A_555 = tpu.vector_load %arg6[%parallel_loop3A_553, %parallel_loop3A_554] {strides = array<i32>} : memref<640x64xf32, #tpu.memory_space<vmem>>, vector<1x16xf32>,
        %parallel_loop3A_556 = vector.shape_cast %parallel_loop3A_555 : vector<1x16xf32> to vector<16xf32>
        %parallel_loop3A_557 = arith.addf %parallel_loop3A_541, %parallel_loop3A_556 : vector<16xf32>
        %parallel_loop3A_558 = arith.constant 10 : i32
        %parallel_loop3A_559 = arith.addi %parallel_loop3A_316, %parallel_loop3A_558 : i32
        %parallel_loop3A_560 = arith.constant 1 : i32
        %parallel_loop3A_561 = arith.addi %parallel_loop3A_559, %parallel_loop3A_560 : i32
        %parallel_loop3A_562 = arith.index_cast %parallel_loop3A_561 : i32 to index
        %parallel_loop3A_563 = arith.constant 16 : index
        %parallel_loop3A_564 = tpu.vector_load %arg6[%parallel_loop3A_562, %parallel_loop3A_563] {strides = array<i32>} : memref<640x64xf32, #tpu.memory_space<vmem>>, vector<1x16xf32>,
        %parallel_loop3A_565 = vector.shape_cast %parallel_loop3A_564 : vector<1x16xf32> to vector<16xf32>
        %parallel_loop3A_566 = arith.addf %parallel_loop3A_550, %parallel_loop3A_565 : vector<16xf32>
        %parallel_loop3A_567 = arith.constant 12 : i32
        %parallel_loop3A_568 = arith.addi %parallel_loop3A_316, %parallel_loop3A_567 : i32
        %parallel_loop3A_569 = arith.index_cast %parallel_loop3A_568 : i32 to index
        %parallel_loop3A_570 = arith.constant 16 : index
        %parallel_loop3A_571 = tpu.vector_load %arg6[%parallel_loop3A_569, %parallel_loop3A_570] {strides = array<i32>} : memref<640x64xf32, #tpu.memory_space<vmem>>, vector<1x16xf32>,
        %parallel_loop3A_572 = vector.shape_cast %parallel_loop3A_571 : vector<1x16xf32> to vector<16xf32>
        %parallel_loop3A_573 = arith.addf %parallel_loop3A_557, %parallel_loop3A_572 : vector<16xf32>
        %parallel_loop3A_574 = arith.constant 12 : i32
        %parallel_loop3A_575 = arith.addi %parallel_loop3A_316, %parallel_loop3A_574 : i32
        %parallel_loop3A_576 = arith.constant 1 : i32
        %parallel_loop3A_577 = arith.addi %parallel_loop3A_575, %parallel_loop3A_576 : i32
        %parallel_loop3A_578 = arith.index_cast %parallel_loop3A_577 : i32 to index
        %parallel_loop3A_579 = arith.constant 16 : index
        %parallel_loop3A_580 = tpu.vector_load %arg6[%parallel_loop3A_578, %parallel_loop3A_579] {strides = array<i32>} : memref<640x64xf32, #tpu.memory_space<vmem>>, vector<1x16xf32>,
        %parallel_loop3A_581 = vector.shape_cast %parallel_loop3A_580 : vector<1x16xf32> to vector<16xf32>
        %parallel_loop3A_582 = arith.addf %parallel_loop3A_566, %parallel_loop3A_581 : vector<16xf32>
        %parallel_loop3A_583 = arith.constant 14 : i32
        %parallel_loop3A_584 = arith.addi %parallel_loop3A_316, %parallel_loop3A_583 : i32
        %parallel_loop3A_585 = arith.index_cast %parallel_loop3A_584 : i32 to index
        %parallel_loop3A_586 = arith.constant 16 : index
        %parallel_loop3A_587 = tpu.vector_load %arg6[%parallel_loop3A_585, %parallel_loop3A_586] {strides = array<i32>} : memref<640x64xf32, #tpu.memory_space<vmem>>, vector<1x16xf32>,
        %parallel_loop3A_588 = vector.shape_cast %parallel_loop3A_587 : vector<1x16xf32> to vector<16xf32>
        %parallel_loop3A_589 = arith.addf %parallel_loop3A_573, %parallel_loop3A_588 : vector<16xf32>
        %parallel_loop3A_590 = arith.constant 14 : i32
        %parallel_loop3A_591 = arith.addi %parallel_loop3A_316, %parallel_loop3A_590 : i32
        %parallel_loop3A_592 = arith.constant 1 : i32
        %parallel_loop3A_593 = arith.addi %parallel_loop3A_591, %parallel_loop3A_592 : i32
        %parallel_loop3A_594 = arith.index_cast %parallel_loop3A_593 : i32 to index
        %parallel_loop3A_595 = arith.constant 16 : index
        %parallel_loop3A_596 = tpu.vector_load %arg6[%parallel_loop3A_594, %parallel_loop3A_595] {strides = array<i32>} : memref<640x64xf32, #tpu.memory_space<vmem>>, vector<1x16xf32>,
        %parallel_loop3A_597 = vector.shape_cast %parallel_loop3A_596 : vector<1x16xf32> to vector<16xf32>
        %parallel_loop3A_598 = arith.addf %parallel_loop3A_582, %parallel_loop3A_597 : vector<16xf32>
        %parallel_loop3A_599 = arith.constant 16 : i32
        %parallel_loop3A_600 = arith.addi %parallel_loop3A_316, %parallel_loop3A_599 : i32
        %parallel_loop3A_601 = arith.index_cast %parallel_loop3A_600 : i32 to index
        %parallel_loop3A_602 = arith.constant 16 : index
        %parallel_loop3A_603 = tpu.vector_load %arg6[%parallel_loop3A_601, %parallel_loop3A_602] {strides = array<i32>} : memref<640x64xf32, #tpu.memory_space<vmem>>, vector<1x16xf32>,
        %parallel_loop3A_604 = vector.shape_cast %parallel_loop3A_603 : vector<1x16xf32> to vector<16xf32>
        %parallel_loop3A_605 = arith.addf %parallel_loop3A_589, %parallel_loop3A_604 : vector<16xf32>
        %parallel_loop3A_606 = arith.constant 16 : i32
        %parallel_loop3A_607 = arith.addi %parallel_loop3A_316, %parallel_loop3A_606 : i32
        %parallel_loop3A_608 = arith.constant 1 : i32
        %parallel_loop3A_609 = arith.addi %parallel_loop3A_607, %parallel_loop3A_608 : i32
        %parallel_loop3A_610 = arith.index_cast %parallel_loop3A_609 : i32 to index
        %parallel_loop3A_611 = arith.constant 16 : index
        %parallel_loop3A_612 = tpu.vector_load %arg6[%parallel_loop3A_610, %parallel_loop3A_611] {strides = array<i32>} : memref<640x64xf32, #tpu.memory_space<vmem>>, vector<1x16xf32>,
        %parallel_loop3A_613 = vector.shape_cast %parallel_loop3A_612 : vector<1x16xf32> to vector<16xf32>
        %parallel_loop3A_614 = arith.addf %parallel_loop3A_598, %parallel_loop3A_613 : vector<16xf32>
        %parallel_loop3A_615 = arith.constant 18 : i32
        %parallel_loop3A_616 = arith.addi %parallel_loop3A_316, %parallel_loop3A_615 : i32
        %parallel_loop3A_617 = arith.index_cast %parallel_loop3A_616 : i32 to index
        %parallel_loop3A_618 = arith.constant 16 : index
        %parallel_loop3A_619 = tpu.vector_load %arg6[%parallel_loop3A_617, %parallel_loop3A_618] {strides = array<i32>} : memref<640x64xf32, #tpu.memory_space<vmem>>, vector<1x16xf32>,
        %parallel_loop3A_620 = vector.shape_cast %parallel_loop3A_619 : vector<1x16xf32> to vector<16xf32>
        %parallel_loop3A_621 = arith.addf %parallel_loop3A_605, %parallel_loop3A_620 : vector<16xf32>
        %parallel_loop3A_622 = arith.constant 18 : i32
        %parallel_loop3A_623 = arith.addi %parallel_loop3A_316, %parallel_loop3A_622 : i32
        %parallel_loop3A_624 = arith.constant 1 : i32
        %parallel_loop3A_625 = arith.addi %parallel_loop3A_623, %parallel_loop3A_624 : i32
        %parallel_loop3A_626 = arith.index_cast %parallel_loop3A_625 : i32 to index
        %parallel_loop3A_627 = arith.constant 16 : index
        %parallel_loop3A_628 = tpu.vector_load %arg6[%parallel_loop3A_626, %parallel_loop3A_627] {strides = array<i32>} : memref<640x64xf32, #tpu.memory_space<vmem>>, vector<1x16xf32>,
        %parallel_loop3A_629 = vector.shape_cast %parallel_loop3A_628 : vector<1x16xf32> to vector<16xf32>
        %parallel_loop3A_630 = arith.addf %parallel_loop3A_614, %parallel_loop3A_629 : vector<16xf32>
        %parallel_loop3A_631 = arith.addf %parallel_loop3A_621, %parallel_loop3A_630 : vector<16xf32>
        %parallel_loop3A_632 = arith.index_cast %parallel_loop3A_314 : i32 to index
        %parallel_loop3A_633 = arith.constant 16 : index
        %parallel_loop3A_634 = tpu.vector_load %arg8[%parallel_loop3A_632, %parallel_loop3A_633] {strides = array<i32>} : memref<32x64xf32, #tpu.memory_space<vmem>>, vector<1x16xf32>,
        %parallel_loop3A_635 = vector.shape_cast %parallel_loop3A_634 : vector<1x16xf32> to vector<16xf32>
        %parallel_loop3A_636 = vector.shape_cast %parallel_loop3A_631 : vector<16xf32> to vector<1x16xf32>
        tpu.vector_store %arg8[%parallel_loop3A_632, %parallel_loop3A_633], %parallel_loop3A_636 {strides = array<i32>} : memref<32x64xf32, #tpu.memory_space<vmem>>, vector<1x16xf32>,
        %parallel_loop3A_637 = arith.index_cast %parallel_loop3A_316 : i32 to index
        %parallel_loop3A_638 = arith.constant 32 : index
        %parallel_loop3A_639 = tpu.vector_load %arg6[%parallel_loop3A_637, %parallel_loop3A_638] {strides = array<i32>} : memref<640x64xf32, #tpu.memory_space<vmem>>, vector<1x16xf32>,
        %parallel_loop3A_640 = vector.shape_cast %parallel_loop3A_639 : vector<1x16xf32> to vector<16xf32>
        %parallel_loop3A_641 = arith.constant 1 : i32
        %parallel_loop3A_642 = arith.addi %parallel_loop3A_316, %parallel_loop3A_641 : i32
        %parallel_loop3A_643 = arith.index_cast %parallel_loop3A_642 : i32 to index
        %parallel_loop3A_644 = arith.constant 32 : index
        %parallel_loop3A_645 = tpu.vector_load %arg6[%parallel_loop3A_643, %parallel_loop3A_644] {strides = array<i32>} : memref<640x64xf32, #tpu.memory_space<vmem>>, vector<1x16xf32>,
        %parallel_loop3A_646 = vector.shape_cast %parallel_loop3A_645 : vector<1x16xf32> to vector<16xf32>
        %parallel_loop3A_647 = arith.constant 2 : i32
        %parallel_loop3A_648 = arith.addi %parallel_loop3A_316, %parallel_loop3A_647 : i32
        %parallel_loop3A_649 = arith.index_cast %parallel_loop3A_648 : i32 to index
        %parallel_loop3A_650 = arith.constant 32 : index
        %parallel_loop3A_651 = tpu.vector_load %arg6[%parallel_loop3A_649, %parallel_loop3A_650] {strides = array<i32>} : memref<640x64xf32, #tpu.memory_space<vmem>>, vector<1x16xf32>,
        %parallel_loop3A_652 = vector.shape_cast %parallel_loop3A_651 : vector<1x16xf32> to vector<16xf32>
        %parallel_loop3A_653 = arith.addf %parallel_loop3A_640, %parallel_loop3A_652 : vector<16xf32>
        %parallel_loop3A_654 = arith.constant 2 : i32
        %parallel_loop3A_655 = arith.addi %parallel_loop3A_316, %parallel_loop3A_654 : i32
        %parallel_loop3A_656 = arith.constant 1 : i32
        %parallel_loop3A_657 = arith.addi %parallel_loop3A_655, %parallel_loop3A_656 : i32
        %parallel_loop3A_658 = arith.index_cast %parallel_loop3A_657 : i32 to index
        %parallel_loop3A_659 = arith.constant 32 : index
        %parallel_loop3A_660 = tpu.vector_load %arg6[%parallel_loop3A_658, %parallel_loop3A_659] {strides = array<i32>} : memref<640x64xf32, #tpu.memory_space<vmem>>, vector<1x16xf32>,
        %parallel_loop3A_661 = vector.shape_cast %parallel_loop3A_660 : vector<1x16xf32> to vector<16xf32>
        %parallel_loop3A_662 = arith.addf %parallel_loop3A_646, %parallel_loop3A_661 : vector<16xf32>
        %parallel_loop3A_663 = arith.constant 4 : i32
        %parallel_loop3A_664 = arith.addi %parallel_loop3A_316, %parallel_loop3A_663 : i32
        %parallel_loop3A_665 = arith.index_cast %parallel_loop3A_664 : i32 to index
        %parallel_loop3A_666 = arith.constant 32 : index
        %parallel_loop3A_667 = tpu.vector_load %arg6[%parallel_loop3A_665, %parallel_loop3A_666] {strides = array<i32>} : memref<640x64xf32, #tpu.memory_space<vmem>>, vector<1x16xf32>,
        %parallel_loop3A_668 = vector.shape_cast %parallel_loop3A_667 : vector<1x16xf32> to vector<16xf32>
        %parallel_loop3A_669 = arith.addf %parallel_loop3A_653, %parallel_loop3A_668 : vector<16xf32>
        %parallel_loop3A_670 = arith.constant 4 : i32
        %parallel_loop3A_671 = arith.addi %parallel_loop3A_316, %parallel_loop3A_670 : i32
        %parallel_loop3A_672 = arith.constant 1 : i32
        %parallel_loop3A_673 = arith.addi %parallel_loop3A_671, %parallel_loop3A_672 : i32
        %parallel_loop3A_674 = arith.index_cast %parallel_loop3A_673 : i32 to index
        %parallel_loop3A_675 = arith.constant 32 : index
        %parallel_loop3A_676 = tpu.vector_load %arg6[%parallel_loop3A_674, %parallel_loop3A_675] {strides = array<i32>} : memref<640x64xf32, #tpu.memory_space<vmem>>, vector<1x16xf32>,
        %parallel_loop3A_677 = vector.shape_cast %parallel_loop3A_676 : vector<1x16xf32> to vector<16xf32>
        %parallel_loop3A_678 = arith.addf %parallel_loop3A_662, %parallel_loop3A_677 : vector<16xf32>
        %parallel_loop3A_679 = arith.constant 6 : i32
        %parallel_loop3A_680 = arith.addi %parallel_loop3A_316, %parallel_loop3A_679 : i32
        %parallel_loop3A_681 = arith.index_cast %parallel_loop3A_680 : i32 to index
        %parallel_loop3A_682 = arith.constant 32 : index
        %parallel_loop3A_683 = tpu.vector_load %arg6[%parallel_loop3A_681, %parallel_loop3A_682] {strides = array<i32>} : memref<640x64xf32, #tpu.memory_space<vmem>>, vector<1x16xf32>,
        %parallel_loop3A_684 = vector.shape_cast %parallel_loop3A_683 : vector<1x16xf32> to vector<16xf32>
        %parallel_loop3A_685 = arith.addf %parallel_loop3A_669, %parallel_loop3A_684 : vector<16xf32>
        %parallel_loop3A_686 = arith.constant 6 : i32
        %parallel_loop3A_687 = arith.addi %parallel_loop3A_316, %parallel_loop3A_686 : i32
        %parallel_loop3A_688 = arith.constant 1 : i32
        %parallel_loop3A_689 = arith.addi %parallel_loop3A_687, %parallel_loop3A_688 : i32
        %parallel_loop3A_690 = arith.index_cast %parallel_loop3A_689 : i32 to index
        %parallel_loop3A_691 = arith.constant 32 : index
        %parallel_loop3A_692 = tpu.vector_load %arg6[%parallel_loop3A_690, %parallel_loop3A_691] {strides = array<i32>} : memref<640x64xf32, #tpu.memory_space<vmem>>, vector<1x16xf32>,
        %parallel_loop3A_693 = vector.shape_cast %parallel_loop3A_692 : vector<1x16xf32> to vector<16xf32>
        %parallel_loop3A_694 = arith.addf %parallel_loop3A_678, %parallel_loop3A_693 : vector<16xf32>
        %parallel_loop3A_695 = arith.constant 8 : i32
        %parallel_loop3A_696 = arith.addi %parallel_loop3A_316, %parallel_loop3A_695 : i32
        %parallel_loop3A_697 = arith.index_cast %parallel_loop3A_696 : i32 to index
        %parallel_loop3A_698 = arith.constant 32 : index
        %parallel_loop3A_699 = tpu.vector_load %arg6[%parallel_loop3A_697, %parallel_loop3A_698] {strides = array<i32>} : memref<640x64xf32, #tpu.memory_space<vmem>>, vector<1x16xf32>,
        %parallel_loop3A_700 = vector.shape_cast %parallel_loop3A_699 : vector<1x16xf32> to vector<16xf32>
        %parallel_loop3A_701 = arith.addf %parallel_loop3A_685, %parallel_loop3A_700 : vector<16xf32>
        %parallel_loop3A_702 = arith.constant 8 : i32
        %parallel_loop3A_703 = arith.addi %parallel_loop3A_316, %parallel_loop3A_702 : i32
        %parallel_loop3A_704 = arith.constant 1 : i32
        %parallel_loop3A_705 = arith.addi %parallel_loop3A_703, %parallel_loop3A_704 : i32
        %parallel_loop3A_706 = arith.index_cast %parallel_loop3A_705 : i32 to index
        %parallel_loop3A_707 = arith.constant 32 : index
        %parallel_loop3A_708 = tpu.vector_load %arg6[%parallel_loop3A_706, %parallel_loop3A_707] {strides = array<i32>} : memref<640x64xf32, #tpu.memory_space<vmem>>, vector<1x16xf32>,
        %parallel_loop3A_709 = vector.shape_cast %parallel_loop3A_708 : vector<1x16xf32> to vector<16xf32>
        %parallel_loop3A_710 = arith.addf %parallel_loop3A_694, %parallel_loop3A_709 : vector<16xf32>
        %parallel_loop3A_711 = arith.constant 10 : i32
        %parallel_loop3A_712 = arith.addi %parallel_loop3A_316, %parallel_loop3A_711 : i32
        %parallel_loop3A_713 = arith.index_cast %parallel_loop3A_712 : i32 to index
        %parallel_loop3A_714 = arith.constant 32 : index
        %parallel_loop3A_715 = tpu.vector_load %arg6[%parallel_loop3A_713, %parallel_loop3A_714] {strides = array<i32>} : memref<640x64xf32, #tpu.memory_space<vmem>>, vector<1x16xf32>,
        %parallel_loop3A_716 = vector.shape_cast %parallel_loop3A_715 : vector<1x16xf32> to vector<16xf32>
        %parallel_loop3A_717 = arith.addf %parallel_loop3A_701, %parallel_loop3A_716 : vector<16xf32>
        %parallel_loop3A_718 = arith.constant 10 : i32
        %parallel_loop3A_719 = arith.addi %parallel_loop3A_316, %parallel_loop3A_718 : i32
        %parallel_loop3A_720 = arith.constant 1 : i32
        %parallel_loop3A_721 = arith.addi %parallel_loop3A_719, %parallel_loop3A_720 : i32
        %parallel_loop3A_722 = arith.index_cast %parallel_loop3A_721 : i32 to index
        %parallel_loop3A_723 = arith.constant 32 : index
        %parallel_loop3A_724 = tpu.vector_load %arg6[%parallel_loop3A_722, %parallel_loop3A_723] {strides = array<i32>} : memref<640x64xf32, #tpu.memory_space<vmem>>, vector<1x16xf32>,
        %parallel_loop3A_725 = vector.shape_cast %parallel_loop3A_724 : vector<1x16xf32> to vector<16xf32>
        %parallel_loop3A_726 = arith.addf %parallel_loop3A_710, %parallel_loop3A_725 : vector<16xf32>
        %parallel_loop3A_727 = arith.constant 12 : i32
        %parallel_loop3A_728 = arith.addi %parallel_loop3A_316, %parallel_loop3A_727 : i32
        %parallel_loop3A_729 = arith.index_cast %parallel_loop3A_728 : i32 to index
        %parallel_loop3A_730 = arith.constant 32 : index
        %parallel_loop3A_731 = tpu.vector_load %arg6[%parallel_loop3A_729, %parallel_loop3A_730] {strides = array<i32>} : memref<640x64xf32, #tpu.memory_space<vmem>>, vector<1x16xf32>,
        %parallel_loop3A_732 = vector.shape_cast %parallel_loop3A_731 : vector<1x16xf32> to vector<16xf32>
        %parallel_loop3A_733 = arith.addf %parallel_loop3A_717, %parallel_loop3A_732 : vector<16xf32>
        %parallel_loop3A_734 = arith.constant 12 : i32
        %parallel_loop3A_735 = arith.addi %parallel_loop3A_316, %parallel_loop3A_734 : i32
        %parallel_loop3A_736 = arith.constant 1 : i32
        %parallel_loop3A_737 = arith.addi %parallel_loop3A_735, %parallel_loop3A_736 : i32
        %parallel_loop3A_738 = arith.index_cast %parallel_loop3A_737 : i32 to index
        %parallel_loop3A_739 = arith.constant 32 : index
        %parallel_loop3A_740 = tpu.vector_load %arg6[%parallel_loop3A_738, %parallel_loop3A_739] {strides = array<i32>} : memref<640x64xf32, #tpu.memory_space<vmem>>, vector<1x16xf32>,
        %parallel_loop3A_741 = vector.shape_cast %parallel_loop3A_740 : vector<1x16xf32> to vector<16xf32>
        %parallel_loop3A_742 = arith.addf %parallel_loop3A_726, %parallel_loop3A_741 : vector<16xf32>
        %parallel_loop3A_743 = arith.constant 14 : i32
        %parallel_loop3A_744 = arith.addi %parallel_loop3A_316, %parallel_loop3A_743 : i32
        %parallel_loop3A_745 = arith.index_cast %parallel_loop3A_744 : i32 to index
        %parallel_loop3A_746 = arith.constant 32 : index
        %parallel_loop3A_747 = tpu.vector_load %arg6[%parallel_loop3A_745, %parallel_loop3A_746] {strides = array<i32>} : memref<640x64xf32, #tpu.memory_space<vmem>>, vector<1x16xf32>,
        %parallel_loop3A_748 = vector.shape_cast %parallel_loop3A_747 : vector<1x16xf32> to vector<16xf32>
        %parallel_loop3A_749 = arith.addf %parallel_loop3A_733, %parallel_loop3A_748 : vector<16xf32>
        %parallel_loop3A_750 = arith.constant 14 : i32
        %parallel_loop3A_751 = arith.addi %parallel_loop3A_316, %parallel_loop3A_750 : i32
        %parallel_loop3A_752 = arith.constant 1 : i32
        %parallel_loop3A_753 = arith.addi %parallel_loop3A_751, %parallel_loop3A_752 : i32
        %parallel_loop3A_754 = arith.index_cast %parallel_loop3A_753 : i32 to index
        %parallel_loop3A_755 = arith.constant 32 : index
        %parallel_loop3A_756 = tpu.vector_load %arg6[%parallel_loop3A_754, %parallel_loop3A_755] {strides = array<i32>} : memref<640x64xf32, #tpu.memory_space<vmem>>, vector<1x16xf32>,
        %parallel_loop3A_757 = vector.shape_cast %parallel_loop3A_756 : vector<1x16xf32> to vector<16xf32>
        %parallel_loop3A_758 = arith.addf %parallel_loop3A_742, %parallel_loop3A_757 : vector<16xf32>
        %parallel_loop3A_759 = arith.constant 16 : i32
        %parallel_loop3A_760 = arith.addi %parallel_loop3A_316, %parallel_loop3A_759 : i32
        %parallel_loop3A_761 = arith.index_cast %parallel_loop3A_760 : i32 to index
        %parallel_loop3A_762 = arith.constant 32 : index
        %parallel_loop3A_763 = tpu.vector_load %arg6[%parallel_loop3A_761, %parallel_loop3A_762] {strides = array<i32>} : memref<640x64xf32, #tpu.memory_space<vmem>>, vector<1x16xf32>,
        %parallel_loop3A_764 = vector.shape_cast %parallel_loop3A_763 : vector<1x16xf32> to vector<16xf32>
        %parallel_loop3A_765 = arith.addf %parallel_loop3A_749, %parallel_loop3A_764 : vector<16xf32>
        %parallel_loop3A_766 = arith.constant 16 : i32
        %parallel_loop3A_767 = arith.addi %parallel_loop3A_316, %parallel_loop3A_766 : i32
        %parallel_loop3A_768 = arith.constant 1 : i32
        %parallel_loop3A_769 = arith.addi %parallel_loop3A_767, %parallel_loop3A_768 : i32
        %parallel_loop3A_770 = arith.index_cast %parallel_loop3A_769 : i32 to index
        %parallel_loop3A_771 = arith.constant 32 : index
        %parallel_loop3A_772 = tpu.vector_load %arg6[%parallel_loop3A_770, %parallel_loop3A_771] {strides = array<i32>} : memref<640x64xf32, #tpu.memory_space<vmem>>, vector<1x16xf32>,
        %parallel_loop3A_773 = vector.shape_cast %parallel_loop3A_772 : vector<1x16xf32> to vector<16xf32>
        %parallel_loop3A_774 = arith.addf %parallel_loop3A_758, %parallel_loop3A_773 : vector<16xf32>
        %parallel_loop3A_775 = arith.constant 18 : i32
        %parallel_loop3A_776 = arith.addi %parallel_loop3A_316, %parallel_loop3A_775 : i32
        %parallel_loop3A_777 = arith.index_cast %parallel_loop3A_776 : i32 to index
        %parallel_loop3A_778 = arith.constant 32 : index
        %parallel_loop3A_779 = tpu.vector_load %arg6[%parallel_loop3A_777, %parallel_loop3A_778] {strides = array<i32>} : memref<640x64xf32, #tpu.memory_space<vmem>>, vector<1x16xf32>,
        %parallel_loop3A_780 = vector.shape_cast %parallel_loop3A_779 : vector<1x16xf32> to vector<16xf32>
        %parallel_loop3A_781 = arith.addf %parallel_loop3A_765, %parallel_loop3A_780 : vector<16xf32>
        %parallel_loop3A_782 = arith.constant 18 : i32
        %parallel_loop3A_783 = arith.addi %parallel_loop3A_316, %parallel_loop3A_782 : i32
        %parallel_loop3A_784 = arith.constant 1 : i32
        %parallel_loop3A_785 = arith.addi %parallel_loop3A_783, %parallel_loop3A_784 : i32
        %parallel_loop3A_786 = arith.index_cast %parallel_loop3A_785 : i32 to index
        %parallel_loop3A_787 = arith.constant 32 : index
        %parallel_loop3A_788 = tpu.vector_load %arg6[%parallel_loop3A_786, %parallel_loop3A_787] {strides = array<i32>} : memref<640x64xf32, #tpu.memory_space<vmem>>, vector<1x16xf32>,
        %parallel_loop3A_789 = vector.shape_cast %parallel_loop3A_788 : vector<1x16xf32> to vector<16xf32>
        %parallel_loop3A_790 = arith.addf %parallel_loop3A_774, %parallel_loop3A_789 : vector<16xf32>
        %parallel_loop3A_791 = arith.addf %parallel_loop3A_781, %parallel_loop3A_790 : vector<16xf32>
        %parallel_loop3A_792 = arith.index_cast %parallel_loop3A_314 : i32 to index
        %parallel_loop3A_793 = arith.constant 32 : index
        %parallel_loop3A_794 = tpu.vector_load %arg8[%parallel_loop3A_792, %parallel_loop3A_793] {strides = array<i32>} : memref<32x64xf32, #tpu.memory_space<vmem>>, vector<1x16xf32>,
        %parallel_loop3A_795 = vector.shape_cast %parallel_loop3A_794 : vector<1x16xf32> to vector<16xf32>
        %parallel_loop3A_796 = vector.shape_cast %parallel_loop3A_791 : vector<16xf32> to vector<1x16xf32>
        tpu.vector_store %arg8[%parallel_loop3A_792, %parallel_loop3A_793], %parallel_loop3A_796 {strides = array<i32>} : memref<32x64xf32, #tpu.memory_space<vmem>>, vector<1x16xf32>,
        %parallel_loop3A_797 = arith.index_cast %parallel_loop3A_316 : i32 to index
        %parallel_loop3A_798 = arith.constant 48 : index
        %parallel_loop3A_799 = tpu.vector_load %arg6[%parallel_loop3A_797, %parallel_loop3A_798] {strides = array<i32>} : memref<640x64xf32, #tpu.memory_space<vmem>>, vector<1x16xf32>,
        %parallel_loop3A_800 = vector.shape_cast %parallel_loop3A_799 : vector<1x16xf32> to vector<16xf32>
        %parallel_loop3A_801 = arith.constant 1 : i32
        %parallel_loop3A_802 = arith.addi %parallel_loop3A_316, %parallel_loop3A_801 : i32
        %parallel_loop3A_803 = arith.index_cast %parallel_loop3A_802 : i32 to index
        %parallel_loop3A_804 = arith.constant 48 : index
        %parallel_loop3A_805 = tpu.vector_load %arg6[%parallel_loop3A_803, %parallel_loop3A_804] {strides = array<i32>} : memref<640x64xf32, #tpu.memory_space<vmem>>, vector<1x16xf32>,
        %parallel_loop3A_806 = vector.shape_cast %parallel_loop3A_805 : vector<1x16xf32> to vector<16xf32>
        %parallel_loop3A_807 = arith.constant 2 : i32
        %parallel_loop3A_808 = arith.addi %parallel_loop3A_316, %parallel_loop3A_807 : i32
        %parallel_loop3A_809 = arith.index_cast %parallel_loop3A_808 : i32 to index
        %parallel_loop3A_810 = arith.constant 48 : index
        %parallel_loop3A_811 = tpu.vector_load %arg6[%parallel_loop3A_809, %parallel_loop3A_810] {strides = array<i32>} : memref<640x64xf32, #tpu.memory_space<vmem>>, vector<1x16xf32>,
        %parallel_loop3A_812 = vector.shape_cast %parallel_loop3A_811 : vector<1x16xf32> to vector<16xf32>
        %parallel_loop3A_813 = arith.addf %parallel_loop3A_800, %parallel_loop3A_812 : vector<16xf32>
        %parallel_loop3A_814 = arith.constant 2 : i32
        %parallel_loop3A_815 = arith.addi %parallel_loop3A_316, %parallel_loop3A_814 : i32
        %parallel_loop3A_816 = arith.constant 1 : i32
        %parallel_loop3A_817 = arith.addi %parallel_loop3A_815, %parallel_loop3A_816 : i32
        %parallel_loop3A_818 = arith.index_cast %parallel_loop3A_817 : i32 to index
        %parallel_loop3A_819 = arith.constant 48 : index
        %parallel_loop3A_820 = tpu.vector_load %arg6[%parallel_loop3A_818, %parallel_loop3A_819] {strides = array<i32>} : memref<640x64xf32, #tpu.memory_space<vmem>>, vector<1x16xf32>,
        %parallel_loop3A_821 = vector.shape_cast %parallel_loop3A_820 : vector<1x16xf32> to vector<16xf32>
        %parallel_loop3A_822 = arith.addf %parallel_loop3A_806, %parallel_loop3A_821 : vector<16xf32>
        %parallel_loop3A_823 = arith.constant 4 : i32
        %parallel_loop3A_824 = arith.addi %parallel_loop3A_316, %parallel_loop3A_823 : i32
        %parallel_loop3A_825 = arith.index_cast %parallel_loop3A_824 : i32 to index
        %parallel_loop3A_826 = arith.constant 48 : index
        %parallel_loop3A_827 = tpu.vector_load %arg6[%parallel_loop3A_825, %parallel_loop3A_826] {strides = array<i32>} : memref<640x64xf32, #tpu.memory_space<vmem>>, vector<1x16xf32>,
        %parallel_loop3A_828 = vector.shape_cast %parallel_loop3A_827 : vector<1x16xf32> to vector<16xf32>
        %parallel_loop3A_829 = arith.addf %parallel_loop3A_813, %parallel_loop3A_828 : vector<16xf32>
        %parallel_loop3A_830 = arith.constant 4 : i32
        %parallel_loop3A_831 = arith.addi %parallel_loop3A_316, %parallel_loop3A_830 : i32
        %parallel_loop3A_832 = arith.constant 1 : i32
        %parallel_loop3A_833 = arith.addi %parallel_loop3A_831, %parallel_loop3A_832 : i32
        %parallel_loop3A_834 = arith.index_cast %parallel_loop3A_833 : i32 to index
        %parallel_loop3A_835 = arith.constant 48 : index
        %parallel_loop3A_836 = tpu.vector_load %arg6[%parallel_loop3A_834, %parallel_loop3A_835] {strides = array<i32>} : memref<640x64xf32, #tpu.memory_space<vmem>>, vector<1x16xf32>,
        %parallel_loop3A_837 = vector.shape_cast %parallel_loop3A_836 : vector<1x16xf32> to vector<16xf32>
        %parallel_loop3A_838 = arith.addf %parallel_loop3A_822, %parallel_loop3A_837 : vector<16xf32>
        %parallel_loop3A_839 = arith.constant 6 : i32
        %parallel_loop3A_840 = arith.addi %parallel_loop3A_316, %parallel_loop3A_839 : i32
        %parallel_loop3A_841 = arith.index_cast %parallel_loop3A_840 : i32 to index
        %parallel_loop3A_842 = arith.constant 48 : index
        %parallel_loop3A_843 = tpu.vector_load %arg6[%parallel_loop3A_841, %parallel_loop3A_842] {strides = array<i32>} : memref<640x64xf32, #tpu.memory_space<vmem>>, vector<1x16xf32>,
        %parallel_loop3A_844 = vector.shape_cast %parallel_loop3A_843 : vector<1x16xf32> to vector<16xf32>
        %parallel_loop3A_845 = arith.addf %parallel_loop3A_829, %parallel_loop3A_844 : vector<16xf32>
        %parallel_loop3A_846 = arith.constant 6 : i32
        %parallel_loop3A_847 = arith.addi %parallel_loop3A_316, %parallel_loop3A_846 : i32
        %parallel_loop3A_848 = arith.constant 1 : i32
        %parallel_loop3A_849 = arith.addi %parallel_loop3A_847, %parallel_loop3A_848 : i32
        %parallel_loop3A_850 = arith.index_cast %parallel_loop3A_849 : i32 to index
        %parallel_loop3A_851 = arith.constant 48 : index
        %parallel_loop3A_852 = tpu.vector_load %arg6[%parallel_loop3A_850, %parallel_loop3A_851] {strides = array<i32>} : memref<640x64xf32, #tpu.memory_space<vmem>>, vector<1x16xf32>,
        %parallel_loop3A_853 = vector.shape_cast %parallel_loop3A_852 : vector<1x16xf32> to vector<16xf32>
        %parallel_loop3A_854 = arith.addf %parallel_loop3A_838, %parallel_loop3A_853 : vector<16xf32>
        %parallel_loop3A_855 = arith.constant 8 : i32
        %parallel_loop3A_856 = arith.addi %parallel_loop3A_316, %parallel_loop3A_855 : i32
        %parallel_loop3A_857 = arith.index_cast %parallel_loop3A_856 : i32 to index
        %parallel_loop3A_858 = arith.constant 48 : index
        %parallel_loop3A_859 = tpu.vector_load %arg6[%parallel_loop3A_857, %parallel_loop3A_858] {strides = array<i32>} : memref<640x64xf32, #tpu.memory_space<vmem>>, vector<1x16xf32>,
        %parallel_loop3A_860 = vector.shape_cast %parallel_loop3A_859 : vector<1x16xf32> to vector<16xf32>
        %parallel_loop3A_861 = arith.addf %parallel_loop3A_845, %parallel_loop3A_860 : vector<16xf32>
        %parallel_loop3A_862 = arith.constant 8 : i32
        %parallel_loop3A_863 = arith.addi %parallel_loop3A_316, %parallel_loop3A_862 : i32
        %parallel_loop3A_864 = arith.constant 1 : i32
        %parallel_loop3A_865 = arith.addi %parallel_loop3A_863, %parallel_loop3A_864 : i32
        %parallel_loop3A_866 = arith.index_cast %parallel_loop3A_865 : i32 to index
        %parallel_loop3A_867 = arith.constant 48 : index
        %parallel_loop3A_868 = tpu.vector_load %arg6[%parallel_loop3A_866, %parallel_loop3A_867] {strides = array<i32>} : memref<640x64xf32, #tpu.memory_space<vmem>>, vector<1x16xf32>,
        %parallel_loop3A_869 = vector.shape_cast %parallel_loop3A_868 : vector<1x16xf32> to vector<16xf32>
        %parallel_loop3A_870 = arith.addf %parallel_loop3A_854, %parallel_loop3A_869 : vector<16xf32>
        %parallel_loop3A_871 = arith.constant 10 : i32
        %parallel_loop3A_872 = arith.addi %parallel_loop3A_316, %parallel_loop3A_871 : i32
        %parallel_loop3A_873 = arith.index_cast %parallel_loop3A_872 : i32 to index
        %parallel_loop3A_874 = arith.constant 48 : index
        %parallel_loop3A_875 = tpu.vector_load %arg6[%parallel_loop3A_873, %parallel_loop3A_874] {strides = array<i32>} : memref<640x64xf32, #tpu.memory_space<vmem>>, vector<1x16xf32>,
        %parallel_loop3A_876 = vector.shape_cast %parallel_loop3A_875 : vector<1x16xf32> to vector<16xf32>
        %parallel_loop3A_877 = arith.addf %parallel_loop3A_861, %parallel_loop3A_876 : vector<16xf32>
        %parallel_loop3A_878 = arith.constant 10 : i32
        %parallel_loop3A_879 = arith.addi %parallel_loop3A_316, %parallel_loop3A_878 : i32
        %parallel_loop3A_880 = arith.constant 1 : i32
        %parallel_loop3A_881 = arith.addi %parallel_loop3A_879, %parallel_loop3A_880 : i32
        %parallel_loop3A_882 = arith.index_cast %parallel_loop3A_881 : i32 to index
        %parallel_loop3A_883 = arith.constant 48 : index
        %parallel_loop3A_884 = tpu.vector_load %arg6[%parallel_loop3A_882, %parallel_loop3A_883] {strides = array<i32>} : memref<640x64xf32, #tpu.memory_space<vmem>>, vector<1x16xf32>,
        %parallel_loop3A_885 = vector.shape_cast %parallel_loop3A_884 : vector<1x16xf32> to vector<16xf32>
        %parallel_loop3A_886 = arith.addf %parallel_loop3A_870, %parallel_loop3A_885 : vector<16xf32>
        %parallel_loop3A_887 = arith.constant 12 : i32
        %parallel_loop3A_888 = arith.addi %parallel_loop3A_316, %parallel_loop3A_887 : i32
        %parallel_loop3A_889 = arith.index_cast %parallel_loop3A_888 : i32 to index
        %parallel_loop3A_890 = arith.constant 48 : index
        %parallel_loop3A_891 = tpu.vector_load %arg6[%parallel_loop3A_889, %parallel_loop3A_890] {strides = array<i32>} : memref<640x64xf32, #tpu.memory_space<vmem>>, vector<1x16xf32>,
        %parallel_loop3A_892 = vector.shape_cast %parallel_loop3A_891 : vector<1x16xf32> to vector<16xf32>
        %parallel_loop3A_893 = arith.addf %parallel_loop3A_877, %parallel_loop3A_892 : vector<16xf32>
        %parallel_loop3A_894 = arith.constant 12 : i32
        %parallel_loop3A_895 = arith.addi %parallel_loop3A_316, %parallel_loop3A_894 : i32
        %parallel_loop3A_896 = arith.constant 1 : i32
        %parallel_loop3A_897 = arith.addi %parallel_loop3A_895, %parallel_loop3A_896 : i32
        %parallel_loop3A_898 = arith.index_cast %parallel_loop3A_897 : i32 to index
        %parallel_loop3A_899 = arith.constant 48 : index
        %parallel_loop3A_900 = tpu.vector_load %arg6[%parallel_loop3A_898, %parallel_loop3A_899] {strides = array<i32>} : memref<640x64xf32, #tpu.memory_space<vmem>>, vector<1x16xf32>,
        %parallel_loop3A_901 = vector.shape_cast %parallel_loop3A_900 : vector<1x16xf32> to vector<16xf32>
        %parallel_loop3A_902 = arith.addf %parallel_loop3A_886, %parallel_loop3A_901 : vector<16xf32>
        %parallel_loop3A_903 = arith.constant 14 : i32
        %parallel_loop3A_904 = arith.addi %parallel_loop3A_316, %parallel_loop3A_903 : i32
        %parallel_loop3A_905 = arith.index_cast %parallel_loop3A_904 : i32 to index
        %parallel_loop3A_906 = arith.constant 48 : index
        %parallel_loop3A_907 = tpu.vector_load %arg6[%parallel_loop3A_905, %parallel_loop3A_906] {strides = array<i32>} : memref<640x64xf32, #tpu.memory_space<vmem>>, vector<1x16xf32>,
        %parallel_loop3A_908 = vector.shape_cast %parallel_loop3A_907 : vector<1x16xf32> to vector<16xf32>
        %parallel_loop3A_909 = arith.addf %parallel_loop3A_893, %parallel_loop3A_908 : vector<16xf32>
        %parallel_loop3A_910 = arith.constant 14 : i32
        %parallel_loop3A_911 = arith.addi %parallel_loop3A_316, %parallel_loop3A_910 : i32
        %parallel_loop3A_912 = arith.constant 1 : i32
        %parallel_loop3A_913 = arith.addi %parallel_loop3A_911, %parallel_loop3A_912 : i32
        %parallel_loop3A_914 = arith.index_cast %parallel_loop3A_913 : i32 to index
        %parallel_loop3A_915 = arith.constant 48 : index
        %parallel_loop3A_916 = tpu.vector_load %arg6[%parallel_loop3A_914, %parallel_loop3A_915] {strides = array<i32>} : memref<640x64xf32, #tpu.memory_space<vmem>>, vector<1x16xf32>,
        %parallel_loop3A_917 = vector.shape_cast %parallel_loop3A_916 : vector<1x16xf32> to vector<16xf32>
        %parallel_loop3A_918 = arith.addf %parallel_loop3A_902, %parallel_loop3A_917 : vector<16xf32>
        %parallel_loop3A_919 = arith.constant 16 : i32
        %parallel_loop3A_920 = arith.addi %parallel_loop3A_316, %parallel_loop3A_919 : i32
        %parallel_loop3A_921 = arith.index_cast %parallel_loop3A_920 : i32 to index
        %parallel_loop3A_922 = arith.constant 48 : index
        %parallel_loop3A_923 = tpu.vector_load %arg6[%parallel_loop3A_921, %parallel_loop3A_922] {strides = array<i32>} : memref<640x64xf32, #tpu.memory_space<vmem>>, vector<1x16xf32>,
        %parallel_loop3A_924 = vector.shape_cast %parallel_loop3A_923 : vector<1x16xf32> to vector<16xf32>
        %parallel_loop3A_925 = arith.addf %parallel_loop3A_909, %parallel_loop3A_924 : vector<16xf32>
        %parallel_loop3A_926 = arith.constant 16 : i32
        %parallel_loop3A_927 = arith.addi %parallel_loop3A_316, %parallel_loop3A_926 : i32
        %parallel_loop3A_928 = arith.constant 1 : i32
        %parallel_loop3A_929 = arith.addi %parallel_loop3A_927, %parallel_loop3A_928 : i32
        %parallel_loop3A_930 = arith.index_cast %parallel_loop3A_929 : i32 to index
        %parallel_loop3A_931 = arith.constant 48 : index
        %parallel_loop3A_932 = tpu.vector_load %arg6[%parallel_loop3A_930, %parallel_loop3A_931] {strides = array<i32>} : memref<640x64xf32, #tpu.memory_space<vmem>>, vector<1x16xf32>,
        %parallel_loop3A_933 = vector.shape_cast %parallel_loop3A_932 : vector<1x16xf32> to vector<16xf32>
        %parallel_loop3A_934 = arith.addf %parallel_loop3A_918, %parallel_loop3A_933 : vector<16xf32>
        %parallel_loop3A_935 = arith.constant 18 : i32
        %parallel_loop3A_936 = arith.addi %parallel_loop3A_316, %parallel_loop3A_935 : i32
        %parallel_loop3A_937 = arith.index_cast %parallel_loop3A_936 : i32 to index
        %parallel_loop3A_938 = arith.constant 48 : index
        %parallel_loop3A_939 = tpu.vector_load %arg6[%parallel_loop3A_937, %parallel_loop3A_938] {strides = array<i32>} : memref<640x64xf32, #tpu.memory_space<vmem>>, vector<1x16xf32>,
        %parallel_loop3A_940 = vector.shape_cast %parallel_loop3A_939 : vector<1x16xf32> to vector<16xf32>
        %parallel_loop3A_941 = arith.addf %parallel_loop3A_925, %parallel_loop3A_940 : vector<16xf32>
        %parallel_loop3A_942 = arith.constant 18 : i32
        %parallel_loop3A_943 = arith.addi %parallel_loop3A_316, %parallel_loop3A_942 : i32
        %parallel_loop3A_944 = arith.constant 1 : i32
        %parallel_loop3A_945 = arith.addi %parallel_loop3A_943, %parallel_loop3A_944 : i32
        %parallel_loop3A_946 = arith.index_cast %parallel_loop3A_945 : i32 to index
        %parallel_loop3A_947 = arith.constant 48 : index
        %parallel_loop3A_948 = tpu.vector_load %arg6[%parallel_loop3A_946, %parallel_loop3A_947] {strides = array<i32>} : memref<640x64xf32, #tpu.memory_space<vmem>>, vector<1x16xf32>,
        %parallel_loop3A_949 = vector.shape_cast %parallel_loop3A_948 : vector<1x16xf32> to vector<16xf32>
        %parallel_loop3A_950 = arith.addf %parallel_loop3A_934, %parallel_loop3A_949 : vector<16xf32>
        %parallel_loop3A_951 = arith.addf %parallel_loop3A_941, %parallel_loop3A_950 : vector<16xf32>
        %parallel_loop3A_952 = arith.index_cast %parallel_loop3A_314 : i32 to index
        %parallel_loop3A_953 = arith.constant 48 : index
        %parallel_loop3A_954 = tpu.vector_load %arg8[%parallel_loop3A_952, %parallel_loop3A_953] {strides = array<i32>} : memref<32x64xf32, #tpu.memory_space<vmem>>, vector<1x16xf32>,
        %parallel_loop3A_955 = vector.shape_cast %parallel_loop3A_954 : vector<1x16xf32> to vector<16xf32>
        %parallel_loop3A_956 = vector.shape_cast %parallel_loop3A_951 : vector<16xf32> to vector<1x16xf32>
        tpu.vector_store %arg8[%parallel_loop3A_952, %parallel_loop3A_953], %parallel_loop3A_956 {strides = array<i32>} : memref<32x64xf32, #tpu.memory_space<vmem>>, vector<1x16xf32>,
      } {sc.loop_unroll_factor = 4 : i64, sc.parallel_access}
      %mul3A_196 = arith.constant 3328 : i32
      %mul3A_197 = arith.muli %add3A, %mul3A_196 : i32
      %mul3A_198 = arith.constant 32 : i32
      %mul3A_199 = arith.muli %mul3A_64, %mul3A_198 : i32
      %add3A_200 = arith.addi %mul3A_197, %mul3A_199 : i32
      %dma_start3A_201 = arith.constant 0 : i32
      %dma_start3A_202 = tpu.memref_slice %arg4[%add3A_200, %dma_start3A_201] : memref<106496x64xf32, #tpu.memory_space<hbm>> -> memref<32x64xf32, #tpu.memory_space<hbm>>
      %dma_start3A_203 = arith.constant 0 : i32
      %dma_start3A_204 = tpu.memref_slice %arg4[%add3A_200, %dma_start3A_203] : memref<106496x64xf32, #tpu.memory_space<hbm>> -> memref<32x64xf32, #tpu.memory_space<hbm>>
      tpu.enqueue_dma source(%arg8 : memref<32x64xf32, #tpu.memory_space<vmem>>) target(%dma_start3A_204 : memref<32x64xf32, #tpu.memory_space<hbm>>) target_semaphore(%arg12 : memref<!tpu.dma_semaphore, #tpu.memory_space<semaphore_mem>>)
      %jit3A_205 = arith.constant 8 : i32
      %eq3A_206 = arith.constant 0 : i32
      %eq3A_207 = arith.cmpi eq, %jit3A_205, %eq3A_206 : i32
      %jit3A_208 = arith.constant 1 : i32
      %select_n3A_209 = arith.select %eq3A_207, %jit3A_208, %jit3A_205 : i32
      %rem3A_210 = arith.remsi %add3A_72, %select_n3A_209 : i32
      %ne3A_211 = arith.constant 0 : i32
      %ne3A_212 = arith.cmpi ne, %rem3A_210, %ne3A_211 : i32
      %lt3A_213 = arith.constant 0 : i32
      %lt3A_214 = arith.cmpi slt, %rem3A_210, %lt3A_213 : i32
      %lt3A_215 = arith.constant 0 : i32
      %lt3A_216 = arith.cmpi slt, %select_n3A_209, %lt3A_215 : i32
      %ne3A_217 = arith.xori %lt3A_214, %lt3A_216 : i1
      %and3A_218 = arith.andi %ne3A_217, %ne3A_212 : i1
      %add3A_219 = arith.addi %rem3A_210, %select_n3A_209 : i32
      %select_n3A_220 = arith.select %and3A_218, %add3A_219, %rem3A_210 : i32
      %eq3A_221 = arith.constant 0 : i32
      %eq3A_222 = arith.cmpi eq, %select_n3A_220, %eq3A_221 : i32
      %lt3A_223 = arith.constant 104 : i32
      %lt3A_224 = arith.cmpi slt, %add3A_72, %lt3A_223 : i32
      %and3A_225 = arith.andi %eq3A_222, %lt3A_224 : i1
      %convert_element_type3A_226 = arith.extui %and3A_225 : i1 to i32
      %cond3A_227 = arith.constant 0 : i32
      %cond3A_228 = arith.cmpi ne, %convert_element_type3A_226, %cond3A_227 : i32
      scf.if %cond3A_228 {
        %jit3A_314 = arith.constant 8 : i32
        %div3A = arith.divsi %add3A_72, %jit3A_314 : i32
        %sign3A = arith.constant 0 : i32
        %sign3A_315 = arith.cmpi sgt, %add3A_72, %sign3A : i32
        %sign3A_316 = arith.extui %sign3A_315 : i1 to i32
        %sign3A_317 = arith.constant 0 : i32
        %sign3A_318 = arith.cmpi slt, %add3A_72, %sign3A_317 : i32
        %sign3A_319 = arith.extui %sign3A_318 : i1 to i32
        %sign3A_320 = arith.subi %sign3A_316, %sign3A_319 : i32
        %sign3A_321 = arith.constant 0 : i32
        %sign3A_322 = arith.cmpi sgt, %jit3A_314, %sign3A_321 : i32
        %sign3A_323 = arith.extui %sign3A_322 : i1 to i32
        %sign3A_324 = arith.constant 0 : i32
        %sign3A_325 = arith.cmpi slt, %jit3A_314, %sign3A_324 : i32
        %sign3A_326 = arith.extui %sign3A_325 : i1 to i32
        %sign3A_327 = arith.subi %sign3A_323, %sign3A_326 : i32
        %ne3A_328 = arith.cmpi ne, %sign3A_320, %sign3A_327 : i32
        %rem3A_329 = arith.remsi %add3A_72, %jit3A_314 : i32
        %ne3A_330 = arith.constant 0 : i32
        %ne3A_331 = arith.cmpi ne, %rem3A_329, %ne3A_330 : i32
        %and3A_332 = arith.andi %ne3A_328, %ne3A_331 : i1
        %sub3A = arith.constant 1 : i32
        %sub3A_333 = arith.subi %div3A, %sub3A : i32
        %select_n3A_334 = arith.select %and3A_332, %sub3A_333, %div3A : i32
        %mul3A_335 = arith.constant 3328 : i32
        %mul3A_336 = arith.muli %add3A, %mul3A_335 : i32
        %mul3A_337 = arith.constant 8 : i32
        %mul3A_338 = arith.muli %select_n3A_334, %mul3A_337 : i32
        %mul3A_339 = arith.constant 32 : i32
        %mul3A_340 = arith.muli %mul3A_338, %mul3A_339 : i32
        %add3A_341 = arith.addi %mul3A_336, %mul3A_340 : i32
        %mul3A_342 = arith.constant 20 : i32
        %mul3A_343 = arith.muli %add3A_341, %mul3A_342 : i32
        %jit3A_344 = arith.constant 2 : i32
        %eq3A_345 = arith.constant 0 : i32
        %eq3A_346 = arith.cmpi eq, %jit3A_344, %eq3A_345 : i32
        %jit3A_347 = arith.constant 1 : i32
        %select_n3A_348 = arith.select %eq3A_346, %jit3A_347, %jit3A_344 : i32
        %rem3A_349 = arith.remsi %select_n3A_334, %select_n3A_348 : i32
        %ne3A_350 = arith.constant 0 : i32
        %ne3A_351 = arith.cmpi ne, %rem3A_349, %ne3A_350 : i32
        %lt3A_352 = arith.constant 0 : i32
        %lt3A_353 = arith.cmpi slt, %rem3A_349, %lt3A_352 : i32
        %lt3A_354 = arith.constant 0 : i32
        %lt3A_355 = arith.cmpi slt, %select_n3A_348, %lt3A_354 : i32
        %ne3A_356 = arith.xori %lt3A_353, %lt3A_355 : i1
        %and3A_357 = arith.andi %ne3A_356, %ne3A_351 : i1
        %add3A_358 = arith.addi %rem3A_349, %select_n3A_348 : i32
        %select_n3A_359 = arith.select %and3A_357, %add3A_358, %rem3A_349 : i32
        %mul3A_360 = arith.constant 5120 : i32
        %mul3A_361 = arith.muli %select_n3A_359, %mul3A_360 : i32
        "tpu.region"() ({
          %run_scoped3A = tpu.sem_alloc : memref<!tpu.dma_semaphore, #tpu.memory_space<semaphore_mem>>
          %dma_start3A_362 = tpu.memref_slice %arg5[%mul3A_361] : memref<10240xi32, #tpu.memory_space<vmem>> -> memref<5120xi32, #tpu.memory_space<vmem>>
          %dma_start3A_363 = tpu.memref_slice %arg2[%mul3A_343] : memref<2129920xi32, #tpu.memory_space<hbm>> -> memref<5120xi32, #tpu.memory_space<hbm>>
          %dma_start3A_364 = tpu.memref_slice %arg5[%mul3A_361] : memref<10240xi32, #tpu.memory_space<vmem>> -> memref<5120xi32, #tpu.memory_space<vmem>>
          %dma_start3A_365 = tpu.memref_slice %arg2[%mul3A_343] : memref<2129920xi32, #tpu.memory_space<hbm>> -> memref<5120xi32, #tpu.memory_space<hbm>>
          tpu.enqueue_dma source(%dma_start3A_365 : memref<5120xi32, #tpu.memory_space<hbm>>) target(%dma_start3A_364 : memref<5120xi32, #tpu.memory_space<vmem>>) target_semaphore(%run_scoped3A : memref<!tpu.dma_semaphore, #tpu.memory_space<semaphore_mem>>)
          %dma_wait3A_366 = tpu.memref_slice %arg5[%mul3A_361] : memref<10240xi32, #tpu.memory_space<vmem>> -> memref<5120xi32, #tpu.memory_space<vmem>>
          %dma_wait3A_367 = tpu.memref_slice %arg2[%mul3A_343] : memref<2129920xi32, #tpu.memory_space<hbm>> -> memref<5120xi32, #tpu.memory_space<hbm>>
          %dma_wait3A_368 = tpu.memref_slice %arg5[%mul3A_361] : memref<10240xi32, #tpu.memory_space<vmem>> -> memref<5120xi32, #tpu.memory_space<vmem>>
          %dma_wait3A_369 = tpu.memref_slice %arg2[%mul3A_343] : memref<2129920xi32, #tpu.memory_space<hbm>> -> memref<5120xi32, #tpu.memory_space<hbm>>
          tpu.wait_dma2 semaphore(%run_scoped3A : memref<!tpu.dma_semaphore, #tpu.memory_space<semaphore_mem>>) src(%dma_wait3A_369 : memref<5120xi32, #tpu.memory_space<hbm>>) dst(%dma_wait3A_368 : memref<5120xi32, #tpu.memory_space<vmem>>)
          tpu.yield
        }) : () -> ()
      } else {
      }
      %lt3A_229 = arith.constant 104 : i32
      %lt3A_230 = arith.cmpi slt, %add3A_72, %lt3A_229 : i32
      %convert_element_type3A_231 = arith.extui %lt3A_230 : i1 to i32
      %cond3A_232 = arith.constant 0 : i32
      %cond3A_233 = arith.cmpi ne, %convert_element_type3A_231, %cond3A_232 : i32
      scf.if %cond3A_233 {
        %jit3A_314 = arith.constant 16 : i32
        %eq3A_315 = arith.constant 0 : i32
        %eq3A_316 = arith.cmpi eq, %jit3A_314, %eq3A_315 : i32
        %jit3A_317 = arith.constant 1 : i32
        %select_n3A_318 = arith.select %eq3A_316, %jit3A_317, %jit3A_314 : i32
        %rem3A_319 = arith.remsi %add3A_72, %select_n3A_318 : i32
        %ne3A_320 = arith.constant 0 : i32
        %ne3A_321 = arith.cmpi ne, %rem3A_319, %ne3A_320 : i32
        %lt3A_322 = arith.constant 0 : i32
        %lt3A_323 = arith.cmpi slt, %rem3A_319, %lt3A_322 : i32
        %lt3A_324 = arith.constant 0 : i32
        %lt3A_325 = arith.cmpi slt, %select_n3A_318, %lt3A_324 : i32
        %ne3A_326 = arith.xori %lt3A_323, %lt3A_325 : i1
        %and3A_327 = arith.andi %ne3A_326, %ne3A_321 : i1
        %add3A_328 = arith.addi %rem3A_319, %select_n3A_318 : i32
        %select_n3A_329 = arith.select %and3A_327, %add3A_328, %rem3A_319 : i32
        %mul3A_330 = arith.constant 640 : i32
        %mul3A_331 = arith.muli %select_n3A_329, %mul3A_330 : i32
        %add3A_332 = arith.constant 0 : i32
        %add3A_333 = arith.addi %mul3A_331, %add3A_332 : i32
        %dma_start3A_334 = arith.constant 0 : i32
        %dma_start3A_335 = arith.constant 0 : i32
        %dma_start3A_336 = tpu.memref_slice %arg6[%dma_start3A_334, %dma_start3A_335] : memref<640x64xf32, #tpu.memory_space<vmem>> -> memref<128x64xf32, #tpu.memory_space<vmem>>
        %dma_start3A_337 = tpu.memref_slice %arg5[%add3A_333] : memref<10240xi32, #tpu.memory_space<vmem>> -> memref<128xi32, #tpu.memory_space<vmem>>
        %dma_start3A_338 = arith.constant 0 : i32
        %dma_start3A_339 = arith.constant 0 : i32
        %dma_start3A_340 = tpu.memref_slice %arg3[%dma_start3A_338, %dma_start3A_339] : memref<1000000x64xf32, #tpu.memory_space<hbm>> -> memref<1000000x64xf32, #tpu.memory_space<hbm>>
        tpu.enqueue_indirect_dma source(%dma_start3A_340 : memref<1000000x64xf32, #tpu.memory_space<hbm>>) target(%dma_start3A_336 : memref<128x64xf32, #tpu.memory_space<vmem>>) offsets(%dma_start3A_337 : memref<128xi32, #tpu.memory_space<vmem>>) semaphore(%arg10 : memref<!tpu.dma_semaphore, #tpu.memory_space<semaphore_mem>>)
        %add3A_341 = arith.constant 128 : i32
        %add3A_342 = arith.addi %mul3A_331, %add3A_341 : i32
        %dma_start3A_343 = arith.constant 128 : i32
        %dma_start3A_344 = arith.constant 0 : i32
        %dma_start3A_345 = tpu.memref_slice %arg6[%dma_start3A_343, %dma_start3A_344] : memref<640x64xf32, #tpu.memory_space<vmem>> -> memref<128x64xf32, #tpu.memory_space<vmem>>
        %dma_start3A_346 = tpu.memref_slice %arg5[%add3A_342] : memref<10240xi32, #tpu.memory_space<vmem>> -> memref<128xi32, #tpu.memory_space<vmem>>
        %dma_start3A_347 = arith.constant 0 : i32
        %dma_start3A_348 = arith.constant 0 : i32
        %dma_start3A_349 = tpu.memref_slice %arg3[%dma_start3A_347, %dma_start3A_348] : memref<1000000x64xf32, #tpu.memory_space<hbm>> -> memref<1000000x64xf32, #tpu.memory_space<hbm>>
        tpu.enqueue_indirect_dma source(%dma_start3A_349 : memref<1000000x64xf32, #tpu.memory_space<hbm>>) target(%dma_start3A_345 : memref<128x64xf32, #tpu.memory_space<vmem>>) offsets(%dma_start3A_346 : memref<128xi32, #tpu.memory_space<vmem>>) semaphore(%arg10 : memref<!tpu.dma_semaphore, #tpu.memory_space<semaphore_mem>>)
        %add3A_350 = arith.constant 256 : i32
        %add3A_351 = arith.addi %mul3A_331, %add3A_350 : i32
        %dma_start3A_352 = arith.constant 256 : i32
        %dma_start3A_353 = arith.constant 0 : i32
        %dma_start3A_354 = tpu.memref_slice %arg6[%dma_start3A_352, %dma_start3A_353] : memref<640x64xf32, #tpu.memory_space<vmem>> -> memref<128x64xf32, #tpu.memory_space<vmem>>
        %dma_start3A_355 = tpu.memref_slice %arg5[%add3A_351] : memref<10240xi32, #tpu.memory_space<vmem>> -> memref<128xi32, #tpu.memory_space<vmem>>
        %dma_start3A_356 = arith.constant 0 : i32
        %dma_start3A_357 = arith.constant 0 : i32
        %dma_start3A_358 = tpu.memref_slice %arg3[%dma_start3A_356, %dma_start3A_357] : memref<1000000x64xf32, #tpu.memory_space<hbm>> -> memref<1000000x64xf32, #tpu.memory_space<hbm>>
        tpu.enqueue_indirect_dma source(%dma_start3A_358 : memref<1000000x64xf32, #tpu.memory_space<hbm>>) target(%dma_start3A_354 : memref<128x64xf32, #tpu.memory_space<vmem>>) offsets(%dma_start3A_355 : memref<128xi32, #tpu.memory_space<vmem>>) semaphore(%arg10 : memref<!tpu.dma_semaphore, #tpu.memory_space<semaphore_mem>>)
        %add3A_359 = arith.constant 384 : i32
        %add3A_360 = arith.addi %mul3A_331, %add3A_359 : i32
        %dma_start3A_361 = arith.constant 384 : i32
        %dma_start3A_362 = arith.constant 0 : i32
        %dma_start3A_363 = tpu.memref_slice %arg6[%dma_start3A_361, %dma_start3A_362] : memref<640x64xf32, #tpu.memory_space<vmem>> -> memref<128x64xf32, #tpu.memory_space<vmem>>
        %dma_start3A_364 = tpu.memref_slice %arg5[%add3A_360] : memref<10240xi32, #tpu.memory_space<vmem>> -> memref<128xi32, #tpu.memory_space<vmem>>
        %dma_start3A_365 = arith.constant 0 : i32
        %dma_start3A_366 = arith.constant 0 : i32
        %dma_start3A_367 = tpu.memref_slice %arg3[%dma_start3A_365, %dma_start3A_366] : memref<1000000x64xf32, #tpu.memory_space<hbm>> -> memref<1000000x64xf32, #tpu.memory_space<hbm>>
        tpu.enqueue_indirect_dma source(%dma_start3A_367 : memref<1000000x64xf32, #tpu.memory_space<hbm>>) target(%dma_start3A_363 : memref<128x64xf32, #tpu.memory_space<vmem>>) offsets(%dma_start3A_364 : memref<128xi32, #tpu.memory_space<vmem>>) semaphore(%arg10 : memref<!tpu.dma_semaphore, #tpu.memory_space<semaphore_mem>>)
        %add3A_368 = arith.constant 512 : i32
        %add3A_369 = arith.addi %mul3A_331, %add3A_368 : i32
        %dma_start3A_370 = arith.constant 512 : i32
        %dma_start3A_371 = arith.constant 0 : i32
        %dma_start3A_372 = tpu.memref_slice %arg6[%dma_start3A_370, %dma_start3A_371] : memref<640x64xf32, #tpu.memory_space<vmem>> -> memref<128x64xf32, #tpu.memory_space<vmem>>
        %dma_start3A_373 = tpu.memref_slice %arg5[%add3A_369] : memref<10240xi32, #tpu.memory_space<vmem>> -> memref<128xi32, #tpu.memory_space<vmem>>
        %dma_start3A_374 = arith.constant 0 : i32
        %dma_start3A_375 = arith.constant 0 : i32
        %dma_start3A_376 = tpu.memref_slice %arg3[%dma_start3A_374, %dma_start3A_375] : memref<1000000x64xf32, #tpu.memory_space<hbm>> -> memref<1000000x64xf32, #tpu.memory_space<hbm>>
        tpu.enqueue_indirect_dma source(%dma_start3A_376 : memref<1000000x64xf32, #tpu.memory_space<hbm>>) target(%dma_start3A_372 : memref<128x64xf32, #tpu.memory_space<vmem>>) offsets(%dma_start3A_373 : memref<128xi32, #tpu.memory_space<vmem>>) semaphore(%arg10 : memref<!tpu.dma_semaphore, #tpu.memory_space<semaphore_mem>>)
      } else {
      }
      %gt3A_234 = arith.constant 0 : i32
      %gt3A_235 = arith.cmpi sgt, %scan3A_62, %gt3A_234 : i32
      %convert_element_type3A_236 = arith.extui %gt3A_235 : i1 to i32
      %cond3A_237 = arith.constant 0 : i32
      %cond3A_238 = arith.cmpi ne, %convert_element_type3A_236, %cond3A_237 : i32
      scf.if %cond3A_238 {
        %dma_wait3A_314 = arith.constant 0 : i32
        %dma_wait3A_315 = arith.constant 0 : i32
        %dma_wait3A_316 = tpu.memref_slice %arg4[%dma_wait3A_314, %dma_wait3A_315] : memref<106496x64xf32, #tpu.memory_space<hbm>> -> memref<32x64xf32, #tpu.memory_space<hbm>>
        %dma_wait3A_317 = arith.constant 0 : i32
        %dma_wait3A_318 = arith.constant 0 : i32
        %dma_wait3A_319 = tpu.memref_slice %arg4[%dma_wait3A_317, %dma_wait3A_318] : memref<106496x64xf32, #tpu.memory_space<hbm>> -> memref<32x64xf32, #tpu.memory_space<hbm>>
        tpu.wait_dma2 semaphore(%arg13 : memref<!tpu.dma_semaphore, #tpu.memory_space<semaphore_mem>>) src(%arg9 : memref<32x64xf32, #tpu.memory_space<vmem>>) dst(%dma_wait3A_319 : memref<32x64xf32, #tpu.memory_space<hbm>>)
      } else {
      }
      %jit3A_239 = arith.constant 16 : i32
      %eq3A_240 = arith.constant 0 : i32
      %eq3A_241 = arith.cmpi eq, %jit3A_239, %eq3A_240 : i32
      %jit3A_242 = arith.constant 1 : i32
      %select_n3A_243 = arith.select %eq3A_241, %jit3A_242, %jit3A_239 : i32
      %rem3A_244 = arith.remsi %add3A_68, %select_n3A_243 : i32
      %ne3A_245 = arith.constant 0 : i32
      %ne3A_246 = arith.cmpi ne, %rem3A_244, %ne3A_245 : i32
      %lt3A_247 = arith.constant 0 : i32
      %lt3A_248 = arith.cmpi slt, %rem3A_244, %lt3A_247 : i32
      %lt3A_249 = arith.constant 0 : i32
      %lt3A_250 = arith.cmpi slt, %select_n3A_243, %lt3A_249 : i32
      %ne3A_251 = arith.xori %lt3A_248, %lt3A_250 : i1
      %and3A_252 = arith.andi %ne3A_251, %ne3A_246 : i1
      %add3A_253 = arith.addi %rem3A_244, %select_n3A_243 : i32
      %select_n3A_254 = arith.select %and3A_252, %add3A_253, %rem3A_244 : i32
      %mul3A_255 = arith.constant 640 : i32
      %mul3A_256 = arith.muli %select_n3A_254, %mul3A_255 : i32
      %add3A_257 = arith.constant 0 : i32
      %add3A_258 = arith.addi %mul3A_256, %add3A_257 : i32
      %dma_wait3A_259 = arith.constant 0 : i32
      %dma_wait3A_260 = arith.constant 0 : i32
      %dma_wait3A_261 = tpu.memref_slice %arg7[%dma_wait3A_259, %dma_wait3A_260] : memref<640x64xf32, #tpu.memory_space<vmem>> -> memref<128x64xf32, #tpu.memory_space<vmem>>
      %dma_wait3A_262 = tpu.memref_slice %arg5[%add3A_258] : memref<10240xi32, #tpu.memory_space<vmem>> -> memref<128xi32, #tpu.memory_space<vmem>>
      %dma_wait3A_263 = arith.constant 0 : i32
      %dma_wait3A_264 = arith.constant 0 : i32
      %dma_wait3A_265 = tpu.memref_slice %arg3[%dma_wait3A_263, %dma_wait3A_264] : memref<1000000x64xf32, #tpu.memory_space<hbm>> -> memref<1000000x64xf32, #tpu.memory_space<hbm>>
      tpu.wait_indirect_dma semaphore(%arg11 : memref<!tpu.dma_semaphore, #tpu.memory_space<semaphore_mem>>) src(%dma_wait3A_265 : memref<1000000x64xf32, #tpu.memory_space<hbm>>) dst(%dma_wait3A_261 : memref<128x64xf32, #tpu.memory_space<vmem>>)
      %add3A_266 = arith.constant 128 : i32
      %add3A_267 = arith.addi %mul3A_256, %add3A_266 : i32
      %dma_wait3A_268 = arith.constant 128 : i32
      %dma_wait3A_269 = arith.constant 0 : i32
      %dma_wait3A_270 = tpu.memref_slice %arg7[%dma_wait3A_268, %dma_wait3A_269] : memref<640x64xf32, #tpu.memory_space<vmem>> -> memref<128x64xf32, #tpu.memory_space<vmem>>
      %dma_wait3A_271 = tpu.memref_slice %arg5[%add3A_267] : memref<10240xi32, #tpu.memory_space<vmem>> -> memref<128xi32, #tpu.memory_space<vmem>>
      %dma_wait3A_272 = arith.constant 0 : i32
      %dma_wait3A_273 = arith.constant 0 : i32
      %dma_wait3A_274 = tpu.memref_slice %arg3[%dma_wait3A_272, %dma_wait3A_273] : memref<1000000x64xf32, #tpu.memory_space<hbm>> -> memref<1000000x64xf32, #tpu.memory_space<hbm>>
      tpu.wait_indirect_dma semaphore(%arg11 : memref<!tpu.dma_semaphore, #tpu.memory_space<semaphore_mem>>) src(%dma_wait3A_274 : memref<1000000x64xf32, #tpu.memory_space<hbm>>) dst(%dma_wait3A_270 : memref<128x64xf32, #tpu.memory_space<vmem>>)
      %add3A_275 = arith.constant 256 : i32
      %add3A_276 = arith.addi %mul3A_256, %add3A_275 : i32
      %dma_wait3A_277 = arith.constant 256 : i32
      %dma_wait3A_278 = arith.constant 0 : i32
      %dma_wait3A_279 = tpu.memref_slice %arg7[%dma_wait3A_277, %dma_wait3A_278] : memref<640x64xf32, #tpu.memory_space<vmem>> -> memref<128x64xf32, #tpu.memory_space<vmem>>
      %dma_wait3A_280 = tpu.memref_slice %arg5[%add3A_276] : memref<10240xi32, #tpu.memory_space<vmem>> -> memref<128xi32, #tpu.memory_space<vmem>>
      %dma_wait3A_281 = arith.constant 0 : i32
      %dma_wait3A_282 = arith.constant 0 : i32
      %dma_wait3A_283 = tpu.memref_slice %arg3[%dma_wait3A_281, %dma_wait3A_282] : memref<1000000x64xf32, #tpu.memory_space<hbm>> -> memref<1000000x64xf32, #tpu.memory_space<hbm>>
      tpu.wait_indirect_dma semaphore(%arg11 : memref<!tpu.dma_semaphore, #tpu.memory_space<semaphore_mem>>) src(%dma_wait3A_283 : memref<1000000x64xf32, #tpu.memory_space<hbm>>) dst(%dma_wait3A_279 : memref<128x64xf32, #tpu.memory_space<vmem>>)
      %add3A_284 = arith.constant 384 : i32
      %add3A_285 = arith.addi %mul3A_256, %add3A_284 : i32
      %dma_wait3A_286 = arith.constant 384 : i32
      %dma_wait3A_287 = arith.constant 0 : i32
      %dma_wait3A_288 = tpu.memref_slice %arg7[%dma_wait3A_286, %dma_wait3A_287] : memref<640x64xf32, #tpu.memory_space<vmem>> -> memref<128x64xf32, #tpu.memory_space<vmem>>
      %dma_wait3A_289 = tpu.memref_slice %arg5[%add3A_285] : memref<10240xi32, #tpu.memory_space<vmem>> -> memref<128xi32, #tpu.memory_space<vmem>>
      %dma_wait3A_290 = arith.constant 0 : i32
      %dma_wait3A_291 = arith.constant 0 : i32
      %dma_wait3A_292 = tpu.memref_slice %arg3[%dma_wait3A_290, %dma_wait3A_291] : memref<1000000x64xf32, #tpu.memory_space<hbm>> -> memref<1000000x64xf32, #tpu.memory_space<hbm>>
      tpu.wait_indirect_dma semaphore(%arg11 : memref<!tpu.dma_semaphore, #tpu.memory_space<semaphore_mem>>) src(%dma_wait3A_292 : memref<1000000x64xf32, #tpu.memory_space<hbm>>) dst(%dma_wait3A_288 : memref<128x64xf32, #tpu.memory_space<vmem>>)
      %add3A_293 = arith.constant 512 : i32
      %add3A_294 = arith.addi %mul3A_256, %add3A_293 : i32
      %dma_wait3A_295 = arith.constant 512 : i32
      %dma_wait3A_296 = arith.constant 0 : i32
      %dma_wait3A_297 = tpu.memref_slice %arg7[%dma_wait3A_295, %dma_wait3A_296] : memref<640x64xf32, #tpu.memory_space<vmem>> -> memref<128x64xf32, #tpu.memory_space<vmem>>
      %dma_wait3A_298 = tpu.memref_slice %arg5[%add3A_294] : memref<10240xi32, #tpu.memory_space<vmem>> -> memref<128xi32, #tpu.memory_space<vmem>>
      %dma_wait3A_299 = arith.constant 0 : i32
      %dma_wait3A_300 = arith.constant 0 : i32
      %dma_wait3A_301 = tpu.memref_slice %arg3[%dma_wait3A_299, %dma_wait3A_300] : memref<1000000x64xf32, #tpu.memory_space<hbm>> -> memref<1000000x64xf32, #tpu.memory_space<hbm>>
      tpu.wait_indirect_dma semaphore(%arg11 : memref<!tpu.dma_semaphore, #tpu.memory_space<semaphore_mem>>) src(%dma_wait3A_301 : memref<1000000x64xf32, #tpu.memory_space<hbm>>) dst(%dma_wait3A_297 : memref<128x64xf32, #tpu.memory_space<vmem>>)
      %parallel_loop3A_302 = arith.constant 0 : i32
      %parallel_loop3A_303 = arith.constant 32 : i32
      %parallel_loop3A_304 = arith.constant 1 : i32
      scf.for %parallel_loop3A_314 = %parallel_loop3A_302 to %parallel_loop3A_303 step %parallel_loop3A_304  : i32 {
        %parallel_loop3A_315 = arith.constant 20 : i32
        %parallel_loop3A_316 = arith.muli %parallel_loop3A_314, %parallel_loop3A_315 : i32
        %parallel_loop3A_317 = arith.index_cast %parallel_loop3A_316 : i32 to index
        %parallel_loop3A_318 = arith.constant 0 : index
        %parallel_loop3A_319 = tpu.vector_load %arg7[%parallel_loop3A_317, %parallel_loop3A_318] {strides = array<i32>} : memref<640x64xf32, #tpu.memory_space<vmem>>, vector<1x16xf32>,
        %parallel_loop3A_320 = vector.shape_cast %parallel_loop3A_319 : vector<1x16xf32> to vector<16xf32>
        %parallel_loop3A_321 = arith.constant 1 : i32
        %parallel_loop3A_322 = arith.addi %parallel_loop3A_316, %parallel_loop3A_321 : i32
        %parallel_loop3A_323 = arith.index_cast %parallel_loop3A_322 : i32 to index
        %parallel_loop3A_324 = arith.constant 0 : index
        %parallel_loop3A_325 = tpu.vector_load %arg7[%parallel_loop3A_323, %parallel_loop3A_324] {strides = array<i32>} : memref<640x64xf32, #tpu.memory_space<vmem>>, vector<1x16xf32>,
        %parallel_loop3A_326 = vector.shape_cast %parallel_loop3A_325 : vector<1x16xf32> to vector<16xf32>
        %parallel_loop3A_327 = arith.constant 2 : i32
        %parallel_loop3A_328 = arith.addi %parallel_loop3A_316, %parallel_loop3A_327 : i32
        %parallel_loop3A_329 = arith.index_cast %parallel_loop3A_328 : i32 to index
        %parallel_loop3A_330 = arith.constant 0 : index
        %parallel_loop3A_331 = tpu.vector_load %arg7[%parallel_loop3A_329, %parallel_loop3A_330] {strides = array<i32>} : memref<640x64xf32, #tpu.memory_space<vmem>>, vector<1x16xf32>,
        %parallel_loop3A_332 = vector.shape_cast %parallel_loop3A_331 : vector<1x16xf32> to vector<16xf32>
        %parallel_loop3A_333 = arith.addf %parallel_loop3A_320, %parallel_loop3A_332 : vector<16xf32>
        %parallel_loop3A_334 = arith.constant 2 : i32
        %parallel_loop3A_335 = arith.addi %parallel_loop3A_316, %parallel_loop3A_334 : i32
        %parallel_loop3A_336 = arith.constant 1 : i32
        %parallel_loop3A_337 = arith.addi %parallel_loop3A_335, %parallel_loop3A_336 : i32
        %parallel_loop3A_338 = arith.index_cast %parallel_loop3A_337 : i32 to index
        %parallel_loop3A_339 = arith.constant 0 : index
        %parallel_loop3A_340 = tpu.vector_load %arg7[%parallel_loop3A_338, %parallel_loop3A_339] {strides = array<i32>} : memref<640x64xf32, #tpu.memory_space<vmem>>, vector<1x16xf32>,
        %parallel_loop3A_341 = vector.shape_cast %parallel_loop3A_340 : vector<1x16xf32> to vector<16xf32>
        %parallel_loop3A_342 = arith.addf %parallel_loop3A_326, %parallel_loop3A_341 : vector<16xf32>
        %parallel_loop3A_343 = arith.constant 4 : i32
        %parallel_loop3A_344 = arith.addi %parallel_loop3A_316, %parallel_loop3A_343 : i32
        %parallel_loop3A_345 = arith.index_cast %parallel_loop3A_344 : i32 to index
        %parallel_loop3A_346 = arith.constant 0 : index
        %parallel_loop3A_347 = tpu.vector_load %arg7[%parallel_loop3A_345, %parallel_loop3A_346] {strides = array<i32>} : memref<640x64xf32, #tpu.memory_space<vmem>>, vector<1x16xf32>,
        %parallel_loop3A_348 = vector.shape_cast %parallel_loop3A_347 : vector<1x16xf32> to vector<16xf32>
        %parallel_loop3A_349 = arith.addf %parallel_loop3A_333, %parallel_loop3A_348 : vector<16xf32>
        %parallel_loop3A_350 = arith.constant 4 : i32
        %parallel_loop3A_351 = arith.addi %parallel_loop3A_316, %parallel_loop3A_350 : i32
        %parallel_loop3A_352 = arith.constant 1 : i32
        %parallel_loop3A_353 = arith.addi %parallel_loop3A_351, %parallel_loop3A_352 : i32
        %parallel_loop3A_354 = arith.index_cast %parallel_loop3A_353 : i32 to index
        %parallel_loop3A_355 = arith.constant 0 : index
        %parallel_loop3A_356 = tpu.vector_load %arg7[%parallel_loop3A_354, %parallel_loop3A_355] {strides = array<i32>} : memref<640x64xf32, #tpu.memory_space<vmem>>, vector<1x16xf32>,
        %parallel_loop3A_357 = vector.shape_cast %parallel_loop3A_356 : vector<1x16xf32> to vector<16xf32>
        %parallel_loop3A_358 = arith.addf %parallel_loop3A_342, %parallel_loop3A_357 : vector<16xf32>
        %parallel_loop3A_359 = arith.constant 6 : i32
        %parallel_loop3A_360 = arith.addi %parallel_loop3A_316, %parallel_loop3A_359 : i32
        %parallel_loop3A_361 = arith.index_cast %parallel_loop3A_360 : i32 to index
        %parallel_loop3A_362 = arith.constant 0 : index
        %parallel_loop3A_363 = tpu.vector_load %arg7[%parallel_loop3A_361, %parallel_loop3A_362] {strides = array<i32>} : memref<640x64xf32, #tpu.memory_space<vmem>>, vector<1x16xf32>,
        %parallel_loop3A_364 = vector.shape_cast %parallel_loop3A_363 : vector<1x16xf32> to vector<16xf32>
        %parallel_loop3A_365 = arith.addf %parallel_loop3A_349, %parallel_loop3A_364 : vector<16xf32>
        %parallel_loop3A_366 = arith.constant 6 : i32
        %parallel_loop3A_367 = arith.addi %parallel_loop3A_316, %parallel_loop3A_366 : i32
        %parallel_loop3A_368 = arith.constant 1 : i32
        %parallel_loop3A_369 = arith.addi %parallel_loop3A_367, %parallel_loop3A_368 : i32
        %parallel_loop3A_370 = arith.index_cast %parallel_loop3A_369 : i32 to index
        %parallel_loop3A_371 = arith.constant 0 : index
        %parallel_loop3A_372 = tpu.vector_load %arg7[%parallel_loop3A_370, %parallel_loop3A_371] {strides = array<i32>} : memref<640x64xf32, #tpu.memory_space<vmem>>, vector<1x16xf32>,
        %parallel_loop3A_373 = vector.shape_cast %parallel_loop3A_372 : vector<1x16xf32> to vector<16xf32>
        %parallel_loop3A_374 = arith.addf %parallel_loop3A_358, %parallel_loop3A_373 : vector<16xf32>
        %parallel_loop3A_375 = arith.constant 8 : i32
        %parallel_loop3A_376 = arith.addi %parallel_loop3A_316, %parallel_loop3A_375 : i32
        %parallel_loop3A_377 = arith.index_cast %parallel_loop3A_376 : i32 to index
        %parallel_loop3A_378 = arith.constant 0 : index
        %parallel_loop3A_379 = tpu.vector_load %arg7[%parallel_loop3A_377, %parallel_loop3A_378] {strides = array<i32>} : memref<640x64xf32, #tpu.memory_space<vmem>>, vector<1x16xf32>,
        %parallel_loop3A_380 = vector.shape_cast %parallel_loop3A_379 : vector<1x16xf32> to vector<16xf32>
        %parallel_loop3A_381 = arith.addf %parallel_loop3A_365, %parallel_loop3A_380 : vector<16xf32>
        %parallel_loop3A_382 = arith.constant 8 : i32
        %parallel_loop3A_383 = arith.addi %parallel_loop3A_316, %parallel_loop3A_382 : i32
        %parallel_loop3A_384 = arith.constant 1 : i32
        %parallel_loop3A_385 = arith.addi %parallel_loop3A_383, %parallel_loop3A_384 : i32
        %parallel_loop3A_386 = arith.index_cast %parallel_loop3A_385 : i32 to index
        %parallel_loop3A_387 = arith.constant 0 : index
        %parallel_loop3A_388 = tpu.vector_load %arg7[%parallel_loop3A_386, %parallel_loop3A_387] {strides = array<i32>} : memref<640x64xf32, #tpu.memory_space<vmem>>, vector<1x16xf32>,
        %parallel_loop3A_389 = vector.shape_cast %parallel_loop3A_388 : vector<1x16xf32> to vector<16xf32>
        %parallel_loop3A_390 = arith.addf %parallel_loop3A_374, %parallel_loop3A_389 : vector<16xf32>
        %parallel_loop3A_391 = arith.constant 10 : i32
        %parallel_loop3A_392 = arith.addi %parallel_loop3A_316, %parallel_loop3A_391 : i32
        %parallel_loop3A_393 = arith.index_cast %parallel_loop3A_392 : i32 to index
        %parallel_loop3A_394 = arith.constant 0 : index
        %parallel_loop3A_395 = tpu.vector_load %arg7[%parallel_loop3A_393, %parallel_loop3A_394] {strides = array<i32>} : memref<640x64xf32, #tpu.memory_space<vmem>>, vector<1x16xf32>,
        %parallel_loop3A_396 = vector.shape_cast %parallel_loop3A_395 : vector<1x16xf32> to vector<16xf32>
        %parallel_loop3A_397 = arith.addf %parallel_loop3A_381, %parallel_loop3A_396 : vector<16xf32>
        %parallel_loop3A_398 = arith.constant 10 : i32
        %parallel_loop3A_399 = arith.addi %parallel_loop3A_316, %parallel_loop3A_398 : i32
        %parallel_loop3A_400 = arith.constant 1 : i32
        %parallel_loop3A_401 = arith.addi %parallel_loop3A_399, %parallel_loop3A_400 : i32
        %parallel_loop3A_402 = arith.index_cast %parallel_loop3A_401 : i32 to index
        %parallel_loop3A_403 = arith.constant 0 : index
        %parallel_loop3A_404 = tpu.vector_load %arg7[%parallel_loop3A_402, %parallel_loop3A_403] {strides = array<i32>} : memref<640x64xf32, #tpu.memory_space<vmem>>, vector<1x16xf32>,
        %parallel_loop3A_405 = vector.shape_cast %parallel_loop3A_404 : vector<1x16xf32> to vector<16xf32>
        %parallel_loop3A_406 = arith.addf %parallel_loop3A_390, %parallel_loop3A_405 : vector<16xf32>
        %parallel_loop3A_407 = arith.constant 12 : i32
        %parallel_loop3A_408 = arith.addi %parallel_loop3A_316, %parallel_loop3A_407 : i32
        %parallel_loop3A_409 = arith.index_cast %parallel_loop3A_408 : i32 to index
        %parallel_loop3A_410 = arith.constant 0 : index
        %parallel_loop3A_411 = tpu.vector_load %arg7[%parallel_loop3A_409, %parallel_loop3A_410] {strides = array<i32>} : memref<640x64xf32, #tpu.memory_space<vmem>>, vector<1x16xf32>,
        %parallel_loop3A_412 = vector.shape_cast %parallel_loop3A_411 : vector<1x16xf32> to vector<16xf32>
        %parallel_loop3A_413 = arith.addf %parallel_loop3A_397, %parallel_loop3A_412 : vector<16xf32>
        %parallel_loop3A_414 = arith.constant 12 : i32
        %parallel_loop3A_415 = arith.addi %parallel_loop3A_316, %parallel_loop3A_414 : i32
        %parallel_loop3A_416 = arith.constant 1 : i32
        %parallel_loop3A_417 = arith.addi %parallel_loop3A_415, %parallel_loop3A_416 : i32
        %parallel_loop3A_418 = arith.index_cast %parallel_loop3A_417 : i32 to index
        %parallel_loop3A_419 = arith.constant 0 : index
        %parallel_loop3A_420 = tpu.vector_load %arg7[%parallel_loop3A_418, %parallel_loop3A_419] {strides = array<i32>} : memref<640x64xf32, #tpu.memory_space<vmem>>, vector<1x16xf32>,
        %parallel_loop3A_421 = vector.shape_cast %parallel_loop3A_420 : vector<1x16xf32> to vector<16xf32>
        %parallel_loop3A_422 = arith.addf %parallel_loop3A_406, %parallel_loop3A_421 : vector<16xf32>
        %parallel_loop3A_423 = arith.constant 14 : i32
        %parallel_loop3A_424 = arith.addi %parallel_loop3A_316, %parallel_loop3A_423 : i32
        %parallel_loop3A_425 = arith.index_cast %parallel_loop3A_424 : i32 to index
        %parallel_loop3A_426 = arith.constant 0 : index
        %parallel_loop3A_427 = tpu.vector_load %arg7[%parallel_loop3A_425, %parallel_loop3A_426] {strides = array<i32>} : memref<640x64xf32, #tpu.memory_space<vmem>>, vector<1x16xf32>,
        %parallel_loop3A_428 = vector.shape_cast %parallel_loop3A_427 : vector<1x16xf32> to vector<16xf32>
        %parallel_loop3A_429 = arith.addf %parallel_loop3A_413, %parallel_loop3A_428 : vector<16xf32>
        %parallel_loop3A_430 = arith.constant 14 : i32
        %parallel_loop3A_431 = arith.addi %parallel_loop3A_316, %parallel_loop3A_430 : i32
        %parallel_loop3A_432 = arith.constant 1 : i32
        %parallel_loop3A_433 = arith.addi %parallel_loop3A_431, %parallel_loop3A_432 : i32
        %parallel_loop3A_434 = arith.index_cast %parallel_loop3A_433 : i32 to index
        %parallel_loop3A_435 = arith.constant 0 : index
        %parallel_loop3A_436 = tpu.vector_load %arg7[%parallel_loop3A_434, %parallel_loop3A_435] {strides = array<i32>} : memref<640x64xf32, #tpu.memory_space<vmem>>, vector<1x16xf32>,
        %parallel_loop3A_437 = vector.shape_cast %parallel_loop3A_436 : vector<1x16xf32> to vector<16xf32>
        %parallel_loop3A_438 = arith.addf %parallel_loop3A_422, %parallel_loop3A_437 : vector<16xf32>
        %parallel_loop3A_439 = arith.constant 16 : i32
        %parallel_loop3A_440 = arith.addi %parallel_loop3A_316, %parallel_loop3A_439 : i32
        %parallel_loop3A_441 = arith.index_cast %parallel_loop3A_440 : i32 to index
        %parallel_loop3A_442 = arith.constant 0 : index
        %parallel_loop3A_443 = tpu.vector_load %arg7[%parallel_loop3A_441, %parallel_loop3A_442] {strides = array<i32>} : memref<640x64xf32, #tpu.memory_space<vmem>>, vector<1x16xf32>,
        %parallel_loop3A_444 = vector.shape_cast %parallel_loop3A_443 : vector<1x16xf32> to vector<16xf32>
        %parallel_loop3A_445 = arith.addf %parallel_loop3A_429, %parallel_loop3A_444 : vector<16xf32>
        %parallel_loop3A_446 = arith.constant 16 : i32
        %parallel_loop3A_447 = arith.addi %parallel_loop3A_316, %parallel_loop3A_446 : i32
        %parallel_loop3A_448 = arith.constant 1 : i32
        %parallel_loop3A_449 = arith.addi %parallel_loop3A_447, %parallel_loop3A_448 : i32
        %parallel_loop3A_450 = arith.index_cast %parallel_loop3A_449 : i32 to index
        %parallel_loop3A_451 = arith.constant 0 : index
        %parallel_loop3A_452 = tpu.vector_load %arg7[%parallel_loop3A_450, %parallel_loop3A_451] {strides = array<i32>} : memref<640x64xf32, #tpu.memory_space<vmem>>, vector<1x16xf32>,
        %parallel_loop3A_453 = vector.shape_cast %parallel_loop3A_452 : vector<1x16xf32> to vector<16xf32>
        %parallel_loop3A_454 = arith.addf %parallel_loop3A_438, %parallel_loop3A_453 : vector<16xf32>
        %parallel_loop3A_455 = arith.constant 18 : i32
        %parallel_loop3A_456 = arith.addi %parallel_loop3A_316, %parallel_loop3A_455 : i32
        %parallel_loop3A_457 = arith.index_cast %parallel_loop3A_456 : i32 to index
        %parallel_loop3A_458 = arith.constant 0 : index
        %parallel_loop3A_459 = tpu.vector_load %arg7[%parallel_loop3A_457, %parallel_loop3A_458] {strides = array<i32>} : memref<640x64xf32, #tpu.memory_space<vmem>>, vector<1x16xf32>,
        %parallel_loop3A_460 = vector.shape_cast %parallel_loop3A_459 : vector<1x16xf32> to vector<16xf32>
        %parallel_loop3A_461 = arith.addf %parallel_loop3A_445, %parallel_loop3A_460 : vector<16xf32>
        %parallel_loop3A_462 = arith.constant 18 : i32
        %parallel_loop3A_463 = arith.addi %parallel_loop3A_316, %parallel_loop3A_462 : i32
        %parallel_loop3A_464 = arith.constant 1 : i32
        %parallel_loop3A_465 = arith.addi %parallel_loop3A_463, %parallel_loop3A_464 : i32
        %parallel_loop3A_466 = arith.index_cast %parallel_loop3A_465 : i32 to index
        %parallel_loop3A_467 = arith.constant 0 : index
        %parallel_loop3A_468 = tpu.vector_load %arg7[%parallel_loop3A_466, %parallel_loop3A_467] {strides = array<i32>} : memref<640x64xf32, #tpu.memory_space<vmem>>, vector<1x16xf32>,
        %parallel_loop3A_469 = vector.shape_cast %parallel_loop3A_468 : vector<1x16xf32> to vector<16xf32>
        %parallel_loop3A_470 = arith.addf %parallel_loop3A_454, %parallel_loop3A_469 : vector<16xf32>
        %parallel_loop3A_471 = arith.addf %parallel_loop3A_461, %parallel_loop3A_470 : vector<16xf32>
        %parallel_loop3A_472 = arith.index_cast %parallel_loop3A_314 : i32 to index
        %parallel_loop3A_473 = arith.constant 0 : index
        %parallel_loop3A_474 = tpu.vector_load %arg9[%parallel_loop3A_472, %parallel_loop3A_473] {strides = array<i32>} : memref<32x64xf32, #tpu.memory_space<vmem>>, vector<1x16xf32>,
        %parallel_loop3A_475 = vector.shape_cast %parallel_loop3A_474 : vector<1x16xf32> to vector<16xf32>
        %parallel_loop3A_476 = vector.shape_cast %parallel_loop3A_471 : vector<16xf32> to vector<1x16xf32>
        tpu.vector_store %arg9[%parallel_loop3A_472, %parallel_loop3A_473], %parallel_loop3A_476 {strides = array<i32>} : memref<32x64xf32, #tpu.memory_space<vmem>>, vector<1x16xf32>,
        %parallel_loop3A_477 = arith.index_cast %parallel_loop3A_316 : i32 to index
        %parallel_loop3A_478 = arith.constant 16 : index
        %parallel_loop3A_479 = tpu.vector_load %arg7[%parallel_loop3A_477, %parallel_loop3A_478] {strides = array<i32>} : memref<640x64xf32, #tpu.memory_space<vmem>>, vector<1x16xf32>,
        %parallel_loop3A_480 = vector.shape_cast %parallel_loop3A_479 : vector<1x16xf32> to vector<16xf32>
        %parallel_loop3A_481 = arith.constant 1 : i32
        %parallel_loop3A_482 = arith.addi %parallel_loop3A_316, %parallel_loop3A_481 : i32
        %parallel_loop3A_483 = arith.index_cast %parallel_loop3A_482 : i32 to index
        %parallel_loop3A_484 = arith.constant 16 : index
        %parallel_loop3A_485 = tpu.vector_load %arg7[%parallel_loop3A_483, %parallel_loop3A_484] {strides = array<i32>} : memref<640x64xf32, #tpu.memory_space<vmem>>, vector<1x16xf32>,
        %parallel_loop3A_486 = vector.shape_cast %parallel_loop3A_485 : vector<1x16xf32> to vector<16xf32>
        %parallel_loop3A_487 = arith.constant 2 : i32
        %parallel_loop3A_488 = arith.addi %parallel_loop3A_316, %parallel_loop3A_487 : i32
        %parallel_loop3A_489 = arith.index_cast %parallel_loop3A_488 : i32 to index
        %parallel_loop3A_490 = arith.constant 16 : index
        %parallel_loop3A_491 = tpu.vector_load %arg7[%parallel_loop3A_489, %parallel_loop3A_490] {strides = array<i32>} : memref<640x64xf32, #tpu.memory_space<vmem>>, vector<1x16xf32>,
        %parallel_loop3A_492 = vector.shape_cast %parallel_loop3A_491 : vector<1x16xf32> to vector<16xf32>
        %parallel_loop3A_493 = arith.addf %parallel_loop3A_480, %parallel_loop3A_492 : vector<16xf32>
        %parallel_loop3A_494 = arith.constant 2 : i32
        %parallel_loop3A_495 = arith.addi %parallel_loop3A_316, %parallel_loop3A_494 : i32
        %parallel_loop3A_496 = arith.constant 1 : i32
        %parallel_loop3A_497 = arith.addi %parallel_loop3A_495, %parallel_loop3A_496 : i32
        %parallel_loop3A_498 = arith.index_cast %parallel_loop3A_497 : i32 to index
        %parallel_loop3A_499 = arith.constant 16 : index
        %parallel_loop3A_500 = tpu.vector_load %arg7[%parallel_loop3A_498, %parallel_loop3A_499] {strides = array<i32>} : memref<640x64xf32, #tpu.memory_space<vmem>>, vector<1x16xf32>,
        %parallel_loop3A_501 = vector.shape_cast %parallel_loop3A_500 : vector<1x16xf32> to vector<16xf32>
        %parallel_loop3A_502 = arith.addf %parallel_loop3A_486, %parallel_loop3A_501 : vector<16xf32>
        %parallel_loop3A_503 = arith.constant 4 : i32
        %parallel_loop3A_504 = arith.addi %parallel_loop3A_316, %parallel_loop3A_503 : i32
        %parallel_loop3A_505 = arith.index_cast %parallel_loop3A_504 : i32 to index
        %parallel_loop3A_506 = arith.constant 16 : index
        %parallel_loop3A_507 = tpu.vector_load %arg7[%parallel_loop3A_505, %parallel_loop3A_506] {strides = array<i32>} : memref<640x64xf32, #tpu.memory_space<vmem>>, vector<1x16xf32>,
        %parallel_loop3A_508 = vector.shape_cast %parallel_loop3A_507 : vector<1x16xf32> to vector<16xf32>
        %parallel_loop3A_509 = arith.addf %parallel_loop3A_493, %parallel_loop3A_508 : vector<16xf32>
        %parallel_loop3A_510 = arith.constant 4 : i32
        %parallel_loop3A_511 = arith.addi %parallel_loop3A_316, %parallel_loop3A_510 : i32
        %parallel_loop3A_512 = arith.constant 1 : i32
        %parallel_loop3A_513 = arith.addi %parallel_loop3A_511, %parallel_loop3A_512 : i32
        %parallel_loop3A_514 = arith.index_cast %parallel_loop3A_513 : i32 to index
        %parallel_loop3A_515 = arith.constant 16 : index
        %parallel_loop3A_516 = tpu.vector_load %arg7[%parallel_loop3A_514, %parallel_loop3A_515] {strides = array<i32>} : memref<640x64xf32, #tpu.memory_space<vmem>>, vector<1x16xf32>,
        %parallel_loop3A_517 = vector.shape_cast %parallel_loop3A_516 : vector<1x16xf32> to vector<16xf32>
        %parallel_loop3A_518 = arith.addf %parallel_loop3A_502, %parallel_loop3A_517 : vector<16xf32>
        %parallel_loop3A_519 = arith.constant 6 : i32
        %parallel_loop3A_520 = arith.addi %parallel_loop3A_316, %parallel_loop3A_519 : i32
        %parallel_loop3A_521 = arith.index_cast %parallel_loop3A_520 : i32 to index
        %parallel_loop3A_522 = arith.constant 16 : index
        %parallel_loop3A_523 = tpu.vector_load %arg7[%parallel_loop3A_521, %parallel_loop3A_522] {strides = array<i32>} : memref<640x64xf32, #tpu.memory_space<vmem>>, vector<1x16xf32>,
        %parallel_loop3A_524 = vector.shape_cast %parallel_loop3A_523 : vector<1x16xf32> to vector<16xf32>
        %parallel_loop3A_525 = arith.addf %parallel_loop3A_509, %parallel_loop3A_524 : vector<16xf32>
        %parallel_loop3A_526 = arith.constant 6 : i32
        %parallel_loop3A_527 = arith.addi %parallel_loop3A_316, %parallel_loop3A_526 : i32
        %parallel_loop3A_528 = arith.constant 1 : i32
        %parallel_loop3A_529 = arith.addi %parallel_loop3A_527, %parallel_loop3A_528 : i32
        %parallel_loop3A_530 = arith.index_cast %parallel_loop3A_529 : i32 to index
        %parallel_loop3A_531 = arith.constant 16 : index
        %parallel_loop3A_532 = tpu.vector_load %arg7[%parallel_loop3A_530, %parallel_loop3A_531] {strides = array<i32>} : memref<640x64xf32, #tpu.memory_space<vmem>>, vector<1x16xf32>,
        %parallel_loop3A_533 = vector.shape_cast %parallel_loop3A_532 : vector<1x16xf32> to vector<16xf32>
        %parallel_loop3A_534 = arith.addf %parallel_loop3A_518, %parallel_loop3A_533 : vector<16xf32>
        %parallel_loop3A_535 = arith.constant 8 : i32
        %parallel_loop3A_536 = arith.addi %parallel_loop3A_316, %parallel_loop3A_535 : i32
        %parallel_loop3A_537 = arith.index_cast %parallel_loop3A_536 : i32 to index
        %parallel_loop3A_538 = arith.constant 16 : index
        %parallel_loop3A_539 = tpu.vector_load %arg7[%parallel_loop3A_537, %parallel_loop3A_538] {strides = array<i32>} : memref<640x64xf32, #tpu.memory_space<vmem>>, vector<1x16xf32>,
        %parallel_loop3A_540 = vector.shape_cast %parallel_loop3A_539 : vector<1x16xf32> to vector<16xf32>
        %parallel_loop3A_541 = arith.addf %parallel_loop3A_525, %parallel_loop3A_540 : vector<16xf32>
        %parallel_loop3A_542 = arith.constant 8 : i32
        %parallel_loop3A_543 = arith.addi %parallel_loop3A_316, %parallel_loop3A_542 : i32
        %parallel_loop3A_544 = arith.constant 1 : i32
        %parallel_loop3A_545 = arith.addi %parallel_loop3A_543, %parallel_loop3A_544 : i32
        %parallel_loop3A_546 = arith.index_cast %parallel_loop3A_545 : i32 to index
        %parallel_loop3A_547 = arith.constant 16 : index
        %parallel_loop3A_548 = tpu.vector_load %arg7[%parallel_loop3A_546, %parallel_loop3A_547] {strides = array<i32>} : memref<640x64xf32, #tpu.memory_space<vmem>>, vector<1x16xf32>,
        %parallel_loop3A_549 = vector.shape_cast %parallel_loop3A_548 : vector<1x16xf32> to vector<16xf32>
        %parallel_loop3A_550 = arith.addf %parallel_loop3A_534, %parallel_loop3A_549 : vector<16xf32>
        %parallel_loop3A_551 = arith.constant 10 : i32
        %parallel_loop3A_552 = arith.addi %parallel_loop3A_316, %parallel_loop3A_551 : i32
        %parallel_loop3A_553 = arith.index_cast %parallel_loop3A_552 : i32 to index
        %parallel_loop3A_554 = arith.constant 16 : index
        %parallel_loop3A_555 = tpu.vector_load %arg7[%parallel_loop3A_553, %parallel_loop3A_554] {strides = array<i32>} : memref<640x64xf32, #tpu.memory_space<vmem>>, vector<1x16xf32>,
        %parallel_loop3A_556 = vector.shape_cast %parallel_loop3A_555 : vector<1x16xf32> to vector<16xf32>
        %parallel_loop3A_557 = arith.addf %parallel_loop3A_541, %parallel_loop3A_556 : vector<16xf32>
        %parallel_loop3A_558 = arith.constant 10 : i32
        %parallel_loop3A_559 = arith.addi %parallel_loop3A_316, %parallel_loop3A_558 : i32
        %parallel_loop3A_560 = arith.constant 1 : i32
        %parallel_loop3A_561 = arith.addi %parallel_loop3A_559, %parallel_loop3A_560 : i32
        %parallel_loop3A_562 = arith.index_cast %parallel_loop3A_561 : i32 to index
        %parallel_loop3A_563 = arith.constant 16 : index
        %parallel_loop3A_564 = tpu.vector_load %arg7[%parallel_loop3A_562, %parallel_loop3A_563] {strides = array<i32>} : memref<640x64xf32, #tpu.memory_space<vmem>>, vector<1x16xf32>,
        %parallel_loop3A_565 = vector.shape_cast %parallel_loop3A_564 : vector<1x16xf32> to vector<16xf32>
        %parallel_loop3A_566 = arith.addf %parallel_loop3A_550, %parallel_loop3A_565 : vector<16xf32>
        %parallel_loop3A_567 = arith.constant 12 : i32
        %parallel_loop3A_568 = arith.addi %parallel_loop3A_316, %parallel_loop3A_567 : i32
        %parallel_loop3A_569 = arith.index_cast %parallel_loop3A_568 : i32 to index
        %parallel_loop3A_570 = arith.constant 16 : index
        %parallel_loop3A_571 = tpu.vector_load %arg7[%parallel_loop3A_569, %parallel_loop3A_570] {strides = array<i32>} : memref<640x64xf32, #tpu.memory_space<vmem>>, vector<1x16xf32>,
        %parallel_loop3A_572 = vector.shape_cast %parallel_loop3A_571 : vector<1x16xf32> to vector<16xf32>
        %parallel_loop3A_573 = arith.addf %parallel_loop3A_557, %parallel_loop3A_572 : vector<16xf32>
        %parallel_loop3A_574 = arith.constant 12 : i32
        %parallel_loop3A_575 = arith.addi %parallel_loop3A_316, %parallel_loop3A_574 : i32
        %parallel_loop3A_576 = arith.constant 1 : i32
        %parallel_loop3A_577 = arith.addi %parallel_loop3A_575, %parallel_loop3A_576 : i32
        %parallel_loop3A_578 = arith.index_cast %parallel_loop3A_577 : i32 to index
        %parallel_loop3A_579 = arith.constant 16 : index
        %parallel_loop3A_580 = tpu.vector_load %arg7[%parallel_loop3A_578, %parallel_loop3A_579] {strides = array<i32>} : memref<640x64xf32, #tpu.memory_space<vmem>>, vector<1x16xf32>,
        %parallel_loop3A_581 = vector.shape_cast %parallel_loop3A_580 : vector<1x16xf32> to vector<16xf32>
        %parallel_loop3A_582 = arith.addf %parallel_loop3A_566, %parallel_loop3A_581 : vector<16xf32>
        %parallel_loop3A_583 = arith.constant 14 : i32
        %parallel_loop3A_584 = arith.addi %parallel_loop3A_316, %parallel_loop3A_583 : i32
        %parallel_loop3A_585 = arith.index_cast %parallel_loop3A_584 : i32 to index
        %parallel_loop3A_586 = arith.constant 16 : index
        %parallel_loop3A_587 = tpu.vector_load %arg7[%parallel_loop3A_585, %parallel_loop3A_586] {strides = array<i32>} : memref<640x64xf32, #tpu.memory_space<vmem>>, vector<1x16xf32>,
        %parallel_loop3A_588 = vector.shape_cast %parallel_loop3A_587 : vector<1x16xf32> to vector<16xf32>
        %parallel_loop3A_589 = arith.addf %parallel_loop3A_573, %parallel_loop3A_588 : vector<16xf32>
        %parallel_loop3A_590 = arith.constant 14 : i32
        %parallel_loop3A_591 = arith.addi %parallel_loop3A_316, %parallel_loop3A_590 : i32
        %parallel_loop3A_592 = arith.constant 1 : i32
        %parallel_loop3A_593 = arith.addi %parallel_loop3A_591, %parallel_loop3A_592 : i32
        %parallel_loop3A_594 = arith.index_cast %parallel_loop3A_593 : i32 to index
        %parallel_loop3A_595 = arith.constant 16 : index
        %parallel_loop3A_596 = tpu.vector_load %arg7[%parallel_loop3A_594, %parallel_loop3A_595] {strides = array<i32>} : memref<640x64xf32, #tpu.memory_space<vmem>>, vector<1x16xf32>,
        %parallel_loop3A_597 = vector.shape_cast %parallel_loop3A_596 : vector<1x16xf32> to vector<16xf32>
        %parallel_loop3A_598 = arith.addf %parallel_loop3A_582, %parallel_loop3A_597 : vector<16xf32>
        %parallel_loop3A_599 = arith.constant 16 : i32
        %parallel_loop3A_600 = arith.addi %parallel_loop3A_316, %parallel_loop3A_599 : i32
        %parallel_loop3A_601 = arith.index_cast %parallel_loop3A_600 : i32 to index
        %parallel_loop3A_602 = arith.constant 16 : index
        %parallel_loop3A_603 = tpu.vector_load %arg7[%parallel_loop3A_601, %parallel_loop3A_602] {strides = array<i32>} : memref<640x64xf32, #tpu.memory_space<vmem>>, vector<1x16xf32>,
        %parallel_loop3A_604 = vector.shape_cast %parallel_loop3A_603 : vector<1x16xf32> to vector<16xf32>
        %parallel_loop3A_605 = arith.addf %parallel_loop3A_589, %parallel_loop3A_604 : vector<16xf32>
        %parallel_loop3A_606 = arith.constant 16 : i32
        %parallel_loop3A_607 = arith.addi %parallel_loop3A_316, %parallel_loop3A_606 : i32
        %parallel_loop3A_608 = arith.constant 1 : i32
        %parallel_loop3A_609 = arith.addi %parallel_loop3A_607, %parallel_loop3A_608 : i32
        %parallel_loop3A_610 = arith.index_cast %parallel_loop3A_609 : i32 to index
        %parallel_loop3A_611 = arith.constant 16 : index
        %parallel_loop3A_612 = tpu.vector_load %arg7[%parallel_loop3A_610, %parallel_loop3A_611] {strides = array<i32>} : memref<640x64xf32, #tpu.memory_space<vmem>>, vector<1x16xf32>,
        %parallel_loop3A_613 = vector.shape_cast %parallel_loop3A_612 : vector<1x16xf32> to vector<16xf32>
        %parallel_loop3A_614 = arith.addf %parallel_loop3A_598, %parallel_loop3A_613 : vector<16xf32>
        %parallel_loop3A_615 = arith.constant 18 : i32
        %parallel_loop3A_616 = arith.addi %parallel_loop3A_316, %parallel_loop3A_615 : i32
        %parallel_loop3A_617 = arith.index_cast %parallel_loop3A_616 : i32 to index
        %parallel_loop3A_618 = arith.constant 16 : index
        %parallel_loop3A_619 = tpu.vector_load %arg7[%parallel_loop3A_617, %parallel_loop3A_618] {strides = array<i32>} : memref<640x64xf32, #tpu.memory_space<vmem>>, vector<1x16xf32>,
        %parallel_loop3A_620 = vector.shape_cast %parallel_loop3A_619 : vector<1x16xf32> to vector<16xf32>
        %parallel_loop3A_621 = arith.addf %parallel_loop3A_605, %parallel_loop3A_620 : vector<16xf32>
        %parallel_loop3A_622 = arith.constant 18 : i32
        %parallel_loop3A_623 = arith.addi %parallel_loop3A_316, %parallel_loop3A_622 : i32
        %parallel_loop3A_624 = arith.constant 1 : i32
        %parallel_loop3A_625 = arith.addi %parallel_loop3A_623, %parallel_loop3A_624 : i32
        %parallel_loop3A_626 = arith.index_cast %parallel_loop3A_625 : i32 to index
        %parallel_loop3A_627 = arith.constant 16 : index
        %parallel_loop3A_628 = tpu.vector_load %arg7[%parallel_loop3A_626, %parallel_loop3A_627] {strides = array<i32>} : memref<640x64xf32, #tpu.memory_space<vmem>>, vector<1x16xf32>,
        %parallel_loop3A_629 = vector.shape_cast %parallel_loop3A_628 : vector<1x16xf32> to vector<16xf32>
        %parallel_loop3A_630 = arith.addf %parallel_loop3A_614, %parallel_loop3A_629 : vector<16xf32>
        %parallel_loop3A_631 = arith.addf %parallel_loop3A_621, %parallel_loop3A_630 : vector<16xf32>
        %parallel_loop3A_632 = arith.index_cast %parallel_loop3A_314 : i32 to index
        %parallel_loop3A_633 = arith.constant 16 : index
        %parallel_loop3A_634 = tpu.vector_load %arg9[%parallel_loop3A_632, %parallel_loop3A_633] {strides = array<i32>} : memref<32x64xf32, #tpu.memory_space<vmem>>, vector<1x16xf32>,
        %parallel_loop3A_635 = vector.shape_cast %parallel_loop3A_634 : vector<1x16xf32> to vector<16xf32>
        %parallel_loop3A_636 = vector.shape_cast %parallel_loop3A_631 : vector<16xf32> to vector<1x16xf32>
        tpu.vector_store %arg9[%parallel_loop3A_632, %parallel_loop3A_633], %parallel_loop3A_636 {strides = array<i32>} : memref<32x64xf32, #tpu.memory_space<vmem>>, vector<1x16xf32>,
        %parallel_loop3A_637 = arith.index_cast %parallel_loop3A_316 : i32 to index
        %parallel_loop3A_638 = arith.constant 32 : index
        %parallel_loop3A_639 = tpu.vector_load %arg7[%parallel_loop3A_637, %parallel_loop3A_638] {strides = array<i32>} : memref<640x64xf32, #tpu.memory_space<vmem>>, vector<1x16xf32>,
        %parallel_loop3A_640 = vector.shape_cast %parallel_loop3A_639 : vector<1x16xf32> to vector<16xf32>
        %parallel_loop3A_641 = arith.constant 1 : i32
        %parallel_loop3A_642 = arith.addi %parallel_loop3A_316, %parallel_loop3A_641 : i32
        %parallel_loop3A_643 = arith.index_cast %parallel_loop3A_642 : i32 to index
        %parallel_loop3A_644 = arith.constant 32 : index
        %parallel_loop3A_645 = tpu.vector_load %arg7[%parallel_loop3A_643, %parallel_loop3A_644] {strides = array<i32>} : memref<640x64xf32, #tpu.memory_space<vmem>>, vector<1x16xf32>,
        %parallel_loop3A_646 = vector.shape_cast %parallel_loop3A_645 : vector<1x16xf32> to vector<16xf32>
        %parallel_loop3A_647 = arith.constant 2 : i32
        %parallel_loop3A_648 = arith.addi %parallel_loop3A_316, %parallel_loop3A_647 : i32
        %parallel_loop3A_649 = arith.index_cast %parallel_loop3A_648 : i32 to index
        %parallel_loop3A_650 = arith.constant 32 : index
        %parallel_loop3A_651 = tpu.vector_load %arg7[%parallel_loop3A_649, %parallel_loop3A_650] {strides = array<i32>} : memref<640x64xf32, #tpu.memory_space<vmem>>, vector<1x16xf32>,
        %parallel_loop3A_652 = vector.shape_cast %parallel_loop3A_651 : vector<1x16xf32> to vector<16xf32>
        %parallel_loop3A_653 = arith.addf %parallel_loop3A_640, %parallel_loop3A_652 : vector<16xf32>
        %parallel_loop3A_654 = arith.constant 2 : i32
        %parallel_loop3A_655 = arith.addi %parallel_loop3A_316, %parallel_loop3A_654 : i32
        %parallel_loop3A_656 = arith.constant 1 : i32
        %parallel_loop3A_657 = arith.addi %parallel_loop3A_655, %parallel_loop3A_656 : i32
        %parallel_loop3A_658 = arith.index_cast %parallel_loop3A_657 : i32 to index
        %parallel_loop3A_659 = arith.constant 32 : index
        %parallel_loop3A_660 = tpu.vector_load %arg7[%parallel_loop3A_658, %parallel_loop3A_659] {strides = array<i32>} : memref<640x64xf32, #tpu.memory_space<vmem>>, vector<1x16xf32>,
        %parallel_loop3A_661 = vector.shape_cast %parallel_loop3A_660 : vector<1x16xf32> to vector<16xf32>
        %parallel_loop3A_662 = arith.addf %parallel_loop3A_646, %parallel_loop3A_661 : vector<16xf32>
        %parallel_loop3A_663 = arith.constant 4 : i32
        %parallel_loop3A_664 = arith.addi %parallel_loop3A_316, %parallel_loop3A_663 : i32
        %parallel_loop3A_665 = arith.index_cast %parallel_loop3A_664 : i32 to index
        %parallel_loop3A_666 = arith.constant 32 : index
        %parallel_loop3A_667 = tpu.vector_load %arg7[%parallel_loop3A_665, %parallel_loop3A_666] {strides = array<i32>} : memref<640x64xf32, #tpu.memory_space<vmem>>, vector<1x16xf32>,
        %parallel_loop3A_668 = vector.shape_cast %parallel_loop3A_667 : vector<1x16xf32> to vector<16xf32>
        %parallel_loop3A_669 = arith.addf %parallel_loop3A_653, %parallel_loop3A_668 : vector<16xf32>
        %parallel_loop3A_670 = arith.constant 4 : i32
        %parallel_loop3A_671 = arith.addi %parallel_loop3A_316, %parallel_loop3A_670 : i32
        %parallel_loop3A_672 = arith.constant 1 : i32
        %parallel_loop3A_673 = arith.addi %parallel_loop3A_671, %parallel_loop3A_672 : i32
        %parallel_loop3A_674 = arith.index_cast %parallel_loop3A_673 : i32 to index
        %parallel_loop3A_675 = arith.constant 32 : index
        %parallel_loop3A_676 = tpu.vector_load %arg7[%parallel_loop3A_674, %parallel_loop3A_675] {strides = array<i32>} : memref<640x64xf32, #tpu.memory_space<vmem>>, vector<1x16xf32>,
        %parallel_loop3A_677 = vector.shape_cast %parallel_loop3A_676 : vector<1x16xf32> to vector<16xf32>
        %parallel_loop3A_678 = arith.addf %parallel_loop3A_662, %parallel_loop3A_677 : vector<16xf32>
        %parallel_loop3A_679 = arith.constant 6 : i32
        %parallel_loop3A_680 = arith.addi %parallel_loop3A_316, %parallel_loop3A_679 : i32
        %parallel_loop3A_681 = arith.index_cast %parallel_loop3A_680 : i32 to index
        %parallel_loop3A_682 = arith.constant 32 : index
        %parallel_loop3A_683 = tpu.vector_load %arg7[%parallel_loop3A_681, %parallel_loop3A_682] {strides = array<i32>} : memref<640x64xf32, #tpu.memory_space<vmem>>, vector<1x16xf32>,
        %parallel_loop3A_684 = vector.shape_cast %parallel_loop3A_683 : vector<1x16xf32> to vector<16xf32>
        %parallel_loop3A_685 = arith.addf %parallel_loop3A_669, %parallel_loop3A_684 : vector<16xf32>
        %parallel_loop3A_686 = arith.constant 6 : i32
        %parallel_loop3A_687 = arith.addi %parallel_loop3A_316, %parallel_loop3A_686 : i32
        %parallel_loop3A_688 = arith.constant 1 : i32
        %parallel_loop3A_689 = arith.addi %parallel_loop3A_687, %parallel_loop3A_688 : i32
        %parallel_loop3A_690 = arith.index_cast %parallel_loop3A_689 : i32 to index
        %parallel_loop3A_691 = arith.constant 32 : index
        %parallel_loop3A_692 = tpu.vector_load %arg7[%parallel_loop3A_690, %parallel_loop3A_691] {strides = array<i32>} : memref<640x64xf32, #tpu.memory_space<vmem>>, vector<1x16xf32>,
        %parallel_loop3A_693 = vector.shape_cast %parallel_loop3A_692 : vector<1x16xf32> to vector<16xf32>
        %parallel_loop3A_694 = arith.addf %parallel_loop3A_678, %parallel_loop3A_693 : vector<16xf32>
        %parallel_loop3A_695 = arith.constant 8 : i32
        %parallel_loop3A_696 = arith.addi %parallel_loop3A_316, %parallel_loop3A_695 : i32
        %parallel_loop3A_697 = arith.index_cast %parallel_loop3A_696 : i32 to index
        %parallel_loop3A_698 = arith.constant 32 : index
        %parallel_loop3A_699 = tpu.vector_load %arg7[%parallel_loop3A_697, %parallel_loop3A_698] {strides = array<i32>} : memref<640x64xf32, #tpu.memory_space<vmem>>, vector<1x16xf32>,
        %parallel_loop3A_700 = vector.shape_cast %parallel_loop3A_699 : vector<1x16xf32> to vector<16xf32>
        %parallel_loop3A_701 = arith.addf %parallel_loop3A_685, %parallel_loop3A_700 : vector<16xf32>
        %parallel_loop3A_702 = arith.constant 8 : i32
        %parallel_loop3A_703 = arith.addi %parallel_loop3A_316, %parallel_loop3A_702 : i32
        %parallel_loop3A_704 = arith.constant 1 : i32
        %parallel_loop3A_705 = arith.addi %parallel_loop3A_703, %parallel_loop3A_704 : i32
        %parallel_loop3A_706 = arith.index_cast %parallel_loop3A_705 : i32 to index
        %parallel_loop3A_707 = arith.constant 32 : index
        %parallel_loop3A_708 = tpu.vector_load %arg7[%parallel_loop3A_706, %parallel_loop3A_707] {strides = array<i32>} : memref<640x64xf32, #tpu.memory_space<vmem>>, vector<1x16xf32>,
        %parallel_loop3A_709 = vector.shape_cast %parallel_loop3A_708 : vector<1x16xf32> to vector<16xf32>
        %parallel_loop3A_710 = arith.addf %parallel_loop3A_694, %parallel_loop3A_709 : vector<16xf32>
        %parallel_loop3A_711 = arith.constant 10 : i32
        %parallel_loop3A_712 = arith.addi %parallel_loop3A_316, %parallel_loop3A_711 : i32
        %parallel_loop3A_713 = arith.index_cast %parallel_loop3A_712 : i32 to index
        %parallel_loop3A_714 = arith.constant 32 : index
        %parallel_loop3A_715 = tpu.vector_load %arg7[%parallel_loop3A_713, %parallel_loop3A_714] {strides = array<i32>} : memref<640x64xf32, #tpu.memory_space<vmem>>, vector<1x16xf32>,
        %parallel_loop3A_716 = vector.shape_cast %parallel_loop3A_715 : vector<1x16xf32> to vector<16xf32>
        %parallel_loop3A_717 = arith.addf %parallel_loop3A_701, %parallel_loop3A_716 : vector<16xf32>
        %parallel_loop3A_718 = arith.constant 10 : i32
        %parallel_loop3A_719 = arith.addi %parallel_loop3A_316, %parallel_loop3A_718 : i32
        %parallel_loop3A_720 = arith.constant 1 : i32
        %parallel_loop3A_721 = arith.addi %parallel_loop3A_719, %parallel_loop3A_720 : i32
        %parallel_loop3A_722 = arith.index_cast %parallel_loop3A_721 : i32 to index
        %parallel_loop3A_723 = arith.constant 32 : index
        %parallel_loop3A_724 = tpu.vector_load %arg7[%parallel_loop3A_722, %parallel_loop3A_723] {strides = array<i32>} : memref<640x64xf32, #tpu.memory_space<vmem>>, vector<1x16xf32>,
        %parallel_loop3A_725 = vector.shape_cast %parallel_loop3A_724 : vector<1x16xf32> to vector<16xf32>
        %parallel_loop3A_726 = arith.addf %parallel_loop3A_710, %parallel_loop3A_725 : vector<16xf32>
        %parallel_loop3A_727 = arith.constant 12 : i32
        %parallel_loop3A_728 = arith.addi %parallel_loop3A_316, %parallel_loop3A_727 : i32
        %parallel_loop3A_729 = arith.index_cast %parallel_loop3A_728 : i32 to index
        %parallel_loop3A_730 = arith.constant 32 : index
        %parallel_loop3A_731 = tpu.vector_load %arg7[%parallel_loop3A_729, %parallel_loop3A_730] {strides = array<i32>} : memref<640x64xf32, #tpu.memory_space<vmem>>, vector<1x16xf32>,
        %parallel_loop3A_732 = vector.shape_cast %parallel_loop3A_731 : vector<1x16xf32> to vector<16xf32>
        %parallel_loop3A_733 = arith.addf %parallel_loop3A_717, %parallel_loop3A_732 : vector<16xf32>
        %parallel_loop3A_734 = arith.constant 12 : i32
        %parallel_loop3A_735 = arith.addi %parallel_loop3A_316, %parallel_loop3A_734 : i32
        %parallel_loop3A_736 = arith.constant 1 : i32
        %parallel_loop3A_737 = arith.addi %parallel_loop3A_735, %parallel_loop3A_736 : i32
        %parallel_loop3A_738 = arith.index_cast %parallel_loop3A_737 : i32 to index
        %parallel_loop3A_739 = arith.constant 32 : index
        %parallel_loop3A_740 = tpu.vector_load %arg7[%parallel_loop3A_738, %parallel_loop3A_739] {strides = array<i32>} : memref<640x64xf32, #tpu.memory_space<vmem>>, vector<1x16xf32>,
        %parallel_loop3A_741 = vector.shape_cast %parallel_loop3A_740 : vector<1x16xf32> to vector<16xf32>
        %parallel_loop3A_742 = arith.addf %parallel_loop3A_726, %parallel_loop3A_741 : vector<16xf32>
        %parallel_loop3A_743 = arith.constant 14 : i32
        %parallel_loop3A_744 = arith.addi %parallel_loop3A_316, %parallel_loop3A_743 : i32
        %parallel_loop3A_745 = arith.index_cast %parallel_loop3A_744 : i32 to index
        %parallel_loop3A_746 = arith.constant 32 : index
        %parallel_loop3A_747 = tpu.vector_load %arg7[%parallel_loop3A_745, %parallel_loop3A_746] {strides = array<i32>} : memref<640x64xf32, #tpu.memory_space<vmem>>, vector<1x16xf32>,
        %parallel_loop3A_748 = vector.shape_cast %parallel_loop3A_747 : vector<1x16xf32> to vector<16xf32>
        %parallel_loop3A_749 = arith.addf %parallel_loop3A_733, %parallel_loop3A_748 : vector<16xf32>
        %parallel_loop3A_750 = arith.constant 14 : i32
        %parallel_loop3A_751 = arith.addi %parallel_loop3A_316, %parallel_loop3A_750 : i32
        %parallel_loop3A_752 = arith.constant 1 : i32
        %parallel_loop3A_753 = arith.addi %parallel_loop3A_751, %parallel_loop3A_752 : i32
        %parallel_loop3A_754 = arith.index_cast %parallel_loop3A_753 : i32 to index
        %parallel_loop3A_755 = arith.constant 32 : index
        %parallel_loop3A_756 = tpu.vector_load %arg7[%parallel_loop3A_754, %parallel_loop3A_755] {strides = array<i32>} : memref<640x64xf32, #tpu.memory_space<vmem>>, vector<1x16xf32>,
        %parallel_loop3A_757 = vector.shape_cast %parallel_loop3A_756 : vector<1x16xf32> to vector<16xf32>
        %parallel_loop3A_758 = arith.addf %parallel_loop3A_742, %parallel_loop3A_757 : vector<16xf32>
        %parallel_loop3A_759 = arith.constant 16 : i32
        %parallel_loop3A_760 = arith.addi %parallel_loop3A_316, %parallel_loop3A_759 : i32
        %parallel_loop3A_761 = arith.index_cast %parallel_loop3A_760 : i32 to index
        %parallel_loop3A_762 = arith.constant 32 : index
        %parallel_loop3A_763 = tpu.vector_load %arg7[%parallel_loop3A_761, %parallel_loop3A_762] {strides = array<i32>} : memref<640x64xf32, #tpu.memory_space<vmem>>, vector<1x16xf32>,
        %parallel_loop3A_764 = vector.shape_cast %parallel_loop3A_763 : vector<1x16xf32> to vector<16xf32>
        %parallel_loop3A_765 = arith.addf %parallel_loop3A_749, %parallel_loop3A_764 : vector<16xf32>
        %parallel_loop3A_766 = arith.constant 16 : i32
        %parallel_loop3A_767 = arith.addi %parallel_loop3A_316, %parallel_loop3A_766 : i32
        %parallel_loop3A_768 = arith.constant 1 : i32
        %parallel_loop3A_769 = arith.addi %parallel_loop3A_767, %parallel_loop3A_768 : i32
        %parallel_loop3A_770 = arith.index_cast %parallel_loop3A_769 : i32 to index
        %parallel_loop3A_771 = arith.constant 32 : index
        %parallel_loop3A_772 = tpu.vector_load %arg7[%parallel_loop3A_770, %parallel_loop3A_771] {strides = array<i32>} : memref<640x64xf32, #tpu.memory_space<vmem>>, vector<1x16xf32>,
        %parallel_loop3A_773 = vector.shape_cast %parallel_loop3A_772 : vector<1x16xf32> to vector<16xf32>
        %parallel_loop3A_774 = arith.addf %parallel_loop3A_758, %parallel_loop3A_773 : vector<16xf32>
        %parallel_loop3A_775 = arith.constant 18 : i32
        %parallel_loop3A_776 = arith.addi %parallel_loop3A_316, %parallel_loop3A_775 : i32
        %parallel_loop3A_777 = arith.index_cast %parallel_loop3A_776 : i32 to index
        %parallel_loop3A_778 = arith.constant 32 : index
        %parallel_loop3A_779 = tpu.vector_load %arg7[%parallel_loop3A_777, %parallel_loop3A_778] {strides = array<i32>} : memref<640x64xf32, #tpu.memory_space<vmem>>, vector<1x16xf32>,
        %parallel_loop3A_780 = vector.shape_cast %parallel_loop3A_779 : vector<1x16xf32> to vector<16xf32>
        %parallel_loop3A_781 = arith.addf %parallel_loop3A_765, %parallel_loop3A_780 : vector<16xf32>
        %parallel_loop3A_782 = arith.constant 18 : i32
        %parallel_loop3A_783 = arith.addi %parallel_loop3A_316, %parallel_loop3A_782 : i32
        %parallel_loop3A_784 = arith.constant 1 : i32
        %parallel_loop3A_785 = arith.addi %parallel_loop3A_783, %parallel_loop3A_784 : i32
        %parallel_loop3A_786 = arith.index_cast %parallel_loop3A_785 : i32 to index
        %parallel_loop3A_787 = arith.constant 32 : index
        %parallel_loop3A_788 = tpu.vector_load %arg7[%parallel_loop3A_786, %parallel_loop3A_787] {strides = array<i32>} : memref<640x64xf32, #tpu.memory_space<vmem>>, vector<1x16xf32>,
        %parallel_loop3A_789 = vector.shape_cast %parallel_loop3A_788 : vector<1x16xf32> to vector<16xf32>
        %parallel_loop3A_790 = arith.addf %parallel_loop3A_774, %parallel_loop3A_789 : vector<16xf32>
        %parallel_loop3A_791 = arith.addf %parallel_loop3A_781, %parallel_loop3A_790 : vector<16xf32>
        %parallel_loop3A_792 = arith.index_cast %parallel_loop3A_314 : i32 to index
        %parallel_loop3A_793 = arith.constant 32 : index
        %parallel_loop3A_794 = tpu.vector_load %arg9[%parallel_loop3A_792, %parallel_loop3A_793] {strides = array<i32>} : memref<32x64xf32, #tpu.memory_space<vmem>>, vector<1x16xf32>,
        %parallel_loop3A_795 = vector.shape_cast %parallel_loop3A_794 : vector<1x16xf32> to vector<16xf32>
        %parallel_loop3A_796 = vector.shape_cast %parallel_loop3A_791 : vector<16xf32> to vector<1x16xf32>
        tpu.vector_store %arg9[%parallel_loop3A_792, %parallel_loop3A_793], %parallel_loop3A_796 {strides = array<i32>} : memref<32x64xf32, #tpu.memory_space<vmem>>, vector<1x16xf32>,
        %parallel_loop3A_797 = arith.index_cast %parallel_loop3A_316 : i32 to index
        %parallel_loop3A_798 = arith.constant 48 : index
        %parallel_loop3A_799 = tpu.vector_load %arg7[%parallel_loop3A_797, %parallel_loop3A_798] {strides = array<i32>} : memref<640x64xf32, #tpu.memory_space<vmem>>, vector<1x16xf32>,
        %parallel_loop3A_800 = vector.shape_cast %parallel_loop3A_799 : vector<1x16xf32> to vector<16xf32>
        %parallel_loop3A_801 = arith.constant 1 : i32
        %parallel_loop3A_802 = arith.addi %parallel_loop3A_316, %parallel_loop3A_801 : i32
        %parallel_loop3A_803 = arith.index_cast %parallel_loop3A_802 : i32 to index
        %parallel_loop3A_804 = arith.constant 48 : index
        %parallel_loop3A_805 = tpu.vector_load %arg7[%parallel_loop3A_803, %parallel_loop3A_804] {strides = array<i32>} : memref<640x64xf32, #tpu.memory_space<vmem>>, vector<1x16xf32>,
        %parallel_loop3A_806 = vector.shape_cast %parallel_loop3A_805 : vector<1x16xf32> to vector<16xf32>
        %parallel_loop3A_807 = arith.constant 2 : i32
        %parallel_loop3A_808 = arith.addi %parallel_loop3A_316, %parallel_loop3A_807 : i32
        %parallel_loop3A_809 = arith.index_cast %parallel_loop3A_808 : i32 to index
        %parallel_loop3A_810 = arith.constant 48 : index
        %parallel_loop3A_811 = tpu.vector_load %arg7[%parallel_loop3A_809, %parallel_loop3A_810] {strides = array<i32>} : memref<640x64xf32, #tpu.memory_space<vmem>>, vector<1x16xf32>,
        %parallel_loop3A_812 = vector.shape_cast %parallel_loop3A_811 : vector<1x16xf32> to vector<16xf32>
        %parallel_loop3A_813 = arith.addf %parallel_loop3A_800, %parallel_loop3A_812 : vector<16xf32>
        %parallel_loop3A_814 = arith.constant 2 : i32
        %parallel_loop3A_815 = arith.addi %parallel_loop3A_316, %parallel_loop3A_814 : i32
        %parallel_loop3A_816 = arith.constant 1 : i32
        %parallel_loop3A_817 = arith.addi %parallel_loop3A_815, %parallel_loop3A_816 : i32
        %parallel_loop3A_818 = arith.index_cast %parallel_loop3A_817 : i32 to index
        %parallel_loop3A_819 = arith.constant 48 : index
        %parallel_loop3A_820 = tpu.vector_load %arg7[%parallel_loop3A_818, %parallel_loop3A_819] {strides = array<i32>} : memref<640x64xf32, #tpu.memory_space<vmem>>, vector<1x16xf32>,
        %parallel_loop3A_821 = vector.shape_cast %parallel_loop3A_820 : vector<1x16xf32> to vector<16xf32>
        %parallel_loop3A_822 = arith.addf %parallel_loop3A_806, %parallel_loop3A_821 : vector<16xf32>
        %parallel_loop3A_823 = arith.constant 4 : i32
        %parallel_loop3A_824 = arith.addi %parallel_loop3A_316, %parallel_loop3A_823 : i32
        %parallel_loop3A_825 = arith.index_cast %parallel_loop3A_824 : i32 to index
        %parallel_loop3A_826 = arith.constant 48 : index
        %parallel_loop3A_827 = tpu.vector_load %arg7[%parallel_loop3A_825, %parallel_loop3A_826] {strides = array<i32>} : memref<640x64xf32, #tpu.memory_space<vmem>>, vector<1x16xf32>,
        %parallel_loop3A_828 = vector.shape_cast %parallel_loop3A_827 : vector<1x16xf32> to vector<16xf32>
        %parallel_loop3A_829 = arith.addf %parallel_loop3A_813, %parallel_loop3A_828 : vector<16xf32>
        %parallel_loop3A_830 = arith.constant 4 : i32
        %parallel_loop3A_831 = arith.addi %parallel_loop3A_316, %parallel_loop3A_830 : i32
        %parallel_loop3A_832 = arith.constant 1 : i32
        %parallel_loop3A_833 = arith.addi %parallel_loop3A_831, %parallel_loop3A_832 : i32
        %parallel_loop3A_834 = arith.index_cast %parallel_loop3A_833 : i32 to index
        %parallel_loop3A_835 = arith.constant 48 : index
        %parallel_loop3A_836 = tpu.vector_load %arg7[%parallel_loop3A_834, %parallel_loop3A_835] {strides = array<i32>} : memref<640x64xf32, #tpu.memory_space<vmem>>, vector<1x16xf32>,
        %parallel_loop3A_837 = vector.shape_cast %parallel_loop3A_836 : vector<1x16xf32> to vector<16xf32>
        %parallel_loop3A_838 = arith.addf %parallel_loop3A_822, %parallel_loop3A_837 : vector<16xf32>
        %parallel_loop3A_839 = arith.constant 6 : i32
        %parallel_loop3A_840 = arith.addi %parallel_loop3A_316, %parallel_loop3A_839 : i32
        %parallel_loop3A_841 = arith.index_cast %parallel_loop3A_840 : i32 to index
        %parallel_loop3A_842 = arith.constant 48 : index
        %parallel_loop3A_843 = tpu.vector_load %arg7[%parallel_loop3A_841, %parallel_loop3A_842] {strides = array<i32>} : memref<640x64xf32, #tpu.memory_space<vmem>>, vector<1x16xf32>,
        %parallel_loop3A_844 = vector.shape_cast %parallel_loop3A_843 : vector<1x16xf32> to vector<16xf32>
        %parallel_loop3A_845 = arith.addf %parallel_loop3A_829, %parallel_loop3A_844 : vector<16xf32>
        %parallel_loop3A_846 = arith.constant 6 : i32
        %parallel_loop3A_847 = arith.addi %parallel_loop3A_316, %parallel_loop3A_846 : i32
        %parallel_loop3A_848 = arith.constant 1 : i32
        %parallel_loop3A_849 = arith.addi %parallel_loop3A_847, %parallel_loop3A_848 : i32
        %parallel_loop3A_850 = arith.index_cast %parallel_loop3A_849 : i32 to index
        %parallel_loop3A_851 = arith.constant 48 : index
        %parallel_loop3A_852 = tpu.vector_load %arg7[%parallel_loop3A_850, %parallel_loop3A_851] {strides = array<i32>} : memref<640x64xf32, #tpu.memory_space<vmem>>, vector<1x16xf32>,
        %parallel_loop3A_853 = vector.shape_cast %parallel_loop3A_852 : vector<1x16xf32> to vector<16xf32>
        %parallel_loop3A_854 = arith.addf %parallel_loop3A_838, %parallel_loop3A_853 : vector<16xf32>
        %parallel_loop3A_855 = arith.constant 8 : i32
        %parallel_loop3A_856 = arith.addi %parallel_loop3A_316, %parallel_loop3A_855 : i32
        %parallel_loop3A_857 = arith.index_cast %parallel_loop3A_856 : i32 to index
        %parallel_loop3A_858 = arith.constant 48 : index
        %parallel_loop3A_859 = tpu.vector_load %arg7[%parallel_loop3A_857, %parallel_loop3A_858] {strides = array<i32>} : memref<640x64xf32, #tpu.memory_space<vmem>>, vector<1x16xf32>,
        %parallel_loop3A_860 = vector.shape_cast %parallel_loop3A_859 : vector<1x16xf32> to vector<16xf32>
        %parallel_loop3A_861 = arith.addf %parallel_loop3A_845, %parallel_loop3A_860 : vector<16xf32>
        %parallel_loop3A_862 = arith.constant 8 : i32
        %parallel_loop3A_863 = arith.addi %parallel_loop3A_316, %parallel_loop3A_862 : i32
        %parallel_loop3A_864 = arith.constant 1 : i32
        %parallel_loop3A_865 = arith.addi %parallel_loop3A_863, %parallel_loop3A_864 : i32
        %parallel_loop3A_866 = arith.index_cast %parallel_loop3A_865 : i32 to index
        %parallel_loop3A_867 = arith.constant 48 : index
        %parallel_loop3A_868 = tpu.vector_load %arg7[%parallel_loop3A_866, %parallel_loop3A_867] {strides = array<i32>} : memref<640x64xf32, #tpu.memory_space<vmem>>, vector<1x16xf32>,
        %parallel_loop3A_869 = vector.shape_cast %parallel_loop3A_868 : vector<1x16xf32> to vector<16xf32>
        %parallel_loop3A_870 = arith.addf %parallel_loop3A_854, %parallel_loop3A_869 : vector<16xf32>
        %parallel_loop3A_871 = arith.constant 10 : i32
        %parallel_loop3A_872 = arith.addi %parallel_loop3A_316, %parallel_loop3A_871 : i32
        %parallel_loop3A_873 = arith.index_cast %parallel_loop3A_872 : i32 to index
        %parallel_loop3A_874 = arith.constant 48 : index
        %parallel_loop3A_875 = tpu.vector_load %arg7[%parallel_loop3A_873, %parallel_loop3A_874] {strides = array<i32>} : memref<640x64xf32, #tpu.memory_space<vmem>>, vector<1x16xf32>,
        %parallel_loop3A_876 = vector.shape_cast %parallel_loop3A_875 : vector<1x16xf32> to vector<16xf32>
        %parallel_loop3A_877 = arith.addf %parallel_loop3A_861, %parallel_loop3A_876 : vector<16xf32>
        %parallel_loop3A_878 = arith.constant 10 : i32
        %parallel_loop3A_879 = arith.addi %parallel_loop3A_316, %parallel_loop3A_878 : i32
        %parallel_loop3A_880 = arith.constant 1 : i32
        %parallel_loop3A_881 = arith.addi %parallel_loop3A_879, %parallel_loop3A_880 : i32
        %parallel_loop3A_882 = arith.index_cast %parallel_loop3A_881 : i32 to index
        %parallel_loop3A_883 = arith.constant 48 : index
        %parallel_loop3A_884 = tpu.vector_load %arg7[%parallel_loop3A_882, %parallel_loop3A_883] {strides = array<i32>} : memref<640x64xf32, #tpu.memory_space<vmem>>, vector<1x16xf32>,
        %parallel_loop3A_885 = vector.shape_cast %parallel_loop3A_884 : vector<1x16xf32> to vector<16xf32>
        %parallel_loop3A_886 = arith.addf %parallel_loop3A_870, %parallel_loop3A_885 : vector<16xf32>
        %parallel_loop3A_887 = arith.constant 12 : i32
        %parallel_loop3A_888 = arith.addi %parallel_loop3A_316, %parallel_loop3A_887 : i32
        %parallel_loop3A_889 = arith.index_cast %parallel_loop3A_888 : i32 to index
        %parallel_loop3A_890 = arith.constant 48 : index
        %parallel_loop3A_891 = tpu.vector_load %arg7[%parallel_loop3A_889, %parallel_loop3A_890] {strides = array<i32>} : memref<640x64xf32, #tpu.memory_space<vmem>>, vector<1x16xf32>,
        %parallel_loop3A_892 = vector.shape_cast %parallel_loop3A_891 : vector<1x16xf32> to vector<16xf32>
        %parallel_loop3A_893 = arith.addf %parallel_loop3A_877, %parallel_loop3A_892 : vector<16xf32>
        %parallel_loop3A_894 = arith.constant 12 : i32
        %parallel_loop3A_895 = arith.addi %parallel_loop3A_316, %parallel_loop3A_894 : i32
        %parallel_loop3A_896 = arith.constant 1 : i32
        %parallel_loop3A_897 = arith.addi %parallel_loop3A_895, %parallel_loop3A_896 : i32
        %parallel_loop3A_898 = arith.index_cast %parallel_loop3A_897 : i32 to index
        %parallel_loop3A_899 = arith.constant 48 : index
        %parallel_loop3A_900 = tpu.vector_load %arg7[%parallel_loop3A_898, %parallel_loop3A_899] {strides = array<i32>} : memref<640x64xf32, #tpu.memory_space<vmem>>, vector<1x16xf32>,
        %parallel_loop3A_901 = vector.shape_cast %parallel_loop3A_900 : vector<1x16xf32> to vector<16xf32>
        %parallel_loop3A_902 = arith.addf %parallel_loop3A_886, %parallel_loop3A_901 : vector<16xf32>
        %parallel_loop3A_903 = arith.constant 14 : i32
        %parallel_loop3A_904 = arith.addi %parallel_loop3A_316, %parallel_loop3A_903 : i32
        %parallel_loop3A_905 = arith.index_cast %parallel_loop3A_904 : i32 to index
        %parallel_loop3A_906 = arith.constant 48 : index
        %parallel_loop3A_907 = tpu.vector_load %arg7[%parallel_loop3A_905, %parallel_loop3A_906] {strides = array<i32>} : memref<640x64xf32, #tpu.memory_space<vmem>>, vector<1x16xf32>,
        %parallel_loop3A_908 = vector.shape_cast %parallel_loop3A_907 : vector<1x16xf32> to vector<16xf32>
        %parallel_loop3A_909 = arith.addf %parallel_loop3A_893, %parallel_loop3A_908 : vector<16xf32>
        %parallel_loop3A_910 = arith.constant 14 : i32
        %parallel_loop3A_911 = arith.addi %parallel_loop3A_316, %parallel_loop3A_910 : i32
        %parallel_loop3A_912 = arith.constant 1 : i32
        %parallel_loop3A_913 = arith.addi %parallel_loop3A_911, %parallel_loop3A_912 : i32
        %parallel_loop3A_914 = arith.index_cast %parallel_loop3A_913 : i32 to index
        %parallel_loop3A_915 = arith.constant 48 : index
        %parallel_loop3A_916 = tpu.vector_load %arg7[%parallel_loop3A_914, %parallel_loop3A_915] {strides = array<i32>} : memref<640x64xf32, #tpu.memory_space<vmem>>, vector<1x16xf32>,
        %parallel_loop3A_917 = vector.shape_cast %parallel_loop3A_916 : vector<1x16xf32> to vector<16xf32>
        %parallel_loop3A_918 = arith.addf %parallel_loop3A_902, %parallel_loop3A_917 : vector<16xf32>
        %parallel_loop3A_919 = arith.constant 16 : i32
        %parallel_loop3A_920 = arith.addi %parallel_loop3A_316, %parallel_loop3A_919 : i32
        %parallel_loop3A_921 = arith.index_cast %parallel_loop3A_920 : i32 to index
        %parallel_loop3A_922 = arith.constant 48 : index
        %parallel_loop3A_923 = tpu.vector_load %arg7[%parallel_loop3A_921, %parallel_loop3A_922] {strides = array<i32>} : memref<640x64xf32, #tpu.memory_space<vmem>>, vector<1x16xf32>,
        %parallel_loop3A_924 = vector.shape_cast %parallel_loop3A_923 : vector<1x16xf32> to vector<16xf32>
        %parallel_loop3A_925 = arith.addf %parallel_loop3A_909, %parallel_loop3A_924 : vector<16xf32>
        %parallel_loop3A_926 = arith.constant 16 : i32
        %parallel_loop3A_927 = arith.addi %parallel_loop3A_316, %parallel_loop3A_926 : i32
        %parallel_loop3A_928 = arith.constant 1 : i32
        %parallel_loop3A_929 = arith.addi %parallel_loop3A_927, %parallel_loop3A_928 : i32
        %parallel_loop3A_930 = arith.index_cast %parallel_loop3A_929 : i32 to index
        %parallel_loop3A_931 = arith.constant 48 : index
        %parallel_loop3A_932 = tpu.vector_load %arg7[%parallel_loop3A_930, %parallel_loop3A_931] {strides = array<i32>} : memref<640x64xf32, #tpu.memory_space<vmem>>, vector<1x16xf32>,
        %parallel_loop3A_933 = vector.shape_cast %parallel_loop3A_932 : vector<1x16xf32> to vector<16xf32>
        %parallel_loop3A_934 = arith.addf %parallel_loop3A_918, %parallel_loop3A_933 : vector<16xf32>
        %parallel_loop3A_935 = arith.constant 18 : i32
        %parallel_loop3A_936 = arith.addi %parallel_loop3A_316, %parallel_loop3A_935 : i32
        %parallel_loop3A_937 = arith.index_cast %parallel_loop3A_936 : i32 to index
        %parallel_loop3A_938 = arith.constant 48 : index
        %parallel_loop3A_939 = tpu.vector_load %arg7[%parallel_loop3A_937, %parallel_loop3A_938] {strides = array<i32>} : memref<640x64xf32, #tpu.memory_space<vmem>>, vector<1x16xf32>,
        %parallel_loop3A_940 = vector.shape_cast %parallel_loop3A_939 : vector<1x16xf32> to vector<16xf32>
        %parallel_loop3A_941 = arith.addf %parallel_loop3A_925, %parallel_loop3A_940 : vector<16xf32>
        %parallel_loop3A_942 = arith.constant 18 : i32
        %parallel_loop3A_943 = arith.addi %parallel_loop3A_316, %parallel_loop3A_942 : i32
        %parallel_loop3A_944 = arith.constant 1 : i32
        %parallel_loop3A_945 = arith.addi %parallel_loop3A_943, %parallel_loop3A_944 : i32
        %parallel_loop3A_946 = arith.index_cast %parallel_loop3A_945 : i32 to index
        %parallel_loop3A_947 = arith.constant 48 : index
        %parallel_loop3A_948 = tpu.vector_load %arg7[%parallel_loop3A_946, %parallel_loop3A_947] {strides = array<i32>} : memref<640x64xf32, #tpu.memory_space<vmem>>, vector<1x16xf32>,
        %parallel_loop3A_949 = vector.shape_cast %parallel_loop3A_948 : vector<1x16xf32> to vector<16xf32>
        %parallel_loop3A_950 = arith.addf %parallel_loop3A_934, %parallel_loop3A_949 : vector<16xf32>
        %parallel_loop3A_951 = arith.addf %parallel_loop3A_941, %parallel_loop3A_950 : vector<16xf32>
        %parallel_loop3A_952 = arith.index_cast %parallel_loop3A_314 : i32 to index
        %parallel_loop3A_953 = arith.constant 48 : index
        %parallel_loop3A_954 = tpu.vector_load %arg9[%parallel_loop3A_952, %parallel_loop3A_953] {strides = array<i32>} : memref<32x64xf32, #tpu.memory_space<vmem>>, vector<1x16xf32>,
        %parallel_loop3A_955 = vector.shape_cast %parallel_loop3A_954 : vector<1x16xf32> to vector<16xf32>
        %parallel_loop3A_956 = vector.shape_cast %parallel_loop3A_951 : vector<16xf32> to vector<1x16xf32>
        tpu.vector_store %arg9[%parallel_loop3A_952, %parallel_loop3A_953], %parallel_loop3A_956 {strides = array<i32>} : memref<32x64xf32, #tpu.memory_space<vmem>>, vector<1x16xf32>,
      } {sc.loop_unroll_factor = 4 : i64, sc.parallel_access}
      %mul3A_305 = arith.constant 3328 : i32
      %mul3A_306 = arith.muli %add3A, %mul3A_305 : i32
      %mul3A_307 = arith.constant 32 : i32
      %mul3A_308 = arith.muli %add3A_68, %mul3A_307 : i32
      %add3A_309 = arith.addi %mul3A_306, %mul3A_308 : i32
      %dma_start3A_310 = arith.constant 0 : i32
      %dma_start3A_311 = tpu.memref_slice %arg4[%add3A_309, %dma_start3A_310] : memref<106496x64xf32, #tpu.memory_space<hbm>> -> memref<32x64xf32, #tpu.memory_space<hbm>>
      %dma_start3A_312 = arith.constant 0 : i32
      %dma_start3A_313 = tpu.memref_slice %arg4[%add3A_309, %dma_start3A_312] : memref<106496x64xf32, #tpu.memory_space<hbm>> -> memref<32x64xf32, #tpu.memory_space<hbm>>
      tpu.enqueue_dma source(%arg9 : memref<32x64xf32, #tpu.memory_space<vmem>>) target(%dma_start3A_313 : memref<32x64xf32, #tpu.memory_space<hbm>>) target_semaphore(%arg13 : memref<!tpu.dma_semaphore, #tpu.memory_space<semaphore_mem>>)
    }
    %scan3A_50 = arith.constant 52 : i32
    %dma_wait3A = arith.constant 0 : i32
    %dma_wait3A_51 = arith.constant 0 : i32
    %dma_wait3A_52 = tpu.memref_slice %arg4[%dma_wait3A, %dma_wait3A_51] : memref<106496x64xf32, #tpu.memory_space<hbm>> -> memref<32x64xf32, #tpu.memory_space<hbm>>
    %dma_wait3A_53 = arith.constant 0 : i32
    %dma_wait3A_54 = arith.constant 0 : i32
    %dma_wait3A_55 = tpu.memref_slice %arg4[%dma_wait3A_53, %dma_wait3A_54] : memref<106496x64xf32, #tpu.memory_space<hbm>> -> memref<32x64xf32, #tpu.memory_space<hbm>>
    tpu.wait_dma2 semaphore(%arg12 : memref<!tpu.dma_semaphore, #tpu.memory_space<semaphore_mem>>) src(%arg8 : memref<32x64xf32, #tpu.memory_space<vmem>>) dst(%dma_wait3A_55 : memref<32x64xf32, #tpu.memory_space<hbm>>)
    %dma_wait3A_56 = arith.constant 0 : i32
    %dma_wait3A_57 = arith.constant 0 : i32
    %dma_wait3A_58 = tpu.memref_slice %arg4[%dma_wait3A_56, %dma_wait3A_57] : memref<106496x64xf32, #tpu.memory_space<hbm>> -> memref<32x64xf32, #tpu.memory_space<hbm>>
    %dma_wait3A_59 = arith.constant 0 : i32
    %dma_wait3A_60 = arith.constant 0 : i32
    %dma_wait3A_61 = tpu.memref_slice %arg4[%dma_wait3A_59, %dma_wait3A_60] : memref<106496x64xf32, #tpu.memory_space<hbm>> -> memref<32x64xf32, #tpu.memory_space<hbm>>
    tpu.wait_dma2 semaphore(%arg13 : memref<!tpu.dma_semaphore, #tpu.memory_space<semaphore_mem>>) src(%arg9 : memref<32x64xf32, #tpu.memory_space<vmem>>) dst(%dma_wait3A_61 : memref<32x64xf32, #tpu.memory_space<hbm>>)
    return
  }
}

</mosaic_0001>

<sc_bundles>
// kernel: kernel.3.cloned.1.call-start
scs
__scs_entry_jumppad:
0x0: {  	(pc) =	sbr.rel $0x88, $3  }
0x1: {  	(tag) =	ssettag $0x0;
	lr =	simm.s32 $0x1  }
0x2: {  	[smem:$0x3F9F] =	sst lr;
	_ =	strace $0xD0000000  }
0x3: {  	_ = 	snop  }
0x4: {  	_ = 	snop  }
0x5: {  	_ = 	snop  }
0x6: {  	_ = 	snop  }
0x7: {  	_ = 	snop  }
__scs_overlays_trampoline_lowered:
0x8: {  	[smem:$0x3FAE] =	sst s0  }
0x9: {  	[smem:$0x3FAF] =	sst s1  }
0xa: {  	[smem:$0x3FB0] =	sst s2  }
0xb: {  	[smem:$0x3FB1] =	sst s3  }
0xc: {  	[smem:$0x3FB2] =	sst s4  }
0xd: {  	[smem:$0x3FB3] =	sst s5  }
0xe: {  	[smem:$0x3FB4] =	sst s6  }
0xf: {  	[smem:$0x3FB5] =	sst s7  }
0x10: {  	[smem:$0x3FB6] =	sst s8  }
0x11: {  	[smem:$0x3FB7] =	sst s9;
	s0 =	simm.s32 @!p0 $0x0  }
0x12: {  	s1 =	sld [smem:$0x3F9D];
	s0 =	simm.s32 @p0 $0x1  }
0x13: {  	[smem:$0x3FB8] =	sst s0;
	s0 =	simm.s32 @!p1 $0x0  }
0x14: {  	s2 =	sld [smem:$0x3F9C];
	s0 =	simm.s32 @p1 $0x1  }
0x15: {  	[smem:$0x3FB9] =	sst s0;
	s0 =	simm.s32 @!p2 $0x0  }
0x16: {  	s3 =	sld [smem:$0x3FDB];
	s0 =	simm.s32 @p2 $0x1  }
0x17: {  	s4 =	simm.s32 $0x1BF5;
	[smem:$0x3FBB] =	sst s0  }
0x18: {  	s0 =	sld [smem:$0x3F9E];
	_ =	swait.ge [sflag:s4], $0x0  }
0x19: {  	s7 =	sld [smem:$0x3F9F]  }
0x1a: {  	s8 =	sadd.s32 $0xFFFFE003, lr  }
0x1b: {  	s9 =	sadd.s32 $0xFFFFFEF7, lr;
	s5 =	simm.s32 $0xFFFFFFFF;
	p2 =	slt.u32 s8, $0xFFFFF086  }
0x1c: {  	p1 =	slt.u32 s9, $0xF7A;
	s5 =	simm.s32 @!p2 $0x0  }
0x1d: {  	s5 =	simm.s32 @p1 $0x1;
	p0 =	seq.s32 s7, s2  }
0x1e: {  	s7 =	smul.u32 @!p0 $0xF7A, s2;
	p2 =	seq.s32 @!p0 s5, $0x0  }
0x1f: {  	s9 =	smul.u32 $0xF7A, s1;
	s8 =	simm.s32 @!p0 $0x1BF5;
	p2 =	por !p2, p0  }
0x20: {  	[sflag:s8] =	ssyncset.s32 @!p0 $0xFFFFF086;
	s6 =	sadd.s32 @!p0 s3, s7;
	s7 =	simm.s32 @!p0 $0x108  }
0x21: {  	s3 =	sadd.s32 s3, s9;
	s6 =	sadd.s32 @!p0 $0x88, s6;
	s7 =	simm.s32 @p2 $0x1082  }
0x22: {  	[simem:s7], [sflag:s8] =	dma.local @!p0 [hbm:s6], $0xF7A  }
0x23: {  	s9 =	sor.u32 $0xD0000000, s2;
	s6 =	simm.s32 $0x108;
	_ =	swait.ge @!p0 [sflag:s8], $0x0  }
0x24: {  	s3 =	sadd.s32 $0x88, s3;
	s6 =	simm.s32 @!p1 $0x1082;
	[sflag:s4] =	ssyncset.s32 $0xFFFFF086  }
0x25: {  	[simem:s6], [sflag:s4] =	dma.local [hbm:s3], $0xF7A  }
0x26: {  	[smem:$0x3F9F] =	sst s1;
	(tag) =	ssettag s2;
	_ =	strace s9  }
0x27: {  	s1 =	sld [smem:$0x3FAF]  }
0x28: {  	s2 =	sld [smem:$0x3FB0]  }
0x29: {  	s4 =	sld [smem:$0x3FB2]  }
0x2a: {  	p0 =	seq.s32 s5, $0x0;
	s5 =	sld [smem:$0x3FB3]  }
0x2b: {  	s6 =	sld [smem:$0x3FB4]  }
0x2c: {  	s7 =	sld [smem:$0x3FB5]  }
0x2d: {  	s3 =	simm.s32 $0x108;
	s8 =	sld [smem:$0x3FB6]  }
0x2e: {  	s3 =	simm.s32 @!p0 $0x1082;
	s9 =	sld [smem:$0x3FB7]  }
0x2f: {  	lr =	sadd.s32 s0, s3;
	s0 =	sld [smem:$0x3FAE]  }
0x30: {  	s3 =	sld [smem:$0x3FB1]  }
0x31: {  	[smem:$0x3FBA] =	sst s10  }
0x32: {  	s10 =	sld [smem:$0x3FB8];
	_ =	sdelay $0x3  }
0x33: {  	p0 =	seq.s32 s10, $0x1;
	s10 =	sld [smem:$0x3FBA];
	_ =	sdelay $0x3  }
0x34: {  	[smem:$0x3FBA] =	sst s10  }
0x35: {  	s10 =	sld [smem:$0x3FB9];
	_ =	sdelay $0x3  }
0x36: {  	p1 =	seq.s32 s10, $0x1;
	s10 =	sld [smem:$0x3FBA];
	_ =	sdelay $0x3  }
0x37: {  	[smem:$0x3FBA] =	sst s10  }
0x38: {  	s10 =	sld [smem:$0x3FBB]  }
0x39: {  	_ = 	snop;
	(pc) =	sbr.ind lr, $3  }
0x3a: {  	_ = 	snop  }
0x3b: {  	_ = 	snop  }
0x3c: {  	p2 =	seq.s32 s10, $0x1;
	s10 =	sld [smem:$0x3FBA]  }
0x3d: {  	_ =	shalt  }
0x3e: {  	_ =	shalt  }
0x3f: {  	_ =	shalt  }
0x40: {  	_ =	shalt  }
0x41: {  	_ =	shalt  }
0x42: {  	_ =	shalt  }
0x43: {  	_ =	shalt  }
0x44: {  	_ =	shalt  }
0x45: {  	_ =	shalt  }
0x46: {  	_ =	shalt  }
0x47: {  	_ =	shalt  }
0x48: {  	_ =	shalt  }
0x49: {  	_ =	shalt  }
0x4a: {  	_ =	shalt  }
0x4b: {  	_ =	shalt  }
0x4c: {  	_ =	shalt  }
0x4d: {  	_ =	shalt  }
0x4e: {  	_ =	shalt  }
0x4f: {  	_ =	shalt  }
0x50: {  	_ =	shalt  }
0x51: {  	_ =	shalt  }
0x52: {  	_ =	shalt  }
0x53: {  	_ =	shalt  }
0x54: {  	_ =	shalt  }
0x55: {  	_ =	shalt  }
0x56: {  	_ =	shalt  }
0x57: {  	_ =	shalt  }
0x58: {  	_ =	shalt  }
0x59: {  	_ =	shalt  }
0x5a: {  	_ =	shalt  }
0x5b: {  	_ =	shalt  }
0x5c: {  	_ =	shalt  }
0x5d: {  	_ =	shalt  }
0x5e: {  	_ =	shalt  }
0x5f: {  	_ =	shalt  }
0x60: {  	_ =	shalt  }
0x61: {  	_ =	shalt  }
0x62: {  	_ =	shalt  }
0x63: {  	_ =	shalt  }
0x64: {  	_ =	shalt  }
0x65: {  	_ =	shalt  }
0x66: {  	_ =	shalt  }
0x67: {  	_ =	shalt  }
0x68: {  	_ =	shalt  }
0x69: {  	_ =	shalt  }
0x6a: {  	_ =	shalt  }
0x6b: {  	_ =	shalt  }
0x6c: {  	_ =	shalt  }
0x6d: {  	_ =	shalt  }
0x6e: {  	_ =	shalt  }
0x6f: {  	_ =	shalt  }
0x70: {  	_ =	shalt  }
0x71: {  	_ =	shalt  }
0x72: {  	_ =	shalt  }
0x73: {  	_ =	shalt  }
0x74: {  	_ =	shalt  }
0x75: {  	_ =	shalt  }
0x76: {  	_ =	shalt  }
0x77: {  	_ =	shalt  }
0x78: {  	_ =	shalt  }
0x79: {  	_ =	shalt  }
0x7a: {  	_ =	shalt  }
0x7b: {  	_ =	shalt  }
0x7c: {  	_ =	shalt  }
0x7d: {  	_ =	shalt  }
0x7e: {  	_ =	shalt  }
0x7f: {  	_ =	shalt  }
0x80: {  	_ =	shalt  }
0x81: {  	_ =	shalt  }
0x82: {  	_ =	shalt  }
0x83: {  	_ =	shalt  }
0x84: {  	_ =	shalt  }
0x85: {  	_ =	shalt  }
0x86: {  	_ =	shalt  }
0x87: {  	_ =	shalt  }
.Lfunc_end0:
.L_simem_size_0:
called_computation_lowered:
.L_overlay_start_0:
0x88: {  	s2 =	sld [smem:$0x3FD9]  }
0x89: {  	s3 =	sld [smem:$0x3FFE];
	_ =	sdelay $0x1  }
0x8a: {  	s1 =	srdreg.scid  }
0x8b: {  	s0 =	sand.u32 $0x1, s1  }
0x8c: {  	s17 =	sshll.u32 s0, $0xA;
	s2 =	sadd.s32 s3, s2  }
0x8d: {  	s2 =	sadd.s32 s2, s17  }
0x8e: {  	[smem:$0x3FC6] =	sst s2  }
0x8f: {  	_ = 	snop  }
0x90: {  	s2 =	sld [smem:$0x3FD0];
	(tm) =	ssettm $0x1  }
0x91: {  	s18 =	sld [smem:$0x3FFB];
	_ =	sdelay $0x3  }
0x92: {  	_ =	strace s18  }
0x93: {  	s3 =	sld [smem:$0x3FFC];
	_ =	sdelay $0x3  }
0x94: {  	_ =	strace s3  }
0x95: {  	s3 =	sld [smem:$0x3FFD];
	_ =	sdelay $0x3  }
0x96: {  	_ =	strace s3  }
0x97: {  	_ =	strace $0x8FFFFFFF  }
0x98: {  	s19 =	sld [smem:$0x3FDB];
	_ =	sdelay $0x1  }
0x99: {  	s4 =	simm.s32 $_scs_section_size  }
0x9a: {  	s5 =	simm.s32 $_size__tile_overlayer_lowered;
	s6 =	simm.s32 $_tile_overlayer_lowered  }
0x9b: {  	s22 =	simm.s32 $0x1BFF;
	s21 =	sshll.u32 s6, $0x1;
	s3 =	sadd.s32 s4, s19  }
0x9c: {  	s7 =	simm.s32 $0x0;
	s20 =	sshll.u32 s5, $0x1;
	s5 =	sadd.s32 s21, s3  }
0x9d: {  	[timem:s7], [sflag:s22] =	dma.local [hbm:s5], s20  }
0x9e: {  	_ =	swait.ge [sflag:s22], s20  }
0x9f: {  	s4 =	ssub.s32 $0x0, s20;
	[sflag:s22] =	ssyncset.done $0x0  }
0xa0: {  	[sflag:s22] =	ssyncadd.s32 s4;
	_ =	sdelay $0x1  }
0xa1: {  	s23 =	simm.s32 $0x1B8B  }
0xa2: {  	_ =	swait.ge [sflag:s23], $0x1  }
0xa3: {  	[sflag:s23] =	ssyncset.done $0x0  }
0xa4: {  	s25 =	simm.s32 $0x1B8E;
	s24 =	sld [smem:$0x3FFE];
	[sflag:s23] =	ssyncadd.s32 $0xFFFFFFFF  }
0xa5: {  	s26 =	simm.s32 $execute0_lowered;
	[smem:$0x3FD2] =	sst s25  }
0xa6: {  	s5 =	sshll.u32 s26, $0x1;
	_ =	strace $0x80000046;
	[dreg:$0x1] =	wrdreg $0xFFFFFFFF  }
0xa7: {  	s28 =	simm.s32 $_size_execute0_lowered;
	s3 =	sadd.s32 s3, s5;
	[dreg:$0x0] =	wrdreg $0x0  }
0xa8: {  	s5 =	sshll.u32 s28, $0x1;
	[dreg:$0x2] =	wrdreg s3  }
0xa9: {  	[dreg:$0x3] =	wrdreg s5  }
0xaa: {  	[dreg:$0x4] =	wrdreg $0xC0  }
0xab: {  	_ =	task [dreg:s7], $0x5FFFF  }
0xac: {  	[dreg:$0x1] =	wrdreg $0xFFFFFFFF  }
0xad: {  	[dreg:$0x0] =	wrdreg $0x60  }
0xae: {  	[dreg:$0x2] =	wrdreg s2  }
0xaf: {  	[dreg:$0x3] =	wrdreg s24  }
0xb0: {  	[dreg:$0x4] =	wrdreg $0x9  }
0xb1: {  	_ =	task.clear_ibuf [dreg:s7], $0x5FFFF;
	_ =	strace $0x90000046  }
0xb2: {  	s29 =	simm.s32 $0x9;
	_ =	strace $0x80000048  }
0xb3: {  	_ =	swait.ge [sflag:s29], $0x1  }
0xb4: {  	[sflag:s29] =	ssyncadd.s32 $0xFFFFFFFF  }
0xb5: {  	_ =	strace $0x90000048  }
0xb6: {  	_ =	sfence  }
0xb7: {  	s30 =	sld [smem:$0x0];
	_ =	sdelay $0x2  }
0xb8: {  	s31 =	sshll.u32 s1, $0xD;
	s1 =	sshrl.u32 s1, $0x2  }
0xb9: {  	s3 =	sand.u32 $0x4000, s31;
	s1 =	sadd.s32 s1, s30  }
0xba: {  	s0 =	sor.u32 s3, s0;
	s1 =	sshll.u32 s1, $0x11  }
0xbb: {  	s0 =	sor.u32 s1, s0  }
0xbc: {  	s0 =	sadd.s32 $0x8F2B, s0  }
0xbd: {  	[sflag:s0] =	ssyncadd.remote.s32 $0x1  }
0xbe: {  	_ =	sfence.sel $0xFFFF  }
0xbf: {  	[dreg:$0x0] =	wrdreg $0xFFFFFFFF;
	(pc) =	sbr.abs _section_cstart, $3  }
0xc0: {  	[dreg:$0x1] =	wrdreg $0xFFFFFFFF  }
0xc1: {  	_ =	task.clear_ibuf [dreg:s7], $0x2FFFF;
	_ =	strace $0x9FFFFFFF  }
0xc2: {  	(tm) =	ssettm $0x7FFFFFFF  }
0xc3: {  	_ =	shalt  }
tec
execute0_lowered:
.L_overlay_start_1:
0x0: {  	(tag) =	ssettag $0x1  }
0x1: {  	s7 =	rddreg [dreg:$0x0]  }
0x2: {  	s0 =	rddreg [dreg:$0x1]  }
0x3: {  	s1 =	srdreg.scid;
	s2 =	stileid.u32;
	s3 =	simm.s32 $0x0  }
0x4: {  	s10 =	simm.s32 $0x5;
	s11 =	simm.s32 $0x80;
	s15 =	simm.s32 $0x6800  }
0x5: {  	s17 =	simm.s32 $0x8800;
	s19 =	simm.s32 $0xA800;
	s20 =	simm.s32 $0xC800  }
0x6: {  	s21 =	simm.s32 $0xE800;
	s22 =	simm.s32 $0x10800;
	s23 =	simm.s32 $0x12800  }
0x7: {  	s24 =	simm.s32 $0x14800;
	s25 =	simm.s32 $0x1;
	s28 =	simm.s32 $0x2  }
0x8: {  	s29 =	simm.s32 $0x17000;
	s1 =	sand.u32 $0x1, s1;
	s2 =	sshll.u32 s2, $0x1  }
0x9: {  	s31 =	simm.s32 $0x4;
	[smem:$0x7FF] =	sst s3;
	s2 =	sor.u32 s1, s2  }
0xa: {  	s4 =	sadd.s32 $0xF42A00, s0;
	s1 =	ssub.s32 $0x2, s1;
	s6 =	smul.u32 $0x2080, s2  }
0xb: {  	s5 =	sadd.s32 $0x600, s0;
	_ =	strace $0x80000047;
	s26 =	sshrl.u32 s1, $0x1  }
0xc: {  	s8 =	smul.u32 $0x34000, s2;
	s0 =	ssub.s32 s1, s26;
	s30 =	sadd.s32 s7, s6  }
0xd: {  	s26 =	simm.s32 $0x16800;
	s0 =	smax.u32 s0, $0x1;
	[dreg:$0x3] =	wrdreg s30  }
0xe: {  	s1 =	simm.s32 $0x0;
	s7 =	smul.u32 $0x10400, s2;
	[dreg:$0x4] =	wrdreg s0  }
.LBB2_1:
0xf: {  	[dreg:$0x5] =	wrdreg s1  }
0x10: {  	s0 =	rddreg [dreg:$0x3]  }
0x11: {  	[tilespmem:s3], [sflag:$0x5] =	stream.linear.gather [hbm4b:s0+s3], $0x1400, $0x38;
	[tilespmem:$0x17800] =	vst v63  }
0x12: {  	_ =	swait.ge [sflag:s10], $0x1400  }
0x13: {  	[sflag:s10] =	ssyncset.done $0x0  }
0x14: {  	s13 =	simm.s32 $0x2800;
	[sflag:s10] =	ssyncadd.s32 $0xFFFFEC00  }
0x15: {  	[tilespmem:s13], [sflag:$0x1] =	stream.indirect.gather [hbm4b:s4+s11], $0x40, s3, s11, $0xb8;
	[tilespmem:$0x17800] =	vst v63  }
0x16: {  	s14 =	simm.s32 $0x4800  }
0x17: {  	[tilespmem:s14], [sflag:$0x1] =	stream.indirect.gather [hbm4b:s4+s11], $0x40, s11, s11, $0xb8;
	[tilespmem:$0x17800] =	vst v63  }
0x18: {  	s16 =	simm.s32 $0x100  }
0x19: {  	[tilespmem:s15], [sflag:$0x1] =	stream.indirect.gather [hbm4b:s4+s11], $0x40, s16, s11, $0xb8;
	[tilespmem:$0x17800] =	vst v63  }
0x1a: {  	s18 =	simm.s32 $0x180  }
0x1b: {  	[tilespmem:s17], [sflag:$0x1] =	stream.indirect.gather [hbm4b:s4+s11], $0x40, s18, s11, $0xb8;
	[tilespmem:$0x17800] =	vst v63  }
0x1c: {  	s30 =	simm.s32 $0x200;
	s1 =	simm.s32 $0x0  }
0x1d: {  	[tilespmem:s19], [sflag:$0x1] =	stream.indirect.gather [hbm4b:s4+s11], $0x40, s30, s11, $0xb8;
	[tilespmem:$0x17800] =	vst v63  }
.LBB2_2:
0x1e: {  	s14 =	sshllo.u32 s1, $0x1  }
0x1f: {  	s0 =	sand.u32 $0xF, s14  }
0x20: {  	s0 =	smul.u32 $0xA00, s0;
	_ =	sdelay $0x1  }
0x21: {  	s0 =	sshrl.u32 s0, $0x2  }
0x22: {  	[tilespmem:s20], [sflag:$0x2] =	stream.indirect.gather [hbm4b:s4+s11], $0x40, s0, s11, $0xb8;
	[tilespmem:$0x17800] =	vst v63  }
0x23: {  	s2 =	sadd.s32 $0x80, s0  }
0x24: {  	[tilespmem:s21], [sflag:$0x2] =	stream.indirect.gather [hbm4b:s4+s11], $0x40, s2, s11, $0xb8;
	[tilespmem:$0x17800] =	vst v63  }
0x25: {  	s16 =	sadd.s32 $0x100, s0  }
0x26: {  	[tilespmem:s22], [sflag:$0x2] =	stream.indirect.gather [hbm4b:s4+s11], $0x40, s16, s11, $0xb8;
	[tilespmem:$0x17800] =	vst v63  }
0x27: {  	s18 =	sadd.s32 $0x180, s0  }
0x28: {  	[tilespmem:s23], [sflag:$0x2] =	stream.indirect.gather [hbm4b:s4+s11], $0x40, s18, s11, $0xb8;
	[tilespmem:$0x17800] =	vst v63  }
0x29: {  	p0 =	seq.s32 s1, $0x0;
	s0 =	sadd.s32 $0x200, s0  }
0x2a: {  	[tilespmem:s24], [sflag:$0x2] =	stream.indirect.gather [hbm4b:s4+s11], $0x40, s0, s11, $0xb8;
	[tilespmem:$0x17800] =	vst v63  }
0x2b: {  	s0 =	simm.s32 @!p0 $0x3  }
0x2c: {  	_ =	swait.ge @!p0 [sflag:s0], $0x800  }
0x2d: {  	[sflag:s0] =	ssyncset.done @!p0 $0x0  }
0x2e: {  	[sflag:s0] =	ssyncadd.s32 @!p0 $0xFFFFF800  }
0x2f: {  	_ =	swait.ge [sflag:s25], $0x2000  }
0x30: {  	[sflag:s25] =	ssyncset.done $0x0  }
0x31: {  	[sflag:s25] =	ssyncadd.s32 $0xFFFFE000  }
0x32: {  	_ =	swait.ge [sflag:s25], $0x2000  }
0x33: {  	[sflag:s25] =	ssyncset.done $0x0  }
0x34: {  	[sflag:s25] =	ssyncadd.s32 $0xFFFFE000  }
0x35: {  	_ =	swait.ge [sflag:s25], $0x2000  }
0x36: {  	[sflag:s25] =	ssyncset.done $0x0  }
0x37: {  	[sflag:s25] =	ssyncadd.s32 $0xFFFFE000  }
0x38: {  	_ =	swait.ge [sflag:s25], $0x2000  }
0x39: {  	[sflag:s25] =	ssyncset.done $0x0  }
0x3a: {  	[sflag:s25] =	ssyncadd.s32 $0xFFFFE000  }
0x3b: {  	_ =	swait.ge [sflag:s25], $0x2000  }
0x3c: {  	s30 =	sshll.u32 s1, $0x1;
	[sflag:s25] =	ssyncset.done $0x0  }
0x3d: {  	s16 =	sadd.s32 $0x2, s30;
	s18 =	simm.s32 $0x0;
	[sflag:s25] =	ssyncadd.s32 $0xFFFFE000  }
.LBB2_3:
0x3e: {  	s0 =	smul.u32 $0x1400, s18;
	_ =	sdelay $0x1  }
0x3f: {  	s0 =	sshra.s32 s0, $0x2  }
0x40: {  	v0 =	vld [tilespmem:s0+$0x2800]  }
0x41: {  	v1 =	vld [tilespmem:s0+$0x2840]  }
0x42: {  	v2 =	vld [tilespmem:s0+$0x2880]  }
0x43: {  	v3 =	vld [tilespmem:s0+$0x28C0]  }
0x44: {  	v4 =	vld [tilespmem:s0+$0x2900]  }
0x45: {  	v5 =	vld [tilespmem:s0+$0x2940]  }
0x46: {  	v6 =	vld [tilespmem:s0+$0x2980]  }
0x47: {  	v7 =	vld [tilespmem:s0+$0x29C0]  }
0x48: {  	v16 =	vld [tilespmem:s0+$0x2A00]  }
0x49: {  	v17 =	vld [tilespmem:s0+$0x2A40]  }
0x4a: {  	v18 =	vld [tilespmem:s0+$0x2A80]  }
0x4b: {  	v19 =	vld [tilespmem:s0+$0x2AC0]  }
0x4c: {  	v20 =	vld [tilespmem:s0+$0x2B00];
	v0 =	vadd.f32 v2, v0;
	v1 =	vadd.f32 v3, v1  }
0x4d: {  	v21 =	vld [tilespmem:s0+$0x2B40]  }
0x4e: {  	v22 =	vld [tilespmem:s0+$0x2B80];
	v0 =	vadd.f32 v4, v0;
	v1 =	vadd.f32 v5, v1  }
0x4f: {  	v23 =	vld [tilespmem:s0+$0x2BC0]  }
0x50: {  	s12 =	sor.u32 $0x1, s18;
	v24 =	vld [tilespmem:s0+$0x2C00];
	v0 =	vadd.f32 v6, v0;
	v1 =	vadd.f32 v7, v1  }
0x51: {  	s9 =	smul.u32 $0x1400, s12;
	v25 =	vld [tilespmem:s0+$0x2C40]  }
0x52: {  	v26 =	vld [tilespmem:s0+$0x2C80];
	v0 =	vadd.f32 v16, v0;
	v1 =	vadd.f32 v17, v1  }
0x53: {  	v27 =	vld [tilespmem:s0+$0x2CC0];
	s30 =	sshra.s32 s9, $0x2  }
0x54: {  	v54 =	vld [tilespmem:s30+$0x2840];
	v0 =	vadd.f32 v18, v0;
	v1 =	vadd.f32 v19, v1  }
0x55: {  	v55 =	vld [tilespmem:s30+$0x2880]  }
0x56: {  	v56 =	vld [tilespmem:s30+$0x28C0];
	v0 =	vadd.f32 v20, v0;
	v1 =	vadd.f32 v21, v1  }
0x57: {  	v57 =	vld [tilespmem:s30+$0x2900]  }
0x58: {  	v58 =	vld [tilespmem:s30+$0x2940];
	v0 =	vadd.f32 v22, v0;
	v1 =	vadd.f32 v23, v1  }
0x59: {  	s2 =	sshll.u32 s18, $0x6;
	v59 =	vld [tilespmem:s30+$0x2980]  }
0x5a: {  	s6 =	sand.u32 $0x3FFFFFC0, s2;
	s2 =	sshll.u32 s12, $0x6;
	s12 =	sor.u32 $0x2, s18;
	v60 =	vld [tilespmem:s30+$0x29C0];
	v0 =	vadd.f32 v24, v0;
	v1 =	vadd.f32 v25, v1  }
0x5b: {  	s13 =	smul.u32 $0x1400, s12;
	v61 =	vld [tilespmem:s30+$0x2A00]  }
0x5c: {  	v62 =	vld [tilespmem:s30+$0x2A40];
	v0 =	vadd.f32 v26, v0;
	v1 =	vadd.f32 v27, v1  }
0x5d: {  	s9 =	sand.u32 $0x3FFFFFC0, s2;
	v63 =	vld [tilespmem:s30+$0x2A80];
	s2 =	sshra.s32 s13, $0x2  }
0x5e: {  	v2 =	vadd.f32 v56, v54;
	v54 =	vld [tilespmem:s2+$0x2940];
	v0 =	vadd.f32 v1, v0  }
0x5f: {  	v56 =	vld [tilespmem:s2+$0x29C0]  }
0x60: {  	v2 =	vadd.f32 v58, v2;
	v58 =	vld [tilespmem:s2+$0x2A00];
	[tilespmem:s6+$0x16800] =	vst v0  }
0x61: {  	v0 =	vld [tilespmem:s0+$0x2810]  }
0x62: {  	v28 =	vld [tilespmem:s0+$0x2850]  }
0x63: {  	v29 =	vld [tilespmem:s0+$0x2890]  }
0x64: {  	v30 =	vld [tilespmem:s0+$0x28D0]  }
0x65: {  	v31 =	vld [tilespmem:s0+$0x2910]  }
0x66: {  	v32 =	vld [tilespmem:s0+$0x2950]  }
0x67: {  	v33 =	vld [tilespmem:s0+$0x2990]  }
0x68: {  	v34 =	vld [tilespmem:s0+$0x29D0]  }
0x69: {  	v35 =	vld [tilespmem:s0+$0x2A10];
	v0 =	vadd.f32 v29, v0;
	v1 =	vadd.f32 v30, v28  }
0x6a: {  	v36 =	vld [tilespmem:s0+$0x2A50]  }
0x6b: {  	v37 =	vld [tilespmem:s0+$0x2A90];
	v0 =	vadd.f32 v31, v0;
	v1 =	vadd.f32 v32, v1  }
0x6c: {  	v38 =	vld [tilespmem:s0+$0x2AD0]  }
0x6d: {  	v39 =	vld [tilespmem:s0+$0x2B10];
	v0 =	vadd.f32 v33, v0;
	v1 =	vadd.f32 v34, v1  }
0x6e: {  	v40 =	vld [tilespmem:s0+$0x2B50]  }
0x6f: {  	v41 =	vld [tilespmem:s0+$0x2B90];
	v0 =	vadd.f32 v35, v0;
	v1 =	vadd.f32 v36, v1  }
0x70: {  	v42 =	vld [tilespmem:s0+$0x2BD0]  }
0x71: {  	v43 =	vld [tilespmem:s0+$0x2C10];
	v0 =	vadd.f32 v37, v0;
	v1 =	vadd.f32 v38, v1  }
0x72: {  	v44 =	vld [tilespmem:s0+$0x2C50]  }
0x73: {  	v45 =	vld [tilespmem:s0+$0x2C90];
	v0 =	vadd.f32 v39, v0;
	v1 =	vadd.f32 v40, v1  }
0x74: {  	v2 =	vadd.f32 v60, v2;
	v46 =	vld [tilespmem:s0+$0x2CD0]  }
0x75: {  	v60 =	vld [tilespmem:s2+$0x2A80];
	v0 =	vadd.f32 v41, v0;
	v1 =	vadd.f32 v42, v1  }
0x76: {  	v2 =	vadd.f32 v62, v2;
	v62 =	vld [tilespmem:s2+$0x2B00]  }
0x77: {  	v20 =	vld [tilespmem:s30+$0x2800];
	v0 =	vadd.f32 v43, v0;
	v1 =	vadd.f32 v44, v1  }
0x78: {  	v21 =	vld [tilespmem:s30+$0x2BC0]  }
0x79: {  	v22 =	vld [tilespmem:s30+$0x2C00];
	v0 =	vadd.f32 v45, v0;
	v1 =	vadd.f32 v46, v1  }
0x7a: {  	v23 =	vld [tilespmem:s30+$0x2C40]  }
0x7b: {  	v24 =	vld [tilespmem:s30+$0x2C80];
	v0 =	vadd.f32 v1, v0  }
0x7c: {  	v25 =	vld [tilespmem:s30+$0x2CC0]  }
0x7d: {  	v3 =	vadd.f32 v55, v20;
	v20 =	vld [tilespmem:s30+$0x2B80];
	[tilespmem:s6+$0x16810] =	vst v0  }
0x7e: {  	v0 =	vld [tilespmem:s0+$0x2820]  }
0x7f: {  	v47 =	vld [tilespmem:s0+$0x2860]  }
0x80: {  	v48 =	vld [tilespmem:s0+$0x28A0]  }
0x81: {  	v49 =	vld [tilespmem:s0+$0x28E0]  }
0x82: {  	v50 =	vld [tilespmem:s0+$0x2920]  }
0x83: {  	v51 =	vld [tilespmem:s0+$0x2960]  }
0x84: {  	v52 =	vld [tilespmem:s0+$0x29A0]  }
0x85: {  	v53 =	vld [tilespmem:s0+$0x29E0]  }
0x86: {  	v8 =	vld [tilespmem:s0+$0x2A20];
	v0 =	vadd.f32 v48, v0;
	v1 =	vadd.f32 v49, v47  }
0x87: {  	v9 =	vld [tilespmem:s0+$0x2A60]  }
0x88: {  	v10 =	vld [tilespmem:s0+$0x2AA0];
	v0 =	vadd.f32 v50, v0;
	v1 =	vadd.f32 v51, v1  }
0x89: {  	v11 =	vld [tilespmem:s0+$0x2AE0]  }
0x8a: {  	v12 =	vld [tilespmem:s0+$0x2B20];
	v0 =	vadd.f32 v52, v0;
	v1 =	vadd.f32 v53, v1  }
0x8b: {  	v13 =	vld [tilespmem:s0+$0x2B60]  }
0x8c: {  	v14 =	vld [tilespmem:s0+$0x2BA0];
	v0 =	vadd.f32 v8, v0;
	v1 =	vadd.f32 v9, v1  }
0x8d: {  	v15 =	vld [tilespmem:s0+$0x2BE0]  }
0x8e: {  	v16 =	vld [tilespmem:s0+$0x2C20];
	v0 =	vadd.f32 v10, v0;
	v1 =	vadd.f32 v11, v1  }
0x8f: {  	v17 =	vld [tilespmem:s0+$0x2C60]  }
0x90: {  	v18 =	vld [tilespmem:s0+$0x2CA0];
	v0 =	vadd.f32 v12, v0;
	v1 =	vadd.f32 v13, v1  }
0x91: {  	v3 =	vadd.f32 v57, v3;
	v19 =	vld [tilespmem:s0+$0x2CE0]  }
0x92: {  	v55 =	vld [tilespmem:s2+$0x2980];
	v0 =	vadd.f32 v14, v0;
	v1 =	vadd.f32 v15, v1  }
0x93: {  	v3 =	vadd.f32 v59, v3;
	v12 =	vld [tilespmem:s30+$0x2AC0]  }
0x94: {  	v13 =	vld [tilespmem:s30+$0x2B00];
	v0 =	vadd.f32 v16, v0;
	v1 =	vadd.f32 v17, v1  }
0x95: {  	v59 =	vld [tilespmem:s2+$0x2A40];
	v3 =	vadd.f32 v61, v3  }
0x96: {  	v15 =	vld [tilespmem:s30+$0x2B40];
	v0 =	vadd.f32 v18, v0;
	v1 =	vadd.f32 v19, v1  }
0x97: {  	v61 =	vld [tilespmem:s2+$0x2AC0];
	v3 =	vadd.f32 v63, v3  }
0x98: {  	v63 =	vld [tilespmem:s2+$0x2B40];
	v0 =	vadd.f32 v1, v0  }
0x99: {  	v52 =	vld [tilespmem:s2+$0x28C0];
	v2 =	vadd.f32 v12, v2;
	v3 =	vadd.f32 v13, v3  }
0x9a: {  	v53 =	vld [tilespmem:s2+$0x2900];
	[tilespmem:s6+$0x16820] =	vst v0  }
0x9b: {  	v2 =	vadd.f32 v15, v2;
	v26 =	vadd.f32 v20, v3;
	v3 =	vld [tilespmem:s0+$0x2830]  }
0x9c: {  	v1 =	vld [tilespmem:s0+$0x2870]  }
0x9d: {  	v2 =	vadd.f32 v21, v2;
	v6 =	vld [tilespmem:s0+$0x28B0]  }
0x9e: {  	v5 =	vld [tilespmem:s0+$0x28F0]  }
0x9f: {  	v27 =	vadd.f32 v22, v26;
	v2 =	vadd.f32 v23, v2;
	v7 =	vld [tilespmem:s0+$0x2930]  }
0xa0: {  	v4 =	vld [tilespmem:s0+$0x2970]  }
0xa1: {  	v0 =	vadd.f32 v24, v27;
	v14 =	vld [tilespmem:s0+$0x29B0];
	v2 =	vadd.f32 v25, v2  }
0xa2: {  	v12 =	vld [tilespmem:s0+$0x29F0]  }
0xa3: {  	v13 =	vld [tilespmem:s0+$0x2A30];
	v0 =	vadd.f32 v2, v0  }
0xa4: {  	v10 =	vld [tilespmem:s0+$0x2A70]  }
0xa5: {  	v11 =	vld [tilespmem:s0+$0x2AB0];
	[tilespmem:s9+$0x16800] =	vst v0  }
0xa6: {  	v0 =	vld [tilespmem:s30+$0x2810]  }
0xa7: {  	v28 =	vld [tilespmem:s30+$0x2850]  }
0xa8: {  	v29 =	vld [tilespmem:s30+$0x2890]  }
0xa9: {  	v30 =	vld [tilespmem:s30+$0x28D0]  }
0xaa: {  	v31 =	vld [tilespmem:s30+$0x2910]  }
0xab: {  	v32 =	vld [tilespmem:s30+$0x2950]  }
0xac: {  	v33 =	vld [tilespmem:s30+$0x2990]  }
0xad: {  	v34 =	vld [tilespmem:s30+$0x29D0]  }
0xae: {  	v35 =	vld [tilespmem:s30+$0x2A10];
	v0 =	vadd.f32 v29, v0;
	v2 =	vadd.f32 v30, v28  }
0xaf: {  	v36 =	vld [tilespmem:s30+$0x2A50]  }
0xb0: {  	v37 =	vld [tilespmem:s30+$0x2A90];
	v0 =	vadd.f32 v31, v0;
	v2 =	vadd.f32 v32, v2  }
0xb1: {  	v38 =	vld [tilespmem:s30+$0x2AD0]  }
0xb2: {  	v39 =	vld [tilespmem:s30+$0x2B10];
	v0 =	vadd.f32 v33, v0;
	v2 =	vadd.f32 v34, v2  }
0xb3: {  	v40 =	vld [tilespmem:s30+$0x2B50]  }
0xb4: {  	v41 =	vld [tilespmem:s30+$0x2B90];
	v0 =	vadd.f32 v35, v0;
	v2 =	vadd.f32 v36, v2  }
0xb5: {  	v42 =	vld [tilespmem:s30+$0x2BD0]  }
0xb6: {  	v43 =	vld [tilespmem:s30+$0x2C10];
	v0 =	vadd.f32 v37, v0;
	v2 =	vadd.f32 v38, v2  }
0xb7: {  	v44 =	vld [tilespmem:s30+$0x2C50]  }
0xb8: {  	v45 =	vld [tilespmem:s30+$0x2C90];
	v0 =	vadd.f32 v39, v0;
	v2 =	vadd.f32 v40, v2  }
0xb9: {  	v46 =	vld [tilespmem:s30+$0x2CD0]  }
0xba: {  	v35 =	vld [tilespmem:s2+$0x2800];
	v0 =	vadd.f32 v41, v0;
	v2 =	vadd.f32 v42, v2  }
0xbb: {  	v37 =	vld [tilespmem:s2+$0x2880]  }
0xbc: {  	v8 =	vld [tilespmem:s0+$0x2AF0];
	v0 =	vadd.f32 v43, v0;
	v2 =	vadd.f32 v44, v2  }
0xbd: {  	v9 =	vld [tilespmem:s0+$0x2B30]  }
0xbe: {  	v19 =	vld [tilespmem:s0+$0x2BF0];
	v0 =	vadd.f32 v45, v0;
	v2 =	vadd.f32 v46, v2  }
0xbf: {  	v36 =	vld [tilespmem:s2+$0x2840]  }
0xc0: {  	v57 =	vadd.f32 v37, v35;
	v35 =	vld [tilespmem:s2+$0x2CC0];
	v15 =	vadd.f32 v2, v0  }
0xc1: {  	v2 =	vld [tilespmem:s0+$0x2B70]  }
0xc2: {  	v0 =	vld [tilespmem:s0+$0x2BB0];
	[tilespmem:s9+$0x16810] =	vst v15  }
0xc3: {  	v15 =	vld [tilespmem:s30+$0x2820]  }
0xc4: {  	v47 =	vld [tilespmem:s30+$0x2860]  }
0xc5: {  	v48 =	vld [tilespmem:s30+$0x28A0]  }
0xc6: {  	v49 =	vld [tilespmem:s30+$0x28E0]  }
0xc7: {  	v50 =	vld [tilespmem:s30+$0x2920]  }
0xc8: {  	v51 =	vld [tilespmem:s30+$0x2960]  }
0xc9: {  	v21 =	vld [tilespmem:s30+$0x29A0]  }
0xca: {  	v22 =	vld [tilespmem:s30+$0x29E0]  }
0xcb: {  	v23 =	vld [tilespmem:s30+$0x2A20];
	v15 =	vadd.f32 v48, v15;
	v16 =	vadd.f32 v49, v47  }
0xcc: {  	v24 =	vld [tilespmem:s30+$0x2A60]  }
0xcd: {  	v25 =	vld [tilespmem:s30+$0x2AA0];
	v15 =	vadd.f32 v50, v15;
	v16 =	vadd.f32 v51, v16  }
0xce: {  	v26 =	vld [tilespmem:s30+$0x2AE0]  }
0xcf: {  	v27 =	vld [tilespmem:s30+$0x2B20];
	v15 =	vadd.f32 v21, v15;
	v16 =	vadd.f32 v22, v16  }
0xd0: {  	v17 =	vadd.f32 v52, v36;
	v28 =	vld [tilespmem:s30+$0x2B60]  }
0xd1: {  	v29 =	vld [tilespmem:s30+$0x2BA0];
	v15 =	vadd.f32 v23, v15;
	v16 =	vadd.f32 v24, v16  }
0xd2: {  	v17 =	vadd.f32 v54, v17;
	v18 =	vadd.f32 v53, v57;
	v30 =	vld [tilespmem:s30+$0x2BE0]  }
0xd3: {  	v31 =	vld [tilespmem:s30+$0x2C20];
	v15 =	vadd.f32 v25, v15;
	v16 =	vadd.f32 v26, v16  }
0xd4: {  	v17 =	vadd.f32 v56, v17;
	v18 =	vadd.f32 v55, v18;
	v32 =	vld [tilespmem:s30+$0x2C60]  }
0xd5: {  	v33 =	vld [tilespmem:s30+$0x2CA0];
	v15 =	vadd.f32 v27, v15;
	v16 =	vadd.f32 v28, v16  }
0xd6: {  	v17 =	vadd.f32 v59, v17;
	v18 =	vadd.f32 v58, v18;
	v34 =	vld [tilespmem:s30+$0x2CE0]  }
0xd7: {  	v28 =	vld [tilespmem:s2+$0x2B80];
	v15 =	vadd.f32 v29, v15;
	v16 =	vadd.f32 v30, v16  }
0xd8: {  	v17 =	vadd.f32 v61, v17;
	v18 =	vadd.f32 v60, v18;
	v29 =	vld [tilespmem:s2+$0x2BC0]  }
0xd9: {  	v30 =	vld [tilespmem:s2+$0x2C00];
	v15 =	vadd.f32 v31, v15;
	v16 =	vadd.f32 v32, v16  }
0xda: {  	v17 =	vadd.f32 v63, v17;
	v18 =	vadd.f32 v62, v18;
	v31 =	vld [tilespmem:s2+$0x2C40]  }
0xdb: {  	v32 =	vld [tilespmem:s2+$0x2C80];
	v15 =	vadd.f32 v33, v15;
	v16 =	vadd.f32 v34, v16  }
0xdc: {  	v23 =	vadd.f32 v28, v18;
	v18 =	vld [tilespmem:s0+$0x2C70]  }
0xdd: {  	v24 =	vadd.f32 v29, v17;
	v17 =	vld [tilespmem:s0+$0x2C30];
	v36 =	vadd.f32 v16, v15  }
0xde: {  	v15 =	vld [tilespmem:s0+$0x2CB0]  }
0xdf: {  	v16 =	vld [tilespmem:s0+$0x2CF0];
	[tilespmem:s9+$0x16820] =	vst v36  }
0xe0: {  	v20 =	vld [tilespmem:s30+$0x2830]  }
0xe1: {  	v22 =	vadd.f32 v30, v23;
	v21 =	vld [tilespmem:s30+$0x2870]  }
0xe2: {  	v30 =	vld [tilespmem:s30+$0x2930]  }
0xe3: {  	v22 =	vadd.f32 v32, v22;
	v32 =	vld [tilespmem:s30+$0x2970]  }
0xe4: {  	v37 =	vadd.f32 v31, v24;
	v28 =	vld [tilespmem:s30+$0x29B0]  }
0xe5: {  	v31 =	vld [tilespmem:s30+$0x29F0]  }
0xe6: {  	v23 =	vadd.f32 v35, v37;
	v27 =	vld [tilespmem:s30+$0x2A30]  }
0xe7: {  	v29 =	vld [tilespmem:s30+$0x2A70]  }
0xe8: {  	s12 =	sshll.u32 s12, $0x6;
	v26 =	vld [tilespmem:s30+$0x2AF0];
	v38 =	vadd.f32 v23, v22  }
0xe9: {  	s0 =	sand.u32 $0x3FFFFFC0, s12;
	v37 =	vld [tilespmem:s30+$0x2BB0]  }
0xea: {  	v22 =	vld [tilespmem:s30+$0x28B0];
	[tilespmem:s0+$0x16800] =	vst v38  }
0xeb: {  	v24 =	vld [tilespmem:s2+$0x2810]  }
0xec: {  	v39 =	vld [tilespmem:s2+$0x2850]  }
0xed: {  	v40 =	vld [tilespmem:s2+$0x2890]  }
0xee: {  	v41 =	vld [tilespmem:s2+$0x28D0]  }
0xef: {  	v42 =	vld [tilespmem:s2+$0x2910]  }
0xf0: {  	v43 =	vld [tilespmem:s2+$0x2950]  }
0xf1: {  	v44 =	vld [tilespmem:s2+$0x2990]  }
0xf2: {  	v45 =	vld [tilespmem:s2+$0x29D0]  }
0xf3: {  	v46 =	vld [tilespmem:s2+$0x2A10];
	v24 =	vadd.f32 v40, v24;
	v25 =	vadd.f32 v41, v39  }
0xf4: {  	v47 =	vld [tilespmem:s2+$0x2A50]  }
0xf5: {  	v48 =	vld [tilespmem:s2+$0x2A90];
	v24 =	vadd.f32 v42, v24;
	v25 =	vadd.f32 v43, v25  }
0xf6: {  	v49 =	vld [tilespmem:s2+$0x2AD0]  }
0xf7: {  	v50 =	vld [tilespmem:s2+$0x2B10];
	v24 =	vadd.f32 v44, v24;
	v25 =	vadd.f32 v45, v25  }
0xf8: {  	v51 =	vld [tilespmem:s2+$0x2B50]  }
0xf9: {  	v52 =	vld [tilespmem:s2+$0x2B90];
	v24 =	vadd.f32 v46, v24;
	v25 =	vadd.f32 v47, v25  }
0xfa: {  	v53 =	vld [tilespmem:s2+$0x2BD0]  }
0xfb: {  	v54 =	vld [tilespmem:s2+$0x2C10];
	v24 =	vadd.f32 v48, v24;
	v25 =	vadd.f32 v49, v25  }
0xfc: {  	s13 =	sor.u32 $0x3, s18;
	v55 =	vld [tilespmem:s2+$0x2C50]  }
0xfd: {  	s12 =	smul.u32 $0x1400, s13;
	v56 =	vld [tilespmem:s2+$0x2C90];
	v24 =	vadd.f32 v50, v24;
	v25 =	vadd.f32 v51, v25  }
0xfe: {  	v57 =	vld [tilespmem:s2+$0x2CD0]  }
0xff: {  	s12 =	sshra.s32 s12, $0x2;
	v23 =	vld [tilespmem:s30+$0x28F0];
	v24 =	vadd.f32 v52, v24;
	v25 =	vadd.f32 v53, v25  }
0x100: {  	v53 =	vld [tilespmem:s12+$0x2800]  }
0x101: {  	v24 =	vadd.f32 v54, v24;
	v25 =	vadd.f32 v55, v25;
	v54 =	vld [tilespmem:s12+$0x2840]  }
0x102: {  	v55 =	vld [tilespmem:s12+$0x2880]  }
0x103: {  	v24 =	vadd.f32 v56, v24;
	v58 =	vadd.f32 v57, v25;
	v25 =	vld [tilespmem:s30+$0x2AB0]  }
0x104: {  	v56 =	vld [tilespmem:s12+$0x28C0]  }
0x105: {  	v57 =	vld [tilespmem:s12+$0x2900];
	v59 =	vadd.f32 v58, v24  }
0x106: {  	v58 =	vld [tilespmem:s12+$0x2940]  }
0x107: {  	[tilespmem:s0+$0x16810] =	vst v59;
	v59 =	vld [tilespmem:s12+$0x2980]  }
0x108: {  	v33 =	vld [tilespmem:s2+$0x2820]  }
0x109: {  	v60 =	vld [tilespmem:s2+$0x2860]  }
0x10a: {  	v61 =	vld [tilespmem:s2+$0x28A0]  }
0x10b: {  	v62 =	vld [tilespmem:s2+$0x28E0]  }
0x10c: {  	v63 =	vld [tilespmem:s2+$0x2920]  }
0x10d: {  	v38 =	vld [tilespmem:s2+$0x2960]  }
0x10e: {  	v39 =	vld [tilespmem:s2+$0x29A0]  }
0x10f: {  	v40 =	vld [tilespmem:s2+$0x29E0]  }
0x110: {  	v41 =	vld [tilespmem:s2+$0x2A20]  }
0x111: {  	v42 =	vld [tilespmem:s2+$0x2A60]  }
0x112: {  	v43 =	vld [tilespmem:s2+$0x2AA0]  }
0x113: {  	v44 =	vld [tilespmem:s2+$0x2AE0]  }
0x114: {  	v45 =	vld [tilespmem:s2+$0x2B20]  }
0x115: {  	v46 =	vld [tilespmem:s2+$0x2B60]  }
0x116: {  	v47 =	vld [tilespmem:s2+$0x2BA0]  }
0x117: {  	v48 =	vld [tilespmem:s2+$0x2BE0]  }
0x118: {  	v49 =	vld [tilespmem:s2+$0x2C20]  }
0x119: {  	v50 =	vld [tilespmem:s2+$0x2C60]  }
0x11a: {  	v51 =	vld [tilespmem:s2+$0x2CA0];
	v33 =	vadd.f32 v61, v33;
	v34 =	vadd.f32 v62, v60  }
0x11b: {  	v60 =	vld [tilespmem:s12+$0x29C0];
	v61 =	vadd.f32 v55, v53;
	v62 =	vadd.f32 v56, v54  }
0x11c: {  	v33 =	vadd.f32 v63, v33;
	v34 =	vadd.f32 v38, v34;
	v63 =	vld [tilespmem:s12+$0x2A00]  }
0x11d: {  	v55 =	vld [tilespmem:s12+$0x2A40];
	v38 =	vadd.f32 v57, v61  }
0x11e: {  	v56 =	vld [tilespmem:s12+$0x2A80];
	v35 =	vadd.f32 v58, v62;
	v34 =	vadd.f32 v40, v34  }
0x11f: {  	v57 =	vld [tilespmem:s12+$0x2AC0];
	v33 =	vadd.f32 v39, v33;
	v36 =	vadd.f32 v59, v38  }
0x120: {  	v58 =	vld [tilespmem:s12+$0x2B00];
	v35 =	vadd.f32 v60, v35;
	v34 =	vadd.f32 v42, v34  }
0x121: {  	v59 =	vld [tilespmem:s12+$0x2B40];
	v33 =	vadd.f32 v41, v33;
	v36 =	vadd.f32 v63, v36  }
0x122: {  	v60 =	vld [tilespmem:s12+$0x2B80];
	v35 =	vadd.f32 v55, v35;
	v34 =	vadd.f32 v44, v34  }
0x123: {  	v61 =	vld [tilespmem:s12+$0x2BC0];
	v33 =	vadd.f32 v43, v33;
	v36 =	vadd.f32 v56, v36  }
0x124: {  	v62 =	vld [tilespmem:s12+$0x2C00];
	v35 =	vadd.f32 v57, v35;
	v34 =	vadd.f32 v46, v34  }
0x125: {  	v63 =	vld [tilespmem:s12+$0x2C40];
	v33 =	vadd.f32 v45, v33;
	v36 =	vadd.f32 v58, v36  }
0x126: {  	v52 =	vld [tilespmem:s2+$0x2CE0];
	v35 =	vadd.f32 v59, v35;
	v34 =	vadd.f32 v48, v34  }
0x127: {  	v33 =	vadd.f32 v47, v33;
	v48 =	vld [tilespmem:s12+$0x2C80];
	v36 =	vadd.f32 v60, v36  }
0x128: {  	v35 =	vadd.f32 v61, v35;
	v34 =	vadd.f32 v50, v34;
	v50 =	vld [tilespmem:s12+$0x2CC0]  }
0x129: {  	v24 =	vld [tilespmem:s30+$0x2B30];
	v33 =	vadd.f32 v49, v33  }
0x12a: {  	v40 =	vld [tilespmem:s30+$0x2BF0];
	v36 =	vadd.f32 v62, v36;
	v35 =	vadd.f32 v63, v35  }
0x12b: {  	v38 =	vld [tilespmem:s30+$0x2C30];
	v33 =	vadd.f32 v51, v33;
	v34 =	vadd.f32 v52, v34  }
0x12c: {  	v39 =	vld [tilespmem:s30+$0x2C70];
	v53 =	vadd.f32 v48, v36  }
0x12d: {  	v41 =	vld [tilespmem:s30+$0x2B70];
	v33 =	vadd.f32 v34, v33;
	v54 =	vadd.f32 v50, v35  }
0x12e: {  	v36 =	vld [tilespmem:s30+$0x2CF0]  }
0x12f: {  	s13 =	sshll.u32 s13, $0x6;
	v35 =	vld [tilespmem:s30+$0x2CB0];
	[tilespmem:s0+$0x16820] =	vst v33;
	v42 =	vadd.f32 v54, v53  }
0x130: {  	s30 =	sand.u32 $0x3FFFFFC0, s13;
	v33 =	vld [tilespmem:s2+$0x2830]  }
0x131: {  	v34 =	vld [tilespmem:s2+$0x2870];
	[tilespmem:s30+$0x16800] =	vst v42  }
0x132: {  	v42 =	vld [tilespmem:s12+$0x2810]  }
0x133: {  	v55 =	vld [tilespmem:s12+$0x2850]  }
0x134: {  	v56 =	vld [tilespmem:s12+$0x2890]  }
0x135: {  	v57 =	vld [tilespmem:s12+$0x28D0]  }
0x136: {  	v58 =	vld [tilespmem:s12+$0x2910]  }
0x137: {  	v59 =	vld [tilespmem:s12+$0x2950]  }
0x138: {  	v60 =	vld [tilespmem:s12+$0x2990]  }
0x139: {  	v61 =	vld [tilespmem:s12+$0x29D0]  }
0x13a: {  	v62 =	vld [tilespmem:s12+$0x2A10];
	v42 =	vadd.f32 v56, v42;
	v43 =	vadd.f32 v57, v55  }
0x13b: {  	v63 =	vld [tilespmem:s12+$0x2A50]  }
0x13c: {  	v52 =	vld [tilespmem:s12+$0x2A90];
	v42 =	vadd.f32 v58, v42;
	v43 =	vadd.f32 v59, v43  }
0x13d: {  	v53 =	vld [tilespmem:s12+$0x2AD0]  }
0x13e: {  	v54 =	vld [tilespmem:s12+$0x2B10];
	v42 =	vadd.f32 v60, v42;
	v43 =	vadd.f32 v61, v43  }
0x13f: {  	v55 =	vld [tilespmem:s12+$0x2B50]  }
0x140: {  	v56 =	vld [tilespmem:s12+$0x2B90];
	v42 =	vadd.f32 v62, v42;
	v43 =	vadd.f32 v63, v43  }
0x141: {  	v57 =	vld [tilespmem:s12+$0x2BD0]  }
0x142: {  	v58 =	vld [tilespmem:s12+$0x2C10];
	v42 =	vadd.f32 v52, v42;
	v43 =	vadd.f32 v53, v43  }
0x143: {  	v59 =	vld [tilespmem:s12+$0x2C50]  }
0x144: {  	v60 =	vld [tilespmem:s12+$0x2C90];
	v42 =	vadd.f32 v54, v42;
	v43 =	vadd.f32 v55, v43  }
0x145: {  	v61 =	vld [tilespmem:s12+$0x2CD0]  }
0x146: {  	v50 =	vld [tilespmem:s2+$0x28B0];
	v42 =	vadd.f32 v56, v42;
	v43 =	vadd.f32 v57, v43  }
0x147: {  	v3 =	vadd.f32 v6, v3;
	v44 =	vld [tilespmem:s2+$0x28F0]  }
0x148: {  	v45 =	vld [tilespmem:s2+$0x2930];
	v42 =	vadd.f32 v58, v42;
	v43 =	vadd.f32 v59, v43  }
0x149: {  	v3 =	vadd.f32 v7, v3;
	v46 =	vld [tilespmem:s2+$0x2970]  }
0x14a: {  	v47 =	vld [tilespmem:s2+$0x29B0];
	v42 =	vadd.f32 v60, v42;
	v43 =	vadd.f32 v61, v43  }
0x14b: {  	v48 =	vld [tilespmem:s2+$0x29F0]  }
0x14c: {  	v3 =	vadd.f32 v14, v3;
	v49 =	vld [tilespmem:s2+$0x2A30];
	v42 =	vadd.f32 v43, v42  }
0x14d: {  	v51 =	vld [tilespmem:s2+$0x2AB0]  }
0x14e: {  	v3 =	vadd.f32 v13, v3;
	v13 =	vld [tilespmem:s2+$0x2BB0];
	[tilespmem:s30+$0x16810] =	vst v42  }
0x14f: {  	v42 =	vld [tilespmem:s12+$0x2820]  }
0x150: {  	v52 =	vld [tilespmem:s12+$0x2860]  }
0x151: {  	v62 =	vld [tilespmem:s12+$0x28A0]  }
0x152: {  	v63 =	vld [tilespmem:s12+$0x28E0]  }
0x153: {  	v55 =	vld [tilespmem:s12+$0x2920]  }
0x154: {  	v6 =	vld [tilespmem:s12+$0x2960]  }
0x155: {  	v56 =	vld [tilespmem:s12+$0x29A0]  }
0x156: {  	v1 =	vadd.f32 v5, v1;
	v60 =	vld [tilespmem:s12+$0x29E0]  }
0x157: {  	v54 =	vld [tilespmem:s12+$0x2A60];
	v61 =	vadd.f32 v62, v42;
	v62 =	vadd.f32 v63, v52  }
0x158: {  	v1 =	vadd.f32 v4, v1;
	v63 =	vld [tilespmem:s12+$0x2A20]  }
0x159: {  	v57 =	vld [tilespmem:s12+$0x2AA0];
	v7 =	vadd.f32 v55, v61;
	v6 =	vadd.f32 v6, v62  }
0x15a: {  	v1 =	vadd.f32 v12, v1;
	v58 =	vld [tilespmem:s12+$0x2AE0]  }
0x15b: {  	v59 =	vld [tilespmem:s12+$0x2B20];
	v7 =	vadd.f32 v56, v7;
	v5 =	vadd.f32 v60, v6  }
0x15c: {  	v1 =	vadd.f32 v10, v1;
	v60 =	vld [tilespmem:s12+$0x2B60]  }
0x15d: {  	v61 =	vld [tilespmem:s12+$0x2BA0];
	v7 =	vadd.f32 v63, v7;
	v4 =	vadd.f32 v54, v5  }
0x15e: {  	v1 =	vadd.f32 v8, v1;
	v62 =	vld [tilespmem:s12+$0x2BE0]  }
0x15f: {  	v52 =	vld [tilespmem:s12+$0x2C60];
	v7 =	vadd.f32 v57, v7;
	v4 =	vadd.f32 v58, v4  }
0x160: {  	v22 =	vadd.f32 v22, v20;
	v42 =	vadd.f32 v23, v21;
	v63 =	vld [tilespmem:s12+$0x2C20]  }
0x161: {  	v53 =	vld [tilespmem:s12+$0x2CA0];
	v6 =	vadd.f32 v59, v7;
	v4 =	vadd.f32 v60, v4  }
0x162: {  	v55 =	vadd.f32 v32, v42;
	v56 =	vld [tilespmem:s12+$0x2CE0];
	v54 =	vadd.f32 v30, v22  }
0x163: {  	v12 =	vld [tilespmem:s2+$0x2C30];
	v5 =	vadd.f32 v61, v6;
	v4 =	vadd.f32 v62, v4  }
0x164: {  	v43 =	vld [tilespmem:s2+$0x2A70];
	v58 =	vadd.f32 v28, v54;
	v59 =	vadd.f32 v31, v55  }
0x165: {  	v57 =	vld [tilespmem:s2+$0x2AF0];
	v5 =	vadd.f32 v63, v5;
	v4 =	vadd.f32 v52, v4  }
0x166: {  	v60 =	vld [tilespmem:s2+$0x2B30];
	v8 =	vadd.f32 v27, v58;
	v10 =	vadd.f32 v29, v59  }
0x167: {  	v7 =	vld [tilespmem:s2+$0x2BF0];
	v5 =	vadd.f32 v53, v5;
	v4 =	vadd.f32 v56, v4  }
0x168: {  	v3 =	vadd.f32 v11, v3;
	v61 =	vld [tilespmem:s2+$0x2B70];
	v8 =	vadd.f32 v25, v8  }
0x169: {  	v25 =	vld [tilespmem:s2+$0x2CB0];
	v10 =	vadd.f32 v26, v10;
	v62 =	vadd.f32 v4, v5  }
0x16a: {  	v3 =	vadd.f32 v9, v3;
	v1 =	vadd.f32 v2, v1;
	v63 =	vld [tilespmem:s2+$0x2C70]  }
0x16b: {  	v23 =	vadd.f32 v24, v8;
	v26 =	vld [tilespmem:s2+$0x2CF0];
	v24 =	vadd.f32 v41, v10;
	[tilespmem:s30+$0x16820] =	vst v62  }
0x16c: {  	v0 =	vadd.f32 v0, v3;
	v1 =	vadd.f32 v19, v1;
	v29 =	vld [tilespmem:s12+$0x2830]  }
0x16d: {  	v27 =	vadd.f32 v37, v23;
	v28 =	vadd.f32 v40, v24;
	v30 =	vld [tilespmem:s12+$0x2870]  }
0x16e: {  	v1 =	vadd.f32 v18, v1;
	v0 =	vadd.f32 v17, v0;
	v31 =	vld [tilespmem:s12+$0x28B0]  }
0x16f: {  	v2 =	vadd.f32 v38, v27;
	v3 =	vadd.f32 v39, v28;
	v32 =	vld [tilespmem:s12+$0x28F0]  }
0x170: {  	v1 =	vadd.f32 v16, v1;
	v0 =	vadd.f32 v15, v0;
	v37 =	vld [tilespmem:s12+$0x2970]  }
0x171: {  	v2 =	vadd.f32 v35, v2;
	v3 =	vadd.f32 v36, v3;
	v36 =	vld [tilespmem:s12+$0x2930]  }
0x172: {  	v0 =	vadd.f32 v1, v0;
	v41 =	vadd.f32 v44, v34;
	v39 =	vld [tilespmem:s12+$0x29B0]  }
0x173: {  	v40 =	vadd.f32 v50, v33;
	v42 =	vld [tilespmem:s12+$0x29F0];
	v38 =	vadd.f32 v3, v2  }
0x174: {  	v44 =	vld [tilespmem:s12+$0x2A30];
	v5 =	vadd.f32 v31, v29;
	v8 =	vadd.f32 v32, v30  }
0x175: {  	v3 =	vadd.f32 v45, v40;
	v45 =	vadd.f32 v46, v41;
	v46 =	vld [tilespmem:s12+$0x2A70]  }
0x176: {  	v50 =	vld [tilespmem:s12+$0x2AB0];
	v5 =	vadd.f32 v36, v5;
	v8 =	vadd.f32 v37, v8  }
0x177: {  	v52 =	vld [tilespmem:s12+$0x2AF0];
	v3 =	vadd.f32 v47, v3;
	v17 =	vadd.f32 v48, v45  }
0x178: {  	v54 =	vld [tilespmem:s12+$0x2B30];
	v2 =	vadd.f32 v39, v5;
	v53 =	vadd.f32 v42, v8  }
0x179: {  	v55 =	vld [tilespmem:s12+$0x2B70];
	v3 =	vadd.f32 v49, v3;
	v17 =	vadd.f32 v43, v17  }
0x17a: {  	v56 =	vld [tilespmem:s12+$0x2BB0];
	v2 =	vadd.f32 v44, v2;
	v5 =	vadd.f32 v46, v53  }
0x17b: {  	v3 =	vadd.f32 v51, v3;
	v6 =	vadd.f32 v57, v17;
	v57 =	vld [tilespmem:s12+$0x2BF0]  }
0x17c: {  	v58 =	vld [tilespmem:s12+$0x2C30];
	v2 =	vadd.f32 v50, v2;
	v5 =	vadd.f32 v52, v5  }
0x17d: {  	v59 =	vld [tilespmem:s12+$0x2C70];
	v3 =	vadd.f32 v60, v3;
	v6 =	vadd.f32 v61, v6  }
0x17e: {  	v60 =	vld [tilespmem:s12+$0x2CB0];
	v2 =	vadd.f32 v54, v2;
	v5 =	vadd.f32 v55, v5  }
0x17f: {  	v61 =	vld [tilespmem:s12+$0x2CF0];
	v3 =	vadd.f32 v13, v3;
	v6 =	vadd.f32 v7, v6  }
0x180: {  	v2 =	vadd.f32 v56, v2;
	v5 =	vadd.f32 v57, v5  }
0x181: {  	v3 =	vadd.f32 v12, v3;
	v4 =	vadd.f32 v63, v6  }
0x182: {  	v2 =	vadd.f32 v58, v2;
	v5 =	vadd.f32 v59, v5  }
0x183: {  	p1 =	slt.u32 s18, $0x1C;
	v3 =	vadd.f32 v25, v3;
	v4 =	vadd.f32 v26, v4  }
.Ltmp0:
0x184: {  	v2 =	vadd.f32 v60, v2;
	v5 =	vadd.f32 v61, v5;
	(pc) =	sbr.rel @p1 .LBB2_3-.Ltmp0, $4  }
0x185: {  	[tilespmem:s6+$0x16830] =	vst v0;
	v62 =	vadd.f32 v4, v3  }
0x186: {  	[tilespmem:s9+$0x16830] =	vst v38;
	v63 =	vadd.f32 v5, v2  }
0x187: {  	s13 =	sadd.s32 $0x4, s18;
	[tilespmem:s0+$0x16830] =	vst v62  }
0x188: {  	s18 =	smov.u32 s13;
	[tilespmem:s30+$0x16830] =	vst v63  }
0x189: {  	s0 =	sshll.u32 s1, $0xC  }
0x18a: {  	s0 =	sadd.s32 s8, s0  }
0x18b: {  	s0 =	sshrl.u32 s0, $0x3  }
0x18c: {  	s0 =	sadd.s32 s5, s0  }
0x18d: {  	[hbm4b:s0+s3] =	stream.linear.scatter [tilespmem:s26], [sflag:$0x3], $0x800, $0x38;
	[tilespmem:$0x17800] =	vst v63  }
0x18e: {  	p1 =	seq.s32 s1, $0x33;
	s0 =	sand.u32 $0x6, s16  }
0x18f: {  	p2 =	sne.s32 @!p1 s0, $0x0  }
0x190: {  	p2 =	por p1, p2  }
.Ltmp1:
0x191: {  	_ = 	snop;
	(pc) =	sbr.rel @p2 .LBB2_6-.Ltmp1, $1  }
0x192: {  	_ =	sdelay $0x3  }
0x193: {  	s0 =	smul.u32 $0x280, s16;
	_ =	sdelay $0x1  }
0x194: {  	s2 =	sshll.u32 s16, $0x1C;
	s0 =	sadd.s32 s7, s0  }
0x195: {  	s6 =	rddreg [dreg:$0x0];
	s2 =	sshra.s32 s2, $0x1F;
	s0 =	sshrl.u32 s0, $0x3  }
0x196: {  	s2 =	sand.u32 $0x1400, s2;
	s0 =	sadd.s32 s6, s0  }
0x197: {  	[tilespmem:s2], [sflag:$0x5] =	stream.linear.gather [hbm4b:s0+s3], $0x1400, $0x38;
	[tilespmem:$0x17800] =	vst v63  }
0x198: {  	_ =	swait.ge [sflag:s10], $0x1400  }
0x199: {  	[sflag:s10] =	ssyncset.done $0x0  }
0x19a: {  	[sflag:s10] =	ssyncadd.s32 $0xFFFFEC00  }
.LBB2_7:
0x19b: {  	s0 =	sand.u32 $0xE, s16  }
0x19c: {  	s0 =	smul.u32 $0xA00, s0;
	_ =	sdelay $0x1  }
0x19d: {  	s2 =	simm.s32 $0x2800;
	s0 =	sshrl.u32 s0, $0x2  }
0x19e: {  	[tilespmem:s2], [sflag:$0x1] =	stream.indirect.gather [hbm4b:s4+s11], $0x40, s0, s11, $0xb8;
	[tilespmem:$0x17800] =	vst v63  }
0x19f: {  	s6 =	simm.s32 $0x4800;
	s16 =	sor.u32 $0x80, s0  }
0x1a0: {  	[tilespmem:s6], [sflag:$0x1] =	stream.indirect.gather [hbm4b:s4+s11], $0x40, s16, s11, $0xb8;
	[tilespmem:$0x17800] =	vst v63  }
0x1a1: {  	s18 =	sadd.s32 $0x100, s0  }
0x1a2: {  	[tilespmem:s15], [sflag:$0x1] =	stream.indirect.gather [hbm4b:s4+s11], $0x40, s18, s11, $0xb8;
	[tilespmem:$0x17800] =	vst v63  }
.Ltmp2:
0x1a3: {  	_ = 	snop;
	(pc) =	sbr.rel @!p0 .LBB2_8-.Ltmp2, $4  }
.Ltmp3:
0x1a4: {  	s30 =	sadd.s32 $0x180, s0;
	(pc) =	sbr.rel @p0 .LBB2_9-.Ltmp3, $4  }
0x1a5: {  	[tilespmem:s17], [sflag:$0x1] =	stream.indirect.gather [hbm4b:s4+s11], $0x40, s30, s11, $0xb8;
	[tilespmem:$0x17800] =	vst v63  }
0x1a6: {  	s0 =	sadd.s32 $0x200, s0  }
0x1a7: {  	[tilespmem:s19], [sflag:$0x1] =	stream.indirect.gather [hbm4b:s4+s11], $0x40, s0, s11, $0xb8;
	[tilespmem:$0x17800] =	vst v63  }
0x1a8: {  	_ = 	snop  }
.LBB2_6:
.Ltmp4:
0x1a9: {  	(pc) =	sbr.rel @!p1 .LBB2_7-.Ltmp4, $1  }
0x1aa: {  	_ =	sdelay $0x3  }
.LBB2_8:
0x1ab: {  	_ =	swait.ge [sflag:s31], $0x800  }
0x1ac: {  	[sflag:s31] =	ssyncset.done $0x0  }
0x1ad: {  	[sflag:s31] =	ssyncadd.s32 $0xFFFFF800  }
.LBB2_9:
0x1ae: {  	_ =	swait.ge [sflag:s28], $0x2000  }
0x1af: {  	[sflag:s28] =	ssyncset.done $0x0  }
0x1b0: {  	[sflag:s28] =	ssyncadd.s32 $0xFFFFE000  }
0x1b1: {  	_ =	swait.ge [sflag:s28], $0x2000  }
0x1b2: {  	[sflag:s28] =	ssyncset.done $0x0  }
0x1b3: {  	[sflag:s28] =	ssyncadd.s32 $0xFFFFE000  }
0x1b4: {  	_ =	swait.ge [sflag:s28], $0x2000  }
0x1b5: {  	[sflag:s28] =	ssyncset.done $0x0  }
0x1b6: {  	[sflag:s28] =	ssyncadd.s32 $0xFFFFE000  }
0x1b7: {  	_ =	swait.ge [sflag:s28], $0x2000  }
0x1b8: {  	[sflag:s28] =	ssyncset.done $0x0  }
0x1b9: {  	[sflag:s28] =	ssyncadd.s32 $0xFFFFE000  }
0x1ba: {  	_ =	swait.ge [sflag:s28], $0x2000  }
0x1bb: {  	[sflag:s28] =	ssyncset.done $0x0  }
0x1bc: {  	s16 =	simm.s32 $0x0;
	[sflag:s28] =	ssyncadd.s32 $0xFFFFE000  }
.LBB2_10:
0x1bd: {  	s0 =	smul.u32 $0x1400, s16;
	_ =	sdelay $0x1  }
0x1be: {  	s0 =	sshra.s32 s0, $0x2  }
0x1bf: {  	v0 =	vld [tilespmem:s0+$0xC800]  }
0x1c0: {  	v1 =	vld [tilespmem:s0+$0xC840]  }
0x1c1: {  	v2 =	vld [tilespmem:s0+$0xC880]  }
0x1c2: {  	v3 =	vld [tilespmem:s0+$0xC8C0]  }
0x1c3: {  	v4 =	vld [tilespmem:s0+$0xC900]  }
0x1c4: {  	v5 =	vld [tilespmem:s0+$0xC940]  }
0x1c5: {  	v6 =	vld [tilespmem:s0+$0xC980]  }
0x1c6: {  	v7 =	vld [tilespmem:s0+$0xC9C0]  }
0x1c7: {  	v16 =	vld [tilespmem:s0+$0xCA00]  }
0x1c8: {  	v17 =	vld [tilespmem:s0+$0xCA40]  }
0x1c9: {  	v18 =	vld [tilespmem:s0+$0xCA80]  }
0x1ca: {  	v19 =	vld [tilespmem:s0+$0xCAC0]  }
0x1cb: {  	v20 =	vld [tilespmem:s0+$0xCB00];
	v0 =	vadd.f32 v2, v0;
	v1 =	vadd.f32 v3, v1  }
0x1cc: {  	v21 =	vld [tilespmem:s0+$0xCB40]  }
0x1cd: {  	v22 =	vld [tilespmem:s0+$0xCB80];
	v0 =	vadd.f32 v4, v0;
	v1 =	vadd.f32 v5, v1  }
0x1ce: {  	v23 =	vld [tilespmem:s0+$0xCBC0]  }
0x1cf: {  	s13 =	sor.u32 $0x1, s16;
	v24 =	vld [tilespmem:s0+$0xCC00];
	v0 =	vadd.f32 v6, v0;
	v1 =	vadd.f32 v7, v1  }
0x1d0: {  	s9 =	smul.u32 $0x1400, s13;
	v25 =	vld [tilespmem:s0+$0xCC40]  }
0x1d1: {  	v26 =	vld [tilespmem:s0+$0xCC80];
	v0 =	vadd.f32 v16, v0;
	v1 =	vadd.f32 v17, v1  }
0x1d2: {  	v27 =	vld [tilespmem:s0+$0xCCC0];
	s18 =	sshra.s32 s9, $0x2  }
0x1d3: {  	v54 =	vld [tilespmem:s18+$0xC840];
	v0 =	vadd.f32 v18, v0;
	v1 =	vadd.f32 v19, v1  }
0x1d4: {  	v55 =	vld [tilespmem:s18+$0xC880]  }
0x1d5: {  	v56 =	vld [tilespmem:s18+$0xC8C0];
	v0 =	vadd.f32 v20, v0;
	v1 =	vadd.f32 v21, v1  }
0x1d6: {  	v57 =	vld [tilespmem:s18+$0xC900]  }
0x1d7: {  	v58 =	vld [tilespmem:s18+$0xC940];
	v0 =	vadd.f32 v22, v0;
	v1 =	vadd.f32 v23, v1  }
0x1d8: {  	v59 =	vld [tilespmem:s18+$0xC980]  }
0x1d9: {  	s12 =	sor.u32 $0x2, s16;
	v60 =	vld [tilespmem:s18+$0xC9C0];
	v0 =	vadd.f32 v24, v0;
	v1 =	vadd.f32 v25, v1  }
0x1da: {  	s2 =	sshll.u32 s16, $0x6;
	s30 =	smul.u32 $0x1400, s12;
	v61 =	vld [tilespmem:s18+$0xCA00]  }
0x1db: {  	s6 =	sand.u32 $0x3FFFFFC0, s2;
	s2 =	sshll.u32 s13, $0x6;
	v62 =	vld [tilespmem:s18+$0xCA40];
	v0 =	vadd.f32 v26, v0;
	v1 =	vadd.f32 v27, v1  }
0x1dc: {  	s9 =	sand.u32 $0x3FFFFFC0, s2;
	s2 =	sshra.s32 s30, $0x2;
	v63 =	vld [tilespmem:s18+$0xCA80]  }
0x1dd: {  	v2 =	vadd.f32 v56, v54;
	v54 =	vld [tilespmem:s2+$0xC940];
	v0 =	vadd.f32 v1, v0  }
0x1de: {  	v56 =	vld [tilespmem:s2+$0xC9C0]  }
0x1df: {  	v2 =	vadd.f32 v58, v2;
	v58 =	vld [tilespmem:s2+$0xCA00];
	[tilespmem:s6+$0x17000] =	vst v0  }
0x1e0: {  	v0 =	vld [tilespmem:s0+$0xC810]  }
0x1e1: {  	v28 =	vld [tilespmem:s0+$0xC850]  }
0x1e2: {  	v29 =	vld [tilespmem:s0+$0xC890]  }
0x1e3: {  	v30 =	vld [tilespmem:s0+$0xC8D0]  }
0x1e4: {  	v31 =	vld [tilespmem:s0+$0xC910]  }
0x1e5: {  	v32 =	vld [tilespmem:s0+$0xC950]  }
0x1e6: {  	v33 =	vld [tilespmem:s0+$0xC990]  }
0x1e7: {  	v34 =	vld [tilespmem:s0+$0xC9D0]  }
0x1e8: {  	v35 =	vld [tilespmem:s0+$0xCA10];
	v0 =	vadd.f32 v29, v0;
	v1 =	vadd.f32 v30, v28  }
0x1e9: {  	v36 =	vld [tilespmem:s0+$0xCA50]  }
0x1ea: {  	v37 =	vld [tilespmem:s0+$0xCA90];
	v0 =	vadd.f32 v31, v0;
	v1 =	vadd.f32 v32, v1  }
0x1eb: {  	v38 =	vld [tilespmem:s0+$0xCAD0]  }
0x1ec: {  	v39 =	vld [tilespmem:s0+$0xCB10];
	v0 =	vadd.f32 v33, v0;
	v1 =	vadd.f32 v34, v1  }
0x1ed: {  	v40 =	vld [tilespmem:s0+$0xCB50]  }
0x1ee: {  	v41 =	vld [tilespmem:s0+$0xCB90];
	v0 =	vadd.f32 v35, v0;
	v1 =	vadd.f32 v36, v1  }
0x1ef: {  	v42 =	vld [tilespmem:s0+$0xCBD0]  }
0x1f0: {  	v43 =	vld [tilespmem:s0+$0xCC10];
	v0 =	vadd.f32 v37, v0;
	v1 =	vadd.f32 v38, v1  }
0x1f1: {  	v44 =	vld [tilespmem:s0+$0xCC50]  }
0x1f2: {  	v45 =	vld [tilespmem:s0+$0xCC90];
	v0 =	vadd.f32 v39, v0;
	v1 =	vadd.f32 v40, v1  }
0x1f3: {  	v2 =	vadd.f32 v60, v2;
	v46 =	vld [tilespmem:s0+$0xCCD0]  }
0x1f4: {  	v60 =	vld [tilespmem:s2+$0xCA80];
	v0 =	vadd.f32 v41, v0;
	v1 =	vadd.f32 v42, v1  }
0x1f5: {  	v2 =	vadd.f32 v62, v2;
	v62 =	vld [tilespmem:s2+$0xCB00]  }
0x1f6: {  	v20 =	vld [tilespmem:s18+$0xC800];
	v0 =	vadd.f32 v43, v0;
	v1 =	vadd.f32 v44, v1  }
0x1f7: {  	v21 =	vld [tilespmem:s18+$0xCBC0]  }
0x1f8: {  	v22 =	vld [tilespmem:s18+$0xCC00];
	v0 =	vadd.f32 v45, v0;
	v1 =	vadd.f32 v46, v1  }
0x1f9: {  	v23 =	vld [tilespmem:s18+$0xCC40]  }
0x1fa: {  	v24 =	vld [tilespmem:s18+$0xCC80];
	v0 =	vadd.f32 v1, v0  }
0x1fb: {  	v25 =	vld [tilespmem:s18+$0xCCC0]  }
0x1fc: {  	v3 =	vadd.f32 v55, v20;
	v20 =	vld [tilespmem:s18+$0xCB80];
	[tilespmem:s6+$0x17010] =	vst v0  }
0x1fd: {  	v0 =	vld [tilespmem:s0+$0xC820]  }
0x1fe: {  	v47 =	vld [tilespmem:s0+$0xC860]  }
0x1ff: {  	v48 =	vld [tilespmem:s0+$0xC8A0]  }
0x200: {  	v49 =	vld [tilespmem:s0+$0xC8E0]  }
0x201: {  	v50 =	vld [tilespmem:s0+$0xC920]  }
0x202: {  	v51 =	vld [tilespmem:s0+$0xC960]  }
0x203: {  	v52 =	vld [tilespmem:s0+$0xC9A0]  }
0x204: {  	v53 =	vld [tilespmem:s0+$0xC9E0]  }
0x205: {  	v8 =	vld [tilespmem:s0+$0xCA20];
	v0 =	vadd.f32 v48, v0;
	v1 =	vadd.f32 v49, v47  }
0x206: {  	v9 =	vld [tilespmem:s0+$0xCA60]  }
0x207: {  	v10 =	vld [tilespmem:s0+$0xCAA0];
	v0 =	vadd.f32 v50, v0;
	v1 =	vadd.f32 v51, v1  }
0x208: {  	v11 =	vld [tilespmem:s0+$0xCAE0]  }
0x209: {  	v12 =	vld [tilespmem:s0+$0xCB20];
	v0 =	vadd.f32 v52, v0;
	v1 =	vadd.f32 v53, v1  }
0x20a: {  	v13 =	vld [tilespmem:s0+$0xCB60]  }
0x20b: {  	v14 =	vld [tilespmem:s0+$0xCBA0];
	v0 =	vadd.f32 v8, v0;
	v1 =	vadd.f32 v9, v1  }
0x20c: {  	v15 =	vld [tilespmem:s0+$0xCBE0]  }
0x20d: {  	v16 =	vld [tilespmem:s0+$0xCC20];
	v0 =	vadd.f32 v10, v0;
	v1 =	vadd.f32 v11, v1  }
0x20e: {  	v17 =	vld [tilespmem:s0+$0xCC60]  }
0x20f: {  	v18 =	vld [tilespmem:s0+$0xCCA0];
	v0 =	vadd.f32 v12, v0;
	v1 =	vadd.f32 v13, v1  }
0x210: {  	v3 =	vadd.f32 v57, v3;
	v19 =	vld [tilespmem:s0+$0xCCE0]  }
0x211: {  	v55 =	vld [tilespmem:s2+$0xC980];
	v0 =	vadd.f32 v14, v0;
	v1 =	vadd.f32 v15, v1  }
0x212: {  	v3 =	vadd.f32 v59, v3;
	v12 =	vld [tilespmem:s18+$0xCAC0]  }
0x213: {  	v13 =	vld [tilespmem:s18+$0xCB00];
	v0 =	vadd.f32 v16, v0;
	v1 =	vadd.f32 v17, v1  }
0x214: {  	v59 =	vld [tilespmem:s2+$0xCA40];
	v3 =	vadd.f32 v61, v3  }
0x215: {  	v15 =	vld [tilespmem:s18+$0xCB40];
	v0 =	vadd.f32 v18, v0;
	v1 =	vadd.f32 v19, v1  }
0x216: {  	v61 =	vld [tilespmem:s2+$0xCAC0];
	v3 =	vadd.f32 v63, v3  }
0x217: {  	v63 =	vld [tilespmem:s2+$0xCB40];
	v0 =	vadd.f32 v1, v0  }
0x218: {  	v52 =	vld [tilespmem:s2+$0xC8C0];
	v2 =	vadd.f32 v12, v2;
	v3 =	vadd.f32 v13, v3  }
0x219: {  	v53 =	vld [tilespmem:s2+$0xC900];
	[tilespmem:s6+$0x17020] =	vst v0  }
0x21a: {  	v2 =	vadd.f32 v15, v2;
	v26 =	vadd.f32 v20, v3;
	v3 =	vld [tilespmem:s0+$0xC830]  }
0x21b: {  	v1 =	vld [tilespmem:s0+$0xC870]  }
0x21c: {  	v2 =	vadd.f32 v21, v2;
	v6 =	vld [tilespmem:s0+$0xC8B0]  }
0x21d: {  	v5 =	vld [tilespmem:s0+$0xC8F0]  }
0x21e: {  	v27 =	vadd.f32 v22, v26;
	v2 =	vadd.f32 v23, v2;
	v7 =	vld [tilespmem:s0+$0xC930]  }
0x21f: {  	v4 =	vld [tilespmem:s0+$0xC970]  }
0x220: {  	v0 =	vadd.f32 v24, v27;
	v14 =	vld [tilespmem:s0+$0xC9B0];
	v2 =	vadd.f32 v25, v2  }
0x221: {  	v12 =	vld [tilespmem:s0+$0xC9F0]  }
0x222: {  	v13 =	vld [tilespmem:s0+$0xCA30];
	v0 =	vadd.f32 v2, v0  }
0x223: {  	v10 =	vld [tilespmem:s0+$0xCA70]  }
0x224: {  	v11 =	vld [tilespmem:s0+$0xCAB0];
	[tilespmem:s9+$0x17000] =	vst v0  }
0x225: {  	v0 =	vld [tilespmem:s18+$0xC810]  }
0x226: {  	v28 =	vld [tilespmem:s18+$0xC850]  }
0x227: {  	v29 =	vld [tilespmem:s18+$0xC890]  }
0x228: {  	v30 =	vld [tilespmem:s18+$0xC8D0]  }
0x229: {  	v31 =	vld [tilespmem:s18+$0xC910]  }
0x22a: {  	v32 =	vld [tilespmem:s18+$0xC950]  }
0x22b: {  	v33 =	vld [tilespmem:s18+$0xC990]  }
0x22c: {  	v34 =	vld [tilespmem:s18+$0xC9D0]  }
0x22d: {  	v35 =	vld [tilespmem:s18+$0xCA10];
	v0 =	vadd.f32 v29, v0;
	v2 =	vadd.f32 v30, v28  }
0x22e: {  	v36 =	vld [tilespmem:s18+$0xCA50]  }
0x22f: {  	v37 =	vld [tilespmem:s18+$0xCA90];
	v0 =	vadd.f32 v31, v0;
	v2 =	vadd.f32 v32, v2  }
0x230: {  	v38 =	vld [tilespmem:s18+$0xCAD0]  }
0x231: {  	v39 =	vld [tilespmem:s18+$0xCB10];
	v0 =	vadd.f32 v33, v0;
	v2 =	vadd.f32 v34, v2  }
0x232: {  	v40 =	vld [tilespmem:s18+$0xCB50]  }
0x233: {  	v41 =	vld [tilespmem:s18+$0xCB90];
	v0 =	vadd.f32 v35, v0;
	v2 =	vadd.f32 v36, v2  }
0x234: {  	v42 =	vld [tilespmem:s18+$0xCBD0]  }
0x235: {  	v43 =	vld [tilespmem:s18+$0xCC10];
	v0 =	vadd.f32 v37, v0;
	v2 =	vadd.f32 v38, v2  }
0x236: {  	v44 =	vld [tilespmem:s18+$0xCC50]  }
0x237: {  	v45 =	vld [tilespmem:s18+$0xCC90];
	v0 =	vadd.f32 v39, v0;
	v2 =	vadd.f32 v40, v2  }
0x238: {  	v46 =	vld [tilespmem:s18+$0xCCD0]  }
0x239: {  	v35 =	vld [tilespmem:s2+$0xC800];
	v0 =	vadd.f32 v41, v0;
	v2 =	vadd.f32 v42, v2  }
0x23a: {  	v37 =	vld [tilespmem:s2+$0xC880]  }
0x23b: {  	v8 =	vld [tilespmem:s0+$0xCAF0];
	v0 =	vadd.f32 v43, v0;
	v2 =	vadd.f32 v44, v2  }
0x23c: {  	v9 =	vld [tilespmem:s0+$0xCB30]  }
0x23d: {  	v19 =	vld [tilespmem:s0+$0xCBF0];
	v0 =	vadd.f32 v45, v0;
	v2 =	vadd.f32 v46, v2  }
0x23e: {  	v36 =	vld [tilespmem:s2+$0xC840]  }
0x23f: {  	v57 =	vadd.f32 v37, v35;
	v35 =	vld [tilespmem:s2+$0xCCC0];
	v15 =	vadd.f32 v2, v0  }
0x240: {  	v2 =	vld [tilespmem:s0+$0xCB70]  }
0x241: {  	v0 =	vld [tilespmem:s0+$0xCBB0];
	[tilespmem:s9+$0x17010] =	vst v15  }
0x242: {  	v15 =	vld [tilespmem:s18+$0xC820]  }
0x243: {  	v47 =	vld [tilespmem:s18+$0xC860]  }
0x244: {  	v48 =	vld [tilespmem:s18+$0xC8A0]  }
0x245: {  	v49 =	vld [tilespmem:s18+$0xC8E0]  }
0x246: {  	v50 =	vld [tilespmem:s18+$0xC920]  }
0x247: {  	v51 =	vld [tilespmem:s18+$0xC960]  }
0x248: {  	v21 =	vld [tilespmem:s18+$0xC9A0]  }
0x249: {  	v22 =	vld [tilespmem:s18+$0xC9E0]  }
0x24a: {  	v23 =	vld [tilespmem:s18+$0xCA20];
	v15 =	vadd.f32 v48, v15;
	v16 =	vadd.f32 v49, v47  }
0x24b: {  	v24 =	vld [tilespmem:s18+$0xCA60]  }
0x24c: {  	v25 =	vld [tilespmem:s18+$0xCAA0];
	v15 =	vadd.f32 v50, v15;
	v16 =	vadd.f32 v51, v16  }
0x24d: {  	v26 =	vld [tilespmem:s18+$0xCAE0]  }
0x24e: {  	v27 =	vld [tilespmem:s18+$0xCB20];
	v15 =	vadd.f32 v21, v15;
	v16 =	vadd.f32 v22, v16  }
0x24f: {  	v17 =	vadd.f32 v52, v36;
	v28 =	vld [tilespmem:s18+$0xCB60]  }
0x250: {  	v29 =	vld [tilespmem:s18+$0xCBA0];
	v15 =	vadd.f32 v23, v15;
	v16 =	vadd.f32 v24, v16  }
0x251: {  	v17 =	vadd.f32 v54, v17;
	v18 =	vadd.f32 v53, v57;
	v30 =	vld [tilespmem:s18+$0xCBE0]  }
0x252: {  	v31 =	vld [tilespmem:s18+$0xCC20];
	v15 =	vadd.f32 v25, v15;
	v16 =	vadd.f32 v26, v16  }
0x253: {  	v17 =	vadd.f32 v56, v17;
	v18 =	vadd.f32 v55, v18;
	v32 =	vld [tilespmem:s18+$0xCC60]  }
0x254: {  	v33 =	vld [tilespmem:s18+$0xCCA0];
	v15 =	vadd.f32 v27, v15;
	v16 =	vadd.f32 v28, v16  }
0x255: {  	v17 =	vadd.f32 v59, v17;
	v18 =	vadd.f32 v58, v18;
	v34 =	vld [tilespmem:s18+$0xCCE0]  }
0x256: {  	v28 =	vld [tilespmem:s2+$0xCB80];
	v15 =	vadd.f32 v29, v15;
	v16 =	vadd.f32 v30, v16  }
0x257: {  	v17 =	vadd.f32 v61, v17;
	v18 =	vadd.f32 v60, v18;
	v29 =	vld [tilespmem:s2+$0xCBC0]  }
0x258: {  	v30 =	vld [tilespmem:s2+$0xCC00];
	v15 =	vadd.f32 v31, v15;
	v16 =	vadd.f32 v32, v16  }
0x259: {  	v17 =	vadd.f32 v63, v17;
	v18 =	vadd.f32 v62, v18;
	v31 =	vld [tilespmem:s2+$0xCC40]  }
0x25a: {  	v32 =	vld [tilespmem:s2+$0xCC80];
	v15 =	vadd.f32 v33, v15;
	v16 =	vadd.f32 v34, v16  }
0x25b: {  	v23 =	vadd.f32 v28, v18;
	v18 =	vld [tilespmem:s0+$0xCC70]  }
0x25c: {  	v24 =	vadd.f32 v29, v17;
	v17 =	vld [tilespmem:s0+$0xCC30];
	v36 =	vadd.f32 v16, v15  }
0x25d: {  	v15 =	vld [tilespmem:s0+$0xCCB0]  }
0x25e: {  	v16 =	vld [tilespmem:s0+$0xCCF0];
	[tilespmem:s9+$0x17020] =	vst v36  }
0x25f: {  	v20 =	vld [tilespmem:s18+$0xC830]  }
0x260: {  	v22 =	vadd.f32 v30, v23;
	v21 =	vld [tilespmem:s18+$0xC870]  }
0x261: {  	v30 =	vld [tilespmem:s18+$0xC930]  }
0x262: {  	v22 =	vadd.f32 v32, v22;
	v32 =	vld [tilespmem:s18+$0xC970]  }
0x263: {  	v37 =	vadd.f32 v31, v24;
	v28 =	vld [tilespmem:s18+$0xC9B0]  }
0x264: {  	v31 =	vld [tilespmem:s18+$0xC9F0]  }
0x265: {  	v23 =	vadd.f32 v35, v37;
	v27 =	vld [tilespmem:s18+$0xCA30]  }
0x266: {  	v29 =	vld [tilespmem:s18+$0xCA70]  }
0x267: {  	s13 =	sshll.u32 s12, $0x6;
	v26 =	vld [tilespmem:s18+$0xCAF0];
	v38 =	vadd.f32 v23, v22  }
0x268: {  	s0 =	sand.u32 $0x3FFFFFC0, s13;
	v37 =	vld [tilespmem:s18+$0xCBB0]  }
0x269: {  	v22 =	vld [tilespmem:s18+$0xC8B0];
	[tilespmem:s0+$0x17000] =	vst v38  }
0x26a: {  	v24 =	vld [tilespmem:s2+$0xC810]  }
0x26b: {  	v39 =	vld [tilespmem:s2+$0xC850]  }
0x26c: {  	v40 =	vld [tilespmem:s2+$0xC890]  }
0x26d: {  	v41 =	vld [tilespmem:s2+$0xC8D0]  }
0x26e: {  	v42 =	vld [tilespmem:s2+$0xC910]  }
0x26f: {  	v43 =	vld [tilespmem:s2+$0xC950]  }
0x270: {  	v44 =	vld [tilespmem:s2+$0xC990]  }
0x271: {  	v45 =	vld [tilespmem:s2+$0xC9D0]  }
0x272: {  	v46 =	vld [tilespmem:s2+$0xCA10];
	v24 =	vadd.f32 v40, v24;
	v25 =	vadd.f32 v41, v39  }
0x273: {  	v47 =	vld [tilespmem:s2+$0xCA50]  }
0x274: {  	v48 =	vld [tilespmem:s2+$0xCA90];
	v24 =	vadd.f32 v42, v24;
	v25 =	vadd.f32 v43, v25  }
0x275: {  	v49 =	vld [tilespmem:s2+$0xCAD0]  }
0x276: {  	v50 =	vld [tilespmem:s2+$0xCB10];
	v24 =	vadd.f32 v44, v24;
	v25 =	vadd.f32 v45, v25  }
0x277: {  	v51 =	vld [tilespmem:s2+$0xCB50]  }
0x278: {  	v52 =	vld [tilespmem:s2+$0xCB90];
	v24 =	vadd.f32 v46, v24;
	v25 =	vadd.f32 v47, v25  }
0x279: {  	v53 =	vld [tilespmem:s2+$0xCBD0]  }
0x27a: {  	v54 =	vld [tilespmem:s2+$0xCC10];
	v24 =	vadd.f32 v48, v24;
	v25 =	vadd.f32 v49, v25  }
0x27b: {  	s13 =	sor.u32 $0x3, s16;
	v55 =	vld [tilespmem:s2+$0xCC50]  }
0x27c: {  	s30 =	smul.u32 $0x1400, s13;
	v56 =	vld [tilespmem:s2+$0xCC90];
	v24 =	vadd.f32 v50, v24;
	v25 =	vadd.f32 v51, v25  }
0x27d: {  	v57 =	vld [tilespmem:s2+$0xCCD0]  }
0x27e: {  	s12 =	sshra.s32 s30, $0x2;
	v23 =	vld [tilespmem:s18+$0xC8F0];
	v24 =	vadd.f32 v52, v24;
	v25 =	vadd.f32 v53, v25  }
0x27f: {  	v53 =	vld [tilespmem:s12+$0xC800]  }
0x280: {  	v24 =	vadd.f32 v54, v24;
	v25 =	vadd.f32 v55, v25;
	v54 =	vld [tilespmem:s12+$0xC840]  }
0x281: {  	v55 =	vld [tilespmem:s12+$0xC880]  }
0x282: {  	v24 =	vadd.f32 v56, v24;
	v58 =	vadd.f32 v57, v25;
	v25 =	vld [tilespmem:s18+$0xCAB0]  }
0x283: {  	v56 =	vld [tilespmem:s12+$0xC8C0]  }
0x284: {  	v57 =	vld [tilespmem:s12+$0xC900];
	v59 =	vadd.f32 v58, v24  }
0x285: {  	v58 =	vld [tilespmem:s12+$0xC940]  }
0x286: {  	[tilespmem:s0+$0x17010] =	vst v59;
	v59 =	vld [tilespmem:s12+$0xC980]  }
0x287: {  	v33 =	vld [tilespmem:s2+$0xC820]  }
0x288: {  	v60 =	vld [tilespmem:s2+$0xC860]  }
0x289: {  	v61 =	vld [tilespmem:s2+$0xC8A0]  }
0x28a: {  	v62 =	vld [tilespmem:s2+$0xC8E0]  }
0x28b: {  	v63 =	vld [tilespmem:s2+$0xC920]  }
0x28c: {  	v38 =	vld [tilespmem:s2+$0xC960]  }
0x28d: {  	v39 =	vld [tilespmem:s2+$0xC9A0]  }
0x28e: {  	v40 =	vld [tilespmem:s2+$0xC9E0]  }
0x28f: {  	v41 =	vld [tilespmem:s2+$0xCA20]  }
0x290: {  	v42 =	vld [tilespmem:s2+$0xCA60]  }
0x291: {  	v43 =	vld [tilespmem:s2+$0xCAA0]  }
0x292: {  	v44 =	vld [tilespmem:s2+$0xCAE0]  }
0x293: {  	v45 =	vld [tilespmem:s2+$0xCB20]  }
0x294: {  	v46 =	vld [tilespmem:s2+$0xCB60]  }
0x295: {  	v47 =	vld [tilespmem:s2+$0xCBA0]  }
0x296: {  	v48 =	vld [tilespmem:s2+$0xCBE0]  }
0x297: {  	v49 =	vld [tilespmem:s2+$0xCC20]  }
0x298: {  	v50 =	vld [tilespmem:s2+$0xCC60]  }
0x299: {  	v51 =	vld [tilespmem:s2+$0xCCA0];
	v33 =	vadd.f32 v61, v33;
	v34 =	vadd.f32 v62, v60  }
0x29a: {  	v60 =	vld [tilespmem:s12+$0xC9C0];
	v61 =	vadd.f32 v55, v53;
	v62 =	vadd.f32 v56, v54  }
0x29b: {  	v33 =	vadd.f32 v63, v33;
	v34 =	vadd.f32 v38, v34;
	v63 =	vld [tilespmem:s12+$0xCA00]  }
0x29c: {  	v55 =	vld [tilespmem:s12+$0xCA40];
	v38 =	vadd.f32 v57, v61  }
0x29d: {  	v56 =	vld [tilespmem:s12+$0xCA80];
	v35 =	vadd.f32 v58, v62;
	v34 =	vadd.f32 v40, v34  }
0x29e: {  	v57 =	vld [tilespmem:s12+$0xCAC0];
	v33 =	vadd.f32 v39, v33;
	v36 =	vadd.f32 v59, v38  }
0x29f: {  	v58 =	vld [tilespmem:s12+$0xCB00];
	v35 =	vadd.f32 v60, v35;
	v34 =	vadd.f32 v42, v34  }
0x2a0: {  	v59 =	vld [tilespmem:s12+$0xCB40];
	v33 =	vadd.f32 v41, v33;
	v36 =	vadd.f32 v63, v36  }
0x2a1: {  	v60 =	vld [tilespmem:s12+$0xCB80];
	v35 =	vadd.f32 v55, v35;
	v34 =	vadd.f32 v44, v34  }
0x2a2: {  	v61 =	vld [tilespmem:s12+$0xCBC0];
	v33 =	vadd.f32 v43, v33;
	v36 =	vadd.f32 v56, v36  }
0x2a3: {  	v62 =	vld [tilespmem:s12+$0xCC00];
	v35 =	vadd.f32 v57, v35;
	v34 =	vadd.f32 v46, v34  }
0x2a4: {  	v63 =	vld [tilespmem:s12+$0xCC40];
	v33 =	vadd.f32 v45, v33;
	v36 =	vadd.f32 v58, v36  }
0x2a5: {  	v52 =	vld [tilespmem:s2+$0xCCE0];
	v35 =	vadd.f32 v59, v35;
	v34 =	vadd.f32 v48, v34  }
0x2a6: {  	v33 =	vadd.f32 v47, v33;
	v48 =	vld [tilespmem:s12+$0xCC80];
	v36 =	vadd.f32 v60, v36  }
0x2a7: {  	v35 =	vadd.f32 v61, v35;
	v34 =	vadd.f32 v50, v34;
	v50 =	vld [tilespmem:s12+$0xCCC0]  }
0x2a8: {  	v24 =	vld [tilespmem:s18+$0xCB30];
	v33 =	vadd.f32 v49, v33  }
0x2a9: {  	v40 =	vld [tilespmem:s18+$0xCBF0];
	v36 =	vadd.f32 v62, v36;
	v35 =	vadd.f32 v63, v35  }
0x2aa: {  	v38 =	vld [tilespmem:s18+$0xCC30];
	v33 =	vadd.f32 v51, v33;
	v34 =	vadd.f32 v52, v34  }
0x2ab: {  	v39 =	vld [tilespmem:s18+$0xCC70];
	v53 =	vadd.f32 v48, v36  }
0x2ac: {  	v41 =	vld [tilespmem:s18+$0xCB70];
	v33 =	vadd.f32 v34, v33;
	v54 =	vadd.f32 v50, v35  }
0x2ad: {  	v36 =	vld [tilespmem:s18+$0xCCF0]  }
0x2ae: {  	s13 =	sshll.u32 s13, $0x6;
	v35 =	vld [tilespmem:s18+$0xCCB0];
	[tilespmem:s0+$0x17020] =	vst v33;
	v42 =	vadd.f32 v54, v53  }
0x2af: {  	s13 =	sand.u32 $0x3FFFFFC0, s13;
	v33 =	vld [tilespmem:s2+$0xC830]  }
0x2b0: {  	v34 =	vld [tilespmem:s2+$0xC870];
	[tilespmem:s13+$0x17000] =	vst v42  }
0x2b1: {  	v42 =	vld [tilespmem:s12+$0xC810]  }
0x2b2: {  	v55 =	vld [tilespmem:s12+$0xC850]  }
0x2b3: {  	v56 =	vld [tilespmem:s12+$0xC890]  }
0x2b4: {  	v57 =	vld [tilespmem:s12+$0xC8D0]  }
0x2b5: {  	v58 =	vld [tilespmem:s12+$0xC910]  }
0x2b6: {  	v59 =	vld [tilespmem:s12+$0xC950]  }
0x2b7: {  	v60 =	vld [tilespmem:s12+$0xC990]  }
0x2b8: {  	v61 =	vld [tilespmem:s12+$0xC9D0]  }
0x2b9: {  	v62 =	vld [tilespmem:s12+$0xCA10];
	v42 =	vadd.f32 v56, v42;
	v43 =	vadd.f32 v57, v55  }
0x2ba: {  	v63 =	vld [tilespmem:s12+$0xCA50]  }
0x2bb: {  	v52 =	vld [tilespmem:s12+$0xCA90];
	v42 =	vadd.f32 v58, v42;
	v43 =	vadd.f32 v59, v43  }
0x2bc: {  	v53 =	vld [tilespmem:s12+$0xCAD0]  }
0x2bd: {  	v54 =	vld [tilespmem:s12+$0xCB10];
	v42 =	vadd.f32 v60, v42;
	v43 =	vadd.f32 v61, v43  }
0x2be: {  	v55 =	vld [tilespmem:s12+$0xCB50]  }
0x2bf: {  	v56 =	vld [tilespmem:s12+$0xCB90];
	v42 =	vadd.f32 v62, v42;
	v43 =	vadd.f32 v63, v43  }
0x2c0: {  	v57 =	vld [tilespmem:s12+$0xCBD0]  }
0x2c1: {  	v58 =	vld [tilespmem:s12+$0xCC10];
	v42 =	vadd.f32 v52, v42;
	v43 =	vadd.f32 v53, v43  }
0x2c2: {  	v59 =	vld [tilespmem:s12+$0xCC50]  }
0x2c3: {  	v60 =	vld [tilespmem:s12+$0xCC90];
	v42 =	vadd.f32 v54, v42;
	v43 =	vadd.f32 v55, v43  }
0x2c4: {  	v61 =	vld [tilespmem:s12+$0xCCD0]  }
0x2c5: {  	v50 =	vld [tilespmem:s2+$0xC8B0];
	v42 =	vadd.f32 v56, v42;
	v43 =	vadd.f32 v57, v43  }
0x2c6: {  	v3 =	vadd.f32 v6, v3;
	v44 =	vld [tilespmem:s2+$0xC8F0]  }
0x2c7: {  	v45 =	vld [tilespmem:s2+$0xC930];
	v42 =	vadd.f32 v58, v42;
	v43 =	vadd.f32 v59, v43  }
0x2c8: {  	v3 =	vadd.f32 v7, v3;
	v46 =	vld [tilespmem:s2+$0xC970]  }
0x2c9: {  	v47 =	vld [tilespmem:s2+$0xC9B0];
	v42 =	vadd.f32 v60, v42;
	v43 =	vadd.f32 v61, v43  }
0x2ca: {  	v48 =	vld [tilespmem:s2+$0xC9F0]  }
0x2cb: {  	v3 =	vadd.f32 v14, v3;
	v49 =	vld [tilespmem:s2+$0xCA30];
	v42 =	vadd.f32 v43, v42  }
0x2cc: {  	v51 =	vld [tilespmem:s2+$0xCAB0]  }
0x2cd: {  	v3 =	vadd.f32 v13, v3;
	v13 =	vld [tilespmem:s2+$0xCBB0];
	[tilespmem:s13+$0x17010] =	vst v42  }
0x2ce: {  	v42 =	vld [tilespmem:s12+$0xC820]  }
0x2cf: {  	v52 =	vld [tilespmem:s12+$0xC860]  }
0x2d0: {  	v62 =	vld [tilespmem:s12+$0xC8A0]  }
0x2d1: {  	v63 =	vld [tilespmem:s12+$0xC8E0]  }
0x2d2: {  	v55 =	vld [tilespmem:s12+$0xC920]  }
0x2d3: {  	v6 =	vld [tilespmem:s12+$0xC960]  }
0x2d4: {  	v56 =	vld [tilespmem:s12+$0xC9A0]  }
0x2d5: {  	v1 =	vadd.f32 v5, v1;
	v60 =	vld [tilespmem:s12+$0xC9E0]  }
0x2d6: {  	v54 =	vld [tilespmem:s12+$0xCA60];
	v61 =	vadd.f32 v62, v42;
	v62 =	vadd.f32 v63, v52  }
0x2d7: {  	v1 =	vadd.f32 v4, v1;
	v63 =	vld [tilespmem:s12+$0xCA20]  }
0x2d8: {  	v57 =	vld [tilespmem:s12+$0xCAA0];
	v7 =	vadd.f32 v55, v61;
	v6 =	vadd.f32 v6, v62  }
0x2d9: {  	v1 =	vadd.f32 v12, v1;
	v58 =	vld [tilespmem:s12+$0xCAE0]  }
0x2da: {  	v59 =	vld [tilespmem:s12+$0xCB20];
	v7 =	vadd.f32 v56, v7;
	v5 =	vadd.f32 v60, v6  }
0x2db: {  	v1 =	vadd.f32 v10, v1;
	v60 =	vld [tilespmem:s12+$0xCB60]  }
0x2dc: {  	v61 =	vld [tilespmem:s12+$0xCBA0];
	v7 =	vadd.f32 v63, v7;
	v4 =	vadd.f32 v54, v5  }
0x2dd: {  	v1 =	vadd.f32 v8, v1;
	v62 =	vld [tilespmem:s12+$0xCBE0]  }
0x2de: {  	v52 =	vld [tilespmem:s12+$0xCC60];
	v7 =	vadd.f32 v57, v7;
	v4 =	vadd.f32 v58, v4  }
0x2df: {  	v22 =	vadd.f32 v22, v20;
	v42 =	vadd.f32 v23, v21;
	v63 =	vld [tilespmem:s12+$0xCC20]  }
0x2e0: {  	v53 =	vld [tilespmem:s12+$0xCCA0];
	v6 =	vadd.f32 v59, v7;
	v4 =	vadd.f32 v60, v4  }
0x2e1: {  	v55 =	vadd.f32 v32, v42;
	v56 =	vld [tilespmem:s12+$0xCCE0];
	v54 =	vadd.f32 v30, v22  }
0x2e2: {  	v12 =	vld [tilespmem:s2+$0xCC30];
	v5 =	vadd.f32 v61, v6;
	v4 =	vadd.f32 v62, v4  }
0x2e3: {  	v43 =	vld [tilespmem:s2+$0xCA70];
	v58 =	vadd.f32 v28, v54;
	v59 =	vadd.f32 v31, v55  }
0x2e4: {  	v57 =	vld [tilespmem:s2+$0xCAF0];
	v5 =	vadd.f32 v63, v5;
	v4 =	vadd.f32 v52, v4  }
0x2e5: {  	v60 =	vld [tilespmem:s2+$0xCB30];
	v8 =	vadd.f32 v27, v58;
	v10 =	vadd.f32 v29, v59  }
0x2e6: {  	v7 =	vld [tilespmem:s2+$0xCBF0];
	v5 =	vadd.f32 v53, v5;
	v4 =	vadd.f32 v56, v4  }
0x2e7: {  	v3 =	vadd.f32 v11, v3;
	v61 =	vld [tilespmem:s2+$0xCB70];
	v8 =	vadd.f32 v25, v8  }
0x2e8: {  	v25 =	vld [tilespmem:s2+$0xCCB0];
	v10 =	vadd.f32 v26, v10;
	v62 =	vadd.f32 v4, v5  }
0x2e9: {  	v3 =	vadd.f32 v9, v3;
	v1 =	vadd.f32 v2, v1;
	v63 =	vld [tilespmem:s2+$0xCC70]  }
0x2ea: {  	v23 =	vadd.f32 v24, v8;
	v26 =	vld [tilespmem:s2+$0xCCF0];
	v24 =	vadd.f32 v41, v10;
	[tilespmem:s13+$0x17020] =	vst v62  }
0x2eb: {  	v0 =	vadd.f32 v0, v3;
	v1 =	vadd.f32 v19, v1;
	v29 =	vld [tilespmem:s12+$0xC830]  }
0x2ec: {  	v27 =	vadd.f32 v37, v23;
	v28 =	vadd.f32 v40, v24;
	v30 =	vld [tilespmem:s12+$0xC870]  }
0x2ed: {  	v1 =	vadd.f32 v18, v1;
	v0 =	vadd.f32 v17, v0;
	v31 =	vld [tilespmem:s12+$0xC8B0]  }
0x2ee: {  	v2 =	vadd.f32 v38, v27;
	v3 =	vadd.f32 v39, v28;
	v32 =	vld [tilespmem:s12+$0xC8F0]  }
0x2ef: {  	v1 =	vadd.f32 v16, v1;
	v0 =	vadd.f32 v15, v0;
	v37 =	vld [tilespmem:s12+$0xC970]  }
0x2f0: {  	v2 =	vadd.f32 v35, v2;
	v3 =	vadd.f32 v36, v3;
	v36 =	vld [tilespmem:s12+$0xC930]  }
0x2f1: {  	v0 =	vadd.f32 v1, v0;
	v41 =	vadd.f32 v44, v34;
	v39 =	vld [tilespmem:s12+$0xC9B0]  }
0x2f2: {  	v40 =	vadd.f32 v50, v33;
	v42 =	vld [tilespmem:s12+$0xC9F0];
	v38 =	vadd.f32 v3, v2  }
0x2f3: {  	v44 =	vld [tilespmem:s12+$0xCA30];
	v5 =	vadd.f32 v31, v29;
	v8 =	vadd.f32 v32, v30  }
0x2f4: {  	v3 =	vadd.f32 v45, v40;
	v45 =	vadd.f32 v46, v41;
	v46 =	vld [tilespmem:s12+$0xCA70]  }
0x2f5: {  	v50 =	vld [tilespmem:s12+$0xCAB0];
	v5 =	vadd.f32 v36, v5;
	v8 =	vadd.f32 v37, v8  }
0x2f6: {  	v52 =	vld [tilespmem:s12+$0xCAF0];
	v3 =	vadd.f32 v47, v3;
	v17 =	vadd.f32 v48, v45  }
0x2f7: {  	v54 =	vld [tilespmem:s12+$0xCB30];
	v2 =	vadd.f32 v39, v5;
	v53 =	vadd.f32 v42, v8  }
0x2f8: {  	v55 =	vld [tilespmem:s12+$0xCB70];
	v3 =	vadd.f32 v49, v3;
	v17 =	vadd.f32 v43, v17  }
0x2f9: {  	v56 =	vld [tilespmem:s12+$0xCBB0];
	v2 =	vadd.f32 v44, v2;
	v5 =	vadd.f32 v46, v53  }
0x2fa: {  	v3 =	vadd.f32 v51, v3;
	v6 =	vadd.f32 v57, v17;
	v57 =	vld [tilespmem:s12+$0xCBF0]  }
0x2fb: {  	v58 =	vld [tilespmem:s12+$0xCC30];
	v2 =	vadd.f32 v50, v2;
	v5 =	vadd.f32 v52, v5  }
0x2fc: {  	v59 =	vld [tilespmem:s12+$0xCC70];
	v3 =	vadd.f32 v60, v3;
	v6 =	vadd.f32 v61, v6  }
0x2fd: {  	v60 =	vld [tilespmem:s12+$0xCCB0];
	v2 =	vadd.f32 v54, v2;
	v5 =	vadd.f32 v55, v5  }
0x2fe: {  	v61 =	vld [tilespmem:s12+$0xCCF0];
	v3 =	vadd.f32 v13, v3;
	v6 =	vadd.f32 v7, v6  }
0x2ff: {  	v2 =	vadd.f32 v56, v2;
	v5 =	vadd.f32 v57, v5  }
0x300: {  	v3 =	vadd.f32 v12, v3;
	v4 =	vadd.f32 v63, v6  }
0x301: {  	v2 =	vadd.f32 v58, v2;
	v5 =	vadd.f32 v59, v5  }
0x302: {  	p0 =	slt.u32 s16, $0x1C;
	v3 =	vadd.f32 v25, v3;
	v4 =	vadd.f32 v26, v4  }
.Ltmp5:
0x303: {  	v2 =	vadd.f32 v60, v2;
	v5 =	vadd.f32 v61, v5;
	(pc) =	sbr.rel @p0 .LBB2_10-.Ltmp5, $4  }
0x304: {  	[tilespmem:s6+$0x17030] =	vst v0;
	v62 =	vadd.f32 v4, v3  }
0x305: {  	[tilespmem:s9+$0x17030] =	vst v38;
	v63 =	vadd.f32 v5, v2  }
0x306: {  	s30 =	sadd.s32 $0x4, s16;
	[tilespmem:s0+$0x17030] =	vst v62  }
0x307: {  	s16 =	smov.u32 s30;
	[tilespmem:s13+$0x17030] =	vst v63  }
0x308: {  	s1 =	sadd.s32 $0x1, s1  }
0x309: {  	p0 =	sne.s32 s1, $0x34  }
.Ltmp6:
0x30a: {  	s0 =	sshll.u32 s14, $0xB;
	(pc) =	sbr.rel @p0 .LBB2_2-.Ltmp6, $4  }
0x30b: {  	s0 =	sadd.s32 s8, s0  }
0x30c: {  	s0 =	sshrl.u32 s0, $0x3  }
0x30d: {  	s0 =	sadd.s32 s5, s0  }
0x30e: {  	[hbm4b:s0+s3] =	stream.linear.scatter [tilespmem:s29], [sflag:$0x4], $0x800, $0x38;
	[tilespmem:$0x17800] =	vst v63  }
0x30f: {  	s0 =	simm.s32 $0x3  }
0x310: {  	_ =	swait.ge [sflag:s0], $0x800  }
0x311: {  	[sflag:s0] =	ssyncset.done $0x0  }
0x312: {  	[sflag:s0] =	ssyncadd.s32 $0xFFFFF800  }
0x313: {  	_ =	swait.ge [sflag:s31], $0x800  }
0x314: {  	s1 =	rddreg [dreg:$0x5]  }
0x315: {  	s30 =	rddreg [dreg:$0x4];
	s1 =	sadd.s32 $0x1, s1  }
0x316: {  	p0 =	sne.s32 s1, s30  }
.Ltmp7:
0x317: {  	_ = 	snop;
	(pc) =	sbr.rel @p0 .LBB2_1-.Ltmp7, $3  }
0x318: {  	_ =	sdelay $0x1  }
0x319: {  	[sflag:s31] =	ssyncset.done $0x0  }
0x31a: {  	[sflag:s31] =	ssyncadd.s32 $0xFFFFF800  }
0x31b: {  	_ =	sfence.sel $0x180000  }
0x31c: {  	[bflag:$0x0] =	sbarrier.arrive $0xFFFF  }
0x31d: {  	_ =	strace $0x90000047  }
0x31e: {  	s0 =	stileid.u32;
	[bflag:$0x2] =	sbarrier.arrive $0xFFFF  }
0x31f: {  	p0 =	sne.s32 s0, $0x0;
	s0 =	rddreg [dreg:$0x2]  }
0x320: {  	s0 =	sadd.s32 @!p0 $0x100000, s0  }
0x321: {  	[sflag:s0] =	ssyncadd.tile.s32 @!p0 $0x1;
	_ =	shalt  }
.Lfunc_end2:
_tile_overlayer_lowered:
.L_overlay_start_2:
0x322: {  	(tag) =	ssettag $0x2  }
0x323: {  	s0 =	rddreg [dreg:$0x0];
	s2 =	stileid.u32  }
0x324: {  	s1 =	rddreg [dreg:$0x1];
	p0 =	sne.s32 s2, $0x0  }
0x325: {  	s3 =	rddreg [dreg:$0x2];
	[bflag:$0x3] =	sbarrier.arrive $0xFFFF;
	s2 =	simm.s32 @!p0 $0x1C05  }
0x326: {  	[timem:s3], [sflag:s2] =	dma.local @!p0 [hbm:s0], s1  }
0x327: {  	s0 =	simm.s32 @!p0 $0x5  }
0x328: {  	_ =	swait.ge @!p0 [sflag:s0], s1  }
0x329: {  	s1 =	ssub.s32 @!p0 $0x0, s1;
	[sflag:s0] =	ssyncset.done @!p0 $0x0  }
0x32a: {  	[sflag:s0] =	ssyncadd.s32 @!p0 s1  }
0x32b: {  	[bflag:$0x3] =	sbarrier.arrive $0xFFFF  }
0x32c: {  	_ =	shalt  }

</sc_bundles>
